<compile_context>
chip_gen: v7x
topology: tpu7x:2x2x1
jax: 0.10.2.dev20260603
libtpu: 0.0.44.dev20260713+nightly
codegen_flags: <defaults>
</compile_context>

<pallas_src>
import functools

import jax
import jax.numpy as jnp
from jax import lax
from jax.experimental import pallas as pl
from jax.experimental.pallas import tpu as pltpu
from jax.experimental.pallas import tpu_sc as plsc

_NROWS = 26
_W = 16384
_Q = _W // 4
_TOTAL_U = _NROWS * 16
_NSLOT = 15
_NACT = 2 * _NSLOT
_KMAX = 14
_NB = 3

_mesh = plsc.VectorSubcoreMesh(core_axis_name="c", subcore_axis_name="s")


@functools.partial(
    pl.kernel,
    out_type=jax.ShapeDtypeStruct((_NROWS * 32, _W), jnp.float32),
    mesh=_mesh,
    scratch_types=[
        pltpu.VMEM((16,), jnp.int32),
        pltpu.VMEM_SHARED((_NSLOT, _NB, 8, _Q), jnp.float32),
        pltpu.SemaphoreType.DMA((_NB,)),
        pltpu.SemaphoreType.DMA((_NB,)),
    ],
)
def _sc_gather(table, idx_hbm, out, idxv, shared, gsem, psem):
    sid = lax.axis_index("s")
    cid = lax.axis_index("c")
    vid = cid * _NSLOT + sid
    active = sid < _NSLOT

    @pl.when(active)
    def _():
        pltpu.sync_copy(idx_hbm.at[vid], idxv)

    srows = idxv[...]

    def unit(j):
        return j * _NACT + vid

    def valid(j):
        if j >= _KMAX:
            return active & False
        return active & (unit(j) < _TOTAL_U)

    def gather(j):
        u = unit(j)
        s = srows[j]
        return pltpu.make_async_copy(
            table.at[pl.ds(s * 8, 8), pl.ds((u % 4) * _Q, _Q)],
            shared.at[sid, j % _NB],
            gsem.at[j % _NB],
        )

    def put(j):
        u = unit(j)
        return pltpu.make_async_copy(
            shared.at[sid, j % _NB],
            out.at[pl.ds((u // 4) * 8, 8), pl.ds((u % 4) * _Q, _Q)],
            psem.at[j % _NB],
        )

    for i in range(_NB - 1):

        @pl.when(valid(i))
        def _(i=i):
            gather(i).start()

    for j in range(_KMAX):

        @pl.when(valid(j))
        def _(j=j):
            gather(j).wait()
            put(j).start()

        if j + _NB - 1 < _KMAX:

            @pl.when(valid(j + _NB - 1))
            def _(j=j):
                if j >= 1:
                    put(j - 1).wait()
                gather(j + _NB - 1).start()

    for j in range(_KMAX - _NB - 1, _KMAX):
        if j < 0:
            continue

        @pl.when(valid(j) & ~valid(j + _NB))
        def _(j=j):
            put(j).wait()


def kernel(mamdani_output, mapping):
    src = jnp.transpose(mamdani_output, (0, 2, 1)).reshape(3200, _W)
    m = mapping.reshape(_NROWS)
    j = jnp.arange(16, dtype=jnp.int32)[None, :]
    v = jnp.arange(32, dtype=jnp.int32)[:, None]
    u = jnp.minimum(j * _NACT + v, _TOTAL_U - 1)
    tr = u // 4
    idx = m[tr // 4] * 4 + (tr % 4)
    out = _sc_gather(src, idx)
    out = jnp.transpose(out.reshape(_NROWS, 32, _W), (0, 2, 1))
    return jnp.expand_dims(out, 1)

# --- scband reference (transcript-rebuilt; emitter-appended) ---
"""Pipeline reference for scband-consequent-layer-15753940041981 (READ-ONLY COPY).

The authoritative reference and input builder live on the scoring server;
editing this copy changes nothing except your own understanding.
"""

import jax, jax.numpy as jnp
import numpy as np

MAPPING = np.array([[2],[5],[9],[12],[17],[21],[24],[28],[33],[37],[40],[44],[49],[53],[58],[61],[66],[70],[73],[77],[82],[86],[89],[93],[96],[99]], dtype=np.int32)


def setup_inputs(seed: int = 0) -> dict:
    key = jax.random.key(seed)
    mamdani_output = jax.random.normal(key, (100, 16384, 32), dtype=jnp.float32)
    mapping = jnp.asarray(MAPPING)
    return {"mamdani_output": mamdani_output, "mapping": mapping}


def reference(mamdani_output, mapping):
    # tf.gather_nd with index depth 1 == row gather along axis 0
    gathered = jnp.take(mamdani_output, mapping[:, 0], axis=0)
    return jnp.expand_dims(gathered, 1)

if __name__ == "__main__":
    import jax
    _d = setup_inputs()
    print(jax.jit(kernel)(*tuple(_d.values())))

</pallas_src>

<mosaic_0001>
#map = affine_map<(d0, d1) -> (0, 0)>
module attributes {stable_mosaic.version = 14 : i64} {
  func.func @_sc_gather(%arg0: i32, %arg1: i32, %arg2: memref<3200x16384xf32, #tpu.memory_space<hbm>>, %arg3: memref<32x16xi32, #tpu.memory_space<hbm>>, %arg4: memref<832x16384xf32, #tpu.memory_space<hbm>>, %arg5: memref<16xi32, #tpu.memory_space<vmem>>, %arg6: memref<15x3x8x4096xf32, #tpu.memory_space<vmem_shared>>, %arg7: memref<3x!tpu.dma_semaphore, #tpu.memory_space<semaphore_mem>>, %arg8: memref<3x!tpu.dma_semaphore, #tpu.memory_space<semaphore_mem>>) attributes {dimension_semantics = [#tpu.dimension_semantics<core_parallel>, #tpu.dimension_semantics<subcore_parallel>], iteration_bounds = array<i64: 2, 16>, scalar_prefetch = 0 : i64, scratch_operands = 4 : i64, tpu.core_type = #tpu.core_type<sc_vector_subcore>, window_params = [{transform_indices = #map}, {transform_indices = #map}, {transform_indices = #map}]} {
    %mul3A = arith.constant 15 : i32
    %mul3A_0 = arith.muli %arg0, %mul3A : i32
    %add3A = arith.addi %mul3A_0, %arg1 : i32
    %lt3A = arith.constant 15 : i32
    %lt3A_1 = arith.cmpi slt, %arg1, %lt3A : i32
    %convert_element_type3A = arith.extui %lt3A_1 : i1 to i32
    %cond3A = arith.constant 0 : i32
    %cond3A_2 = arith.cmpi ne, %convert_element_type3A, %cond3A : i32
    scf.if %cond3A_2 {
      "tpu.region"() ({
        %run_scoped3A = tpu.sem_alloc : memref<!tpu.dma_semaphore, #tpu.memory_space<semaphore_mem>>
        %dma_start3A = arith.constant 0 : i32
        %dma_start3A_282 = tpu.memref_slice %arg3[%add3A, %dma_start3A] : memref<32x16xi32, #tpu.memory_space<hbm>> -> memref<1x16xi32, #tpu.memory_space<hbm>>
        %dma_start3A_283 = tpu.memref_squeeze %dma_start3A_282 : memref<1x16xi32, #tpu.memory_space<hbm>> -> memref<16xi32, #tpu.memory_space<hbm>>
        %dma_start3A_284 = arith.constant 0 : i32
        %dma_start3A_285 = tpu.memref_slice %arg3[%add3A, %dma_start3A_284] : memref<32x16xi32, #tpu.memory_space<hbm>> -> memref<1x16xi32, #tpu.memory_space<hbm>>
        %dma_start3A_286 = tpu.memref_squeeze %dma_start3A_285 : memref<1x16xi32, #tpu.memory_space<hbm>> -> memref<16xi32, #tpu.memory_space<hbm>>
        tpu.enqueue_dma source(%dma_start3A_286 : memref<16xi32, #tpu.memory_space<hbm>>) target(%arg5 : memref<16xi32, #tpu.memory_space<vmem>>) target_semaphore(%run_scoped3A : memref<!tpu.dma_semaphore, #tpu.memory_space<semaphore_mem>>)
        %dma_wait3A = arith.constant 0 : i32
        %dma_wait3A_287 = tpu.memref_slice %arg3[%add3A, %dma_wait3A] : memref<32x16xi32, #tpu.memory_space<hbm>> -> memref<1x16xi32, #tpu.memory_space<hbm>>
        %dma_wait3A_288 = tpu.memref_squeeze %dma_wait3A_287 : memref<1x16xi32, #tpu.memory_space<hbm>> -> memref<16xi32, #tpu.memory_space<hbm>>
        %dma_wait3A_289 = arith.constant 0 : i32
        %dma_wait3A_290 = tpu.memref_slice %arg3[%add3A, %dma_wait3A_289] : memref<32x16xi32, #tpu.memory_space<hbm>> -> memref<1x16xi32, #tpu.memory_space<hbm>>
        %dma_wait3A_291 = tpu.memref_squeeze %dma_wait3A_290 : memref<1x16xi32, #tpu.memory_space<hbm>> -> memref<16xi32, #tpu.memory_space<hbm>>
        tpu.wait_dma2 semaphore(%run_scoped3A : memref<!tpu.dma_semaphore, #tpu.memory_space<semaphore_mem>>) src(%dma_wait3A_291 : memref<16xi32, #tpu.memory_space<hbm>>) dst(%arg5 : memref<16xi32, #tpu.memory_space<vmem>>)
        tpu.yield
      }) : () -> ()
    } else {
    }
    %get3A = arith.constant 0 : index
    %get3A_3 = tpu.vector_load %arg5[%get3A] {strides = array<i32>} : memref<16xi32, #tpu.memory_space<vmem>>, vector<16xi32>,
    %get3A_4 = vector.shape_cast %get3A_3 : vector<16xi32> to vector<16xi32>
    %add3A_5 = arith.constant 0 : i32
    %add3A_6 = arith.addi %add3A_5, %add3A : i32
    %lt3A_7 = arith.constant 416 : i32
    %lt3A_8 = arith.cmpi slt, %add3A_6, %lt3A_7 : i32
    %and3A = arith.andi %lt3A_1, %lt3A_8 : i1
    %convert_element_type3A_9 = arith.extui %and3A : i1 to i32
    %cond3A_10 = arith.constant 0 : i32
    %cond3A_11 = arith.cmpi ne, %convert_element_type3A_9, %cond3A_10 : i32
    scf.if %cond3A_11 {
      %add3A_282 = arith.constant 0 : i32
      %add3A_283 = arith.addi %add3A_282, %add3A : i32
      %slice3A = vector.extract_strided_slice %get3A_4 {offsets = [0], sizes = [1], strides = [1]} : vector<16xi32> to vector<1xi32>
      %squeeze3A = vector.extract %slice3A[0] : i32 from vector<1xi32>
      %mul3A_284 = arith.constant 8 : i32
      %mul3A_285 = arith.muli %squeeze3A, %mul3A_284 : i32
      %jit3A = arith.constant 4 : i32
      %eq3A = arith.constant 0 : i32
      %eq3A_286 = arith.cmpi eq, %jit3A, %eq3A : i32
      %jit3A_287 = arith.constant 1 : i32
      %select_n3A = arith.select %eq3A_286, %jit3A_287, %jit3A : i32
      %rem3A = arith.remsi %add3A_283, %select_n3A : i32
      %ne3A = arith.constant 0 : i32
      %ne3A_288 = arith.cmpi ne, %rem3A, %ne3A : i32
      %lt3A_289 = arith.constant 0 : i32
      %lt3A_290 = arith.cmpi slt, %rem3A, %lt3A_289 : i32
      %lt3A_291 = arith.constant 0 : i32
      %lt3A_292 = arith.cmpi slt, %select_n3A, %lt3A_291 : i32
      %ne3A_293 = arith.xori %lt3A_290, %lt3A_292 : i1
      %and3A_294 = arith.andi %ne3A_293, %ne3A_288 : i1
      %add3A_295 = arith.addi %rem3A, %select_n3A : i32
      %select_n3A_296 = arith.select %and3A_294, %add3A_295, %rem3A : i32
      %mul3A_297 = arith.constant 4096 : i32
      %mul3A_298 = arith.muli %select_n3A_296, %mul3A_297 : i32
      %dma_start3A = arith.constant 0 : i32
      %dma_start3A_299 = arith.constant 0 : i32
      %dma_start3A_300 = tpu.memref_slice %arg7[%dma_start3A_299] : memref<3x!tpu.dma_semaphore, #tpu.memory_space<semaphore_mem>> -> memref<1x!tpu.dma_semaphore, #tpu.memory_space<semaphore_mem>>
      %dma_start3A_301 = tpu.memref_squeeze %dma_start3A_300 : memref<1x!tpu.dma_semaphore, #tpu.memory_space<semaphore_mem>> -> memref<!tpu.dma_semaphore, #tpu.memory_space<semaphore_mem>>
      %dma_start3A_302 = arith.constant 0 : i32
      %dma_start3A_303 = arith.constant 0 : i32
      %dma_start3A_304 = tpu.memref_slice %arg6[%arg1, %dma_start3A, %dma_start3A_302, %dma_start3A_303] : memref<15x3x8x4096xf32, #tpu.memory_space<vmem_shared>> -> memref<1x1x8x4096xf32, #tpu.memory_space<vmem_shared>>
      %dma_start3A_305 = tpu.memref_squeeze %dma_start3A_304 : memref<1x1x8x4096xf32, #tpu.memory_space<vmem_shared>> -> memref<8x4096xf32, #tpu.memory_space<vmem_shared>>
      %dma_start3A_306 = tpu.memref_slice %arg2[%mul3A_285, %mul3A_298] : memref<3200x16384xf32, #tpu.memory_space<hbm>> -> memref<8x4096xf32, #tpu.memory_space<hbm>>
      tpu.enqueue_dma source(%dma_start3A_306 : memref<8x4096xf32, #tpu.memory_space<hbm>>) target(%dma_start3A_305 : memref<8x4096xf32, #tpu.memory_space<vmem_shared>>) target_semaphore(%dma_start3A_301 : memref<!tpu.dma_semaphore, #tpu.memory_space<semaphore_mem>>)
    } else {
    }
    %add3A_12 = arith.constant 30 : i32
    %add3A_13 = arith.addi %add3A_12, %add3A : i32
    %lt3A_14 = arith.constant 416 : i32
    %lt3A_15 = arith.cmpi slt, %add3A_13, %lt3A_14 : i32
    %and3A_16 = arith.andi %lt3A_1, %lt3A_15 : i1
    %convert_element_type3A_17 = arith.extui %and3A_16 : i1 to i32
    %cond3A_18 = arith.constant 0 : i32
    %cond3A_19 = arith.cmpi ne, %convert_element_type3A_17, %cond3A_18 : i32
    scf.if %cond3A_19 {
      %add3A_282 = arith.constant 30 : i32
      %add3A_283 = arith.addi %add3A_282, %add3A : i32
      %slice3A = vector.extract_strided_slice %get3A_4 {offsets = [1], sizes = [1], strides = [1]} : vector<16xi32> to vector<1xi32>
      %squeeze3A = vector.extract %slice3A[0] : i32 from vector<1xi32>
      %mul3A_284 = arith.constant 8 : i32
      %mul3A_285 = arith.muli %squeeze3A, %mul3A_284 : i32
      %jit3A = arith.constant 4 : i32
      %eq3A = arith.constant 0 : i32
      %eq3A_286 = arith.cmpi eq, %jit3A, %eq3A : i32
      %jit3A_287 = arith.constant 1 : i32
      %select_n3A = arith.select %eq3A_286, %jit3A_287, %jit3A : i32
      %rem3A = arith.remsi %add3A_283, %select_n3A : i32
      %ne3A = arith.constant 0 : i32
      %ne3A_288 = arith.cmpi ne, %rem3A, %ne3A : i32
      %lt3A_289 = arith.constant 0 : i32
      %lt3A_290 = arith.cmpi slt, %rem3A, %lt3A_289 : i32
      %lt3A_291 = arith.constant 0 : i32
      %lt3A_292 = arith.cmpi slt, %select_n3A, %lt3A_291 : i32
      %ne3A_293 = arith.xori %lt3A_290, %lt3A_292 : i1
      %and3A_294 = arith.andi %ne3A_293, %ne3A_288 : i1
      %add3A_295 = arith.addi %rem3A, %select_n3A : i32
      %select_n3A_296 = arith.select %and3A_294, %add3A_295, %rem3A : i32
      %mul3A_297 = arith.constant 4096 : i32
      %mul3A_298 = arith.muli %select_n3A_296, %mul3A_297 : i32
      %dma_start3A = arith.constant 1 : i32
      %dma_start3A_299 = arith.constant 1 : i32
      %dma_start3A_300 = tpu.memref_slice %arg7[%dma_start3A_299] : memref<3x!tpu.dma_semaphore, #tpu.memory_space<semaphore_mem>> -> memref<1x!tpu.dma_semaphore, #tpu.memory_space<semaphore_mem>>
      %dma_start3A_301 = tpu.memref_squeeze %dma_start3A_300 : memref<1x!tpu.dma_semaphore, #tpu.memory_space<semaphore_mem>> -> memref<!tpu.dma_semaphore, #tpu.memory_space<semaphore_mem>>
      %dma_start3A_302 = arith.constant 0 : i32
      %dma_start3A_303 = arith.constant 0 : i32
      %dma_start3A_304 = tpu.memref_slice %arg6[%arg1, %dma_start3A, %dma_start3A_302, %dma_start3A_303] : memref<15x3x8x4096xf32, #tpu.memory_space<vmem_shared>> -> memref<1x1x8x4096xf32, #tpu.memory_space<vmem_shared>>
      %dma_start3A_305 = tpu.memref_squeeze %dma_start3A_304 : memref<1x1x8x4096xf32, #tpu.memory_space<vmem_shared>> -> memref<8x4096xf32, #tpu.memory_space<vmem_shared>>
      %dma_start3A_306 = tpu.memref_slice %arg2[%mul3A_285, %mul3A_298] : memref<3200x16384xf32, #tpu.memory_space<hbm>> -> memref<8x4096xf32, #tpu.memory_space<hbm>>
      tpu.enqueue_dma source(%dma_start3A_306 : memref<8x4096xf32, #tpu.memory_space<hbm>>) target(%dma_start3A_305 : memref<8x4096xf32, #tpu.memory_space<vmem_shared>>) target_semaphore(%dma_start3A_301 : memref<!tpu.dma_semaphore, #tpu.memory_space<semaphore_mem>>)
    } else {
    }
    %add3A_20 = arith.constant 0 : i32
    %add3A_21 = arith.addi %add3A_20, %add3A : i32
    %lt3A_22 = arith.constant 416 : i32
    %lt3A_23 = arith.cmpi slt, %add3A_21, %lt3A_22 : i32
    %and3A_24 = arith.andi %lt3A_1, %lt3A_23 : i1
    %convert_element_type3A_25 = arith.extui %and3A_24 : i1 to i32
    %cond3A_26 = arith.constant 0 : i32
    %cond3A_27 = arith.cmpi ne, %convert_element_type3A_25, %cond3A_26 : i32
    scf.if %cond3A_27 {
      %add3A_282 = arith.constant 0 : i32
      %add3A_283 = arith.addi %add3A_282, %add3A : i32
      %slice3A = vector.extract_strided_slice %get3A_4 {offsets = [0], sizes = [1], strides = [1]} : vector<16xi32> to vector<1xi32>
      %squeeze3A = vector.extract %slice3A[0] : i32 from vector<1xi32>
      %mul3A_284 = arith.constant 8 : i32
      %mul3A_285 = arith.muli %squeeze3A, %mul3A_284 : i32
      %jit3A = arith.constant 4 : i32
      %eq3A = arith.constant 0 : i32
      %eq3A_286 = arith.cmpi eq, %jit3A, %eq3A : i32
      %jit3A_287 = arith.constant 1 : i32
      %select_n3A = arith.select %eq3A_286, %jit3A_287, %jit3A : i32
      %rem3A = arith.remsi %add3A_283, %select_n3A : i32
      %ne3A = arith.constant 0 : i32
      %ne3A_288 = arith.cmpi ne, %rem3A, %ne3A : i32
      %lt3A_289 = arith.constant 0 : i32
      %lt3A_290 = arith.cmpi slt, %rem3A, %lt3A_289 : i32
      %lt3A_291 = arith.constant 0 : i32
      %lt3A_292 = arith.cmpi slt, %select_n3A, %lt3A_291 : i32
      %ne3A_293 = arith.xori %lt3A_290, %lt3A_292 : i1
      %and3A_294 = arith.andi %ne3A_293, %ne3A_288 : i1
      %add3A_295 = arith.addi %rem3A, %select_n3A : i32
      %select_n3A_296 = arith.select %and3A_294, %add3A_295, %rem3A : i32
      %mul3A_297 = arith.constant 4096 : i32
      %mul3A_298 = arith.muli %select_n3A_296, %mul3A_297 : i32
      %dma_wait3A = arith.constant 0 : i32
      %dma_wait3A_299 = arith.constant 0 : i32
      %dma_wait3A_300 = tpu.memref_slice %arg7[%dma_wait3A_299] : memref<3x!tpu.dma_semaphore, #tpu.memory_space<semaphore_mem>> -> memref<1x!tpu.dma_semaphore, #tpu.memory_space<semaphore_mem>>
      %dma_wait3A_301 = tpu.memref_squeeze %dma_wait3A_300 : memref<1x!tpu.dma_semaphore, #tpu.memory_space<semaphore_mem>> -> memref<!tpu.dma_semaphore, #tpu.memory_space<semaphore_mem>>
      %dma_wait3A_302 = arith.constant 0 : i32
      %dma_wait3A_303 = arith.constant 0 : i32
      %dma_wait3A_304 = tpu.memref_slice %arg6[%arg1, %dma_wait3A, %dma_wait3A_302, %dma_wait3A_303] : memref<15x3x8x4096xf32, #tpu.memory_space<vmem_shared>> -> memref<1x1x8x4096xf32, #tpu.memory_space<vmem_shared>>
      %dma_wait3A_305 = tpu.memref_squeeze %dma_wait3A_304 : memref<1x1x8x4096xf32, #tpu.memory_space<vmem_shared>> -> memref<8x4096xf32, #tpu.memory_space<vmem_shared>>
      %dma_wait3A_306 = tpu.memref_slice %arg2[%mul3A_285, %mul3A_298] : memref<3200x16384xf32, #tpu.memory_space<hbm>> -> memref<8x4096xf32, #tpu.memory_space<hbm>>
      tpu.wait_dma2 semaphore(%dma_wait3A_301 : memref<!tpu.dma_semaphore, #tpu.memory_space<semaphore_mem>>) src(%dma_wait3A_306 : memref<8x4096xf32, #tpu.memory_space<hbm>>) dst(%dma_wait3A_305 : memref<8x4096xf32, #tpu.memory_space<vmem_shared>>)
      %add3A_307 = arith.constant 0 : i32
      %add3A_308 = arith.addi %add3A_307, %add3A : i32
      %jit3A_309 = arith.constant 4 : i32
      %div3A = arith.divsi %add3A_308, %jit3A_309 : i32
      %sign3A = arith.constant 0 : i32
      %sign3A_310 = arith.cmpi sgt, %add3A_308, %sign3A : i32
      %sign3A_311 = arith.extui %sign3A_310 : i1 to i32
      %sign3A_312 = arith.constant 0 : i32
      %sign3A_313 = arith.cmpi slt, %add3A_308, %sign3A_312 : i32
      %sign3A_314 = arith.extui %sign3A_313 : i1 to i32
      %sign3A_315 = arith.subi %sign3A_311, %sign3A_314 : i32
      %sign3A_316 = arith.constant 0 : i32
      %sign3A_317 = arith.cmpi sgt, %jit3A_309, %sign3A_316 : i32
      %sign3A_318 = arith.extui %sign3A_317 : i1 to i32
      %sign3A_319 = arith.constant 0 : i32
      %sign3A_320 = arith.cmpi slt, %jit3A_309, %sign3A_319 : i32
      %sign3A_321 = arith.extui %sign3A_320 : i1 to i32
      %sign3A_322 = arith.subi %sign3A_318, %sign3A_321 : i32
      %ne3A_323 = arith.cmpi ne, %sign3A_315, %sign3A_322 : i32
      %rem3A_324 = arith.remsi %add3A_308, %jit3A_309 : i32
      %ne3A_325 = arith.constant 0 : i32
      %ne3A_326 = arith.cmpi ne, %rem3A_324, %ne3A_325 : i32
      %and3A_327 = arith.andi %ne3A_323, %ne3A_326 : i1
      %sub3A = arith.constant 1 : i32
      %sub3A_328 = arith.subi %div3A, %sub3A : i32
      %select_n3A_329 = arith.select %and3A_327, %sub3A_328, %div3A : i32
      %mul3A_330 = arith.constant 8 : i32
      %mul3A_331 = arith.muli %select_n3A_329, %mul3A_330 : i32
      %jit3A_332 = arith.constant 4 : i32
      %eq3A_333 = arith.constant 0 : i32
      %eq3A_334 = arith.cmpi eq, %jit3A_332, %eq3A_333 : i32
      %jit3A_335 = arith.constant 1 : i32
      %select_n3A_336 = arith.select %eq3A_334, %jit3A_335, %jit3A_332 : i32
      %rem3A_337 = arith.remsi %add3A_308, %select_n3A_336 : i32
      %ne3A_338 = arith.constant 0 : i32
      %ne3A_339 = arith.cmpi ne, %rem3A_337, %ne3A_338 : i32
      %lt3A_340 = arith.constant 0 : i32
      %lt3A_341 = arith.cmpi slt, %rem3A_337, %lt3A_340 : i32
      %lt3A_342 = arith.constant 0 : i32
      %lt3A_343 = arith.cmpi slt, %select_n3A_336, %lt3A_342 : i32
      %ne3A_344 = arith.xori %lt3A_341, %lt3A_343 : i1
      %and3A_345 = arith.andi %ne3A_344, %ne3A_339 : i1
      %add3A_346 = arith.addi %rem3A_337, %select_n3A_336 : i32
      %select_n3A_347 = arith.select %and3A_345, %add3A_346, %rem3A_337 : i32
      %mul3A_348 = arith.constant 4096 : i32
      %mul3A_349 = arith.muli %select_n3A_347, %mul3A_348 : i32
      %dma_start3A = arith.constant 0 : i32
      %dma_start3A_350 = arith.constant 0 : i32
      %dma_start3A_351 = tpu.memref_slice %arg8[%dma_start3A_350] : memref<3x!tpu.dma_semaphore, #tpu.memory_space<semaphore_mem>> -> memref<1x!tpu.dma_semaphore, #tpu.memory_space<semaphore_mem>>
      %dma_start3A_352 = tpu.memref_squeeze %dma_start3A_351 : memref<1x!tpu.dma_semaphore, #tpu.memory_space<semaphore_mem>> -> memref<!tpu.dma_semaphore, #tpu.memory_space<semaphore_mem>>
      %dma_start3A_353 = tpu.memref_slice %arg4[%mul3A_331, %mul3A_349] : memref<832x16384xf32, #tpu.memory_space<hbm>> -> memref<8x4096xf32, #tpu.memory_space<hbm>>
      %dma_start3A_354 = arith.constant 0 : i32
      %dma_start3A_355 = arith.constant 0 : i32
      %dma_start3A_356 = tpu.memref_slice %arg6[%arg1, %dma_start3A, %dma_start3A_354, %dma_start3A_355] : memref<15x3x8x4096xf32, #tpu.memory_space<vmem_shared>> -> memref<1x1x8x4096xf32, #tpu.memory_space<vmem_shared>>
      %dma_start3A_357 = tpu.memref_squeeze %dma_start3A_356 : memref<1x1x8x4096xf32, #tpu.memory_space<vmem_shared>> -> memref<8x4096xf32, #tpu.memory_space<vmem_shared>>
      tpu.enqueue_dma source(%dma_start3A_357 : memref<8x4096xf32, #tpu.memory_space<vmem_shared>>) target(%dma_start3A_353 : memref<8x4096xf32, #tpu.memory_space<hbm>>) target_semaphore(%dma_start3A_352 : memref<!tpu.dma_semaphore, #tpu.memory_space<semaphore_mem>>)
    } else {
    }
    %add3A_28 = arith.constant 60 : i32
    %add3A_29 = arith.addi %add3A_28, %add3A : i32
    %lt3A_30 = arith.constant 416 : i32
    %lt3A_31 = arith.cmpi slt, %add3A_29, %lt3A_30 : i32
    %and3A_32 = arith.andi %lt3A_1, %lt3A_31 : i1
    %convert_element_type3A_33 = arith.extui %and3A_32 : i1 to i32
    %cond3A_34 = arith.constant 0 : i32
    %cond3A_35 = arith.cmpi ne, %convert_element_type3A_33, %cond3A_34 : i32
    scf.if %cond3A_35 {
      %add3A_282 = arith.constant 60 : i32
      %add3A_283 = arith.addi %add3A_282, %add3A : i32
      %slice3A = vector.extract_strided_slice %get3A_4 {offsets = [2], sizes = [1], strides = [1]} : vector<16xi32> to vector<1xi32>
      %squeeze3A = vector.extract %slice3A[0] : i32 from vector<1xi32>
      %mul3A_284 = arith.constant 8 : i32
      %mul3A_285 = arith.muli %squeeze3A, %mul3A_284 : i32
      %jit3A = arith.constant 4 : i32
      %eq3A = arith.constant 0 : i32
      %eq3A_286 = arith.cmpi eq, %jit3A, %eq3A : i32
      %jit3A_287 = arith.constant 1 : i32
      %select_n3A = arith.select %eq3A_286, %jit3A_287, %jit3A : i32
      %rem3A = arith.remsi %add3A_283, %select_n3A : i32
      %ne3A = arith.constant 0 : i32
      %ne3A_288 = arith.cmpi ne, %rem3A, %ne3A : i32
      %lt3A_289 = arith.constant 0 : i32
      %lt3A_290 = arith.cmpi slt, %rem3A, %lt3A_289 : i32
      %lt3A_291 = arith.constant 0 : i32
      %lt3A_292 = arith.cmpi slt, %select_n3A, %lt3A_291 : i32
      %ne3A_293 = arith.xori %lt3A_290, %lt3A_292 : i1
      %and3A_294 = arith.andi %ne3A_293, %ne3A_288 : i1
      %add3A_295 = arith.addi %rem3A, %select_n3A : i32
      %select_n3A_296 = arith.select %and3A_294, %add3A_295, %rem3A : i32
      %mul3A_297 = arith.constant 4096 : i32
      %mul3A_298 = arith.muli %select_n3A_296, %mul3A_297 : i32
      %dma_start3A = arith.constant 2 : i32
      %dma_start3A_299 = arith.constant 2 : i32
      %dma_start3A_300 = tpu.memref_slice %arg7[%dma_start3A_299] : memref<3x!tpu.dma_semaphore, #tpu.memory_space<semaphore_mem>> -> memref<1x!tpu.dma_semaphore, #tpu.memory_space<semaphore_mem>>
      %dma_start3A_301 = tpu.memref_squeeze %dma_start3A_300 : memref<1x!tpu.dma_semaphore, #tpu.memory_space<semaphore_mem>> -> memref<!tpu.dma_semaphore, #tpu.memory_space<semaphore_mem>>
      %dma_start3A_302 = arith.constant 0 : i32
      %dma_start3A_303 = arith.constant 0 : i32
      %dma_start3A_304 = tpu.memref_slice %arg6[%arg1, %dma_start3A, %dma_start3A_302, %dma_start3A_303] : memref<15x3x8x4096xf32, #tpu.memory_space<vmem_shared>> -> memref<1x1x8x4096xf32, #tpu.memory_space<vmem_shared>>
      %dma_start3A_305 = tpu.memref_squeeze %dma_start3A_304 : memref<1x1x8x4096xf32, #tpu.memory_space<vmem_shared>> -> memref<8x4096xf32, #tpu.memory_space<vmem_shared>>
      %dma_start3A_306 = tpu.memref_slice %arg2[%mul3A_285, %mul3A_298] : memref<3200x16384xf32, #tpu.memory_space<hbm>> -> memref<8x4096xf32, #tpu.memory_space<hbm>>
      tpu.enqueue_dma source(%dma_start3A_306 : memref<8x4096xf32, #tpu.memory_space<hbm>>) target(%dma_start3A_305 : memref<8x4096xf32, #tpu.memory_space<vmem_shared>>) target_semaphore(%dma_start3A_301 : memref<!tpu.dma_semaphore, #tpu.memory_space<semaphore_mem>>)
    } else {
    }
    %add3A_36 = arith.constant 30 : i32
    %add3A_37 = arith.addi %add3A_36, %add3A : i32
    %lt3A_38 = arith.constant 416 : i32
    %lt3A_39 = arith.cmpi slt, %add3A_37, %lt3A_38 : i32
    %and3A_40 = arith.andi %lt3A_1, %lt3A_39 : i1
    %convert_element_type3A_41 = arith.extui %and3A_40 : i1 to i32
    %cond3A_42 = arith.constant 0 : i32
    %cond3A_43 = arith.cmpi ne, %convert_element_type3A_41, %cond3A_42 : i32
    scf.if %cond3A_43 {
      %add3A_282 = arith.constant 30 : i32
      %add3A_283 = arith.addi %add3A_282, %add3A : i32
      %slice3A = vector.extract_strided_slice %get3A_4 {offsets = [1], sizes = [1], strides = [1]} : vector<16xi32> to vector<1xi32>
      %squeeze3A = vector.extract %slice3A[0] : i32 from vector<1xi32>
      %mul3A_284 = arith.constant 8 : i32
      %mul3A_285 = arith.muli %squeeze3A, %mul3A_284 : i32
      %jit3A = arith.constant 4 : i32
      %eq3A = arith.constant 0 : i32
      %eq3A_286 = arith.cmpi eq, %jit3A, %eq3A : i32
      %jit3A_287 = arith.constant 1 : i32
      %select_n3A = arith.select %eq3A_286, %jit3A_287, %jit3A : i32
      %rem3A = arith.remsi %add3A_283, %select_n3A : i32
      %ne3A = arith.constant 0 : i32
      %ne3A_288 = arith.cmpi ne, %rem3A, %ne3A : i32
      %lt3A_289 = arith.constant 0 : i32
      %lt3A_290 = arith.cmpi slt, %rem3A, %lt3A_289 : i32
      %lt3A_291 = arith.constant 0 : i32
      %lt3A_292 = arith.cmpi slt, %select_n3A, %lt3A_291 : i32
      %ne3A_293 = arith.xori %lt3A_290, %lt3A_292 : i1
      %and3A_294 = arith.andi %ne3A_293, %ne3A_288 : i1
      %add3A_295 = arith.addi %rem3A, %select_n3A : i32
      %select_n3A_296 = arith.select %and3A_294, %add3A_295, %rem3A : i32
      %mul3A_297 = arith.constant 4096 : i32
      %mul3A_298 = arith.muli %select_n3A_296, %mul3A_297 : i32
      %dma_wait3A = arith.constant 1 : i32
      %dma_wait3A_299 = arith.constant 1 : i32
      %dma_wait3A_300 = tpu.memref_slice %arg7[%dma_wait3A_299] : memref<3x!tpu.dma_semaphore, #tpu.memory_space<semaphore_mem>> -> memref<1x!tpu.dma_semaphore, #tpu.memory_space<semaphore_mem>>
      %dma_wait3A_301 = tpu.memref_squeeze %dma_wait3A_300 : memref<1x!tpu.dma_semaphore, #tpu.memory_space<semaphore_mem>> -> memref<!tpu.dma_semaphore, #tpu.memory_space<semaphore_mem>>
      %dma_wait3A_302 = arith.constant 0 : i32
      %dma_wait3A_303 = arith.constant 0 : i32
      %dma_wait3A_304 = tpu.memref_slice %arg6[%arg1, %dma_wait3A, %dma_wait3A_302, %dma_wait3A_303] : memref<15x3x8x4096xf32, #tpu.memory_space<vmem_shared>> -> memref<1x1x8x4096xf32, #tpu.memory_space<vmem_shared>>
      %dma_wait3A_305 = tpu.memref_squeeze %dma_wait3A_304 : memref<1x1x8x4096xf32, #tpu.memory_space<vmem_shared>> -> memref<8x4096xf32, #tpu.memory_space<vmem_shared>>
      %dma_wait3A_306 = tpu.memref_slice %arg2[%mul3A_285, %mul3A_298] : memref<3200x16384xf32, #tpu.memory_space<hbm>> -> memref<8x4096xf32, #tpu.memory_space<hbm>>
      tpu.wait_dma2 semaphore(%dma_wait3A_301 : memref<!tpu.dma_semaphore, #tpu.memory_space<semaphore_mem>>) src(%dma_wait3A_306 : memref<8x4096xf32, #tpu.memory_space<hbm>>) dst(%dma_wait3A_305 : memref<8x4096xf32, #tpu.memory_space<vmem_shared>>)
      %add3A_307 = arith.constant 30 : i32
      %add3A_308 = arith.addi %add3A_307, %add3A : i32
      %jit3A_309 = arith.constant 4 : i32
      %div3A = arith.divsi %add3A_308, %jit3A_309 : i32
      %sign3A = arith.constant 0 : i32
      %sign3A_310 = arith.cmpi sgt, %add3A_308, %sign3A : i32
      %sign3A_311 = arith.extui %sign3A_310 : i1 to i32
      %sign3A_312 = arith.constant 0 : i32
      %sign3A_313 = arith.cmpi slt, %add3A_308, %sign3A_312 : i32
      %sign3A_314 = arith.extui %sign3A_313 : i1 to i32
      %sign3A_315 = arith.subi %sign3A_311, %sign3A_314 : i32
      %sign3A_316 = arith.constant 0 : i32
      %sign3A_317 = arith.cmpi sgt, %jit3A_309, %sign3A_316 : i32
      %sign3A_318 = arith.extui %sign3A_317 : i1 to i32
      %sign3A_319 = arith.constant 0 : i32
      %sign3A_320 = arith.cmpi slt, %jit3A_309, %sign3A_319 : i32
      %sign3A_321 = arith.extui %sign3A_320 : i1 to i32
      %sign3A_322 = arith.subi %sign3A_318, %sign3A_321 : i32
      %ne3A_323 = arith.cmpi ne, %sign3A_315, %sign3A_322 : i32
      %rem3A_324 = arith.remsi %add3A_308, %jit3A_309 : i32
      %ne3A_325 = arith.constant 0 : i32
      %ne3A_326 = arith.cmpi ne, %rem3A_324, %ne3A_325 : i32
      %and3A_327 = arith.andi %ne3A_323, %ne3A_326 : i1
      %sub3A = arith.constant 1 : i32
      %sub3A_328 = arith.subi %div3A, %sub3A : i32
      %select_n3A_329 = arith.select %and3A_327, %sub3A_328, %div3A : i32
      %mul3A_330 = arith.constant 8 : i32
      %mul3A_331 = arith.muli %select_n3A_329, %mul3A_330 : i32
      %jit3A_332 = arith.constant 4 : i32
      %eq3A_333 = arith.constant 0 : i32
      %eq3A_334 = arith.cmpi eq, %jit3A_332, %eq3A_333 : i32
      %jit3A_335 = arith.constant 1 : i32
      %select_n3A_336 = arith.select %eq3A_334, %jit3A_335, %jit3A_332 : i32
      %rem3A_337 = arith.remsi %add3A_308, %select_n3A_336 : i32
      %ne3A_338 = arith.constant 0 : i32
      %ne3A_339 = arith.cmpi ne, %rem3A_337, %ne3A_338 : i32
      %lt3A_340 = arith.constant 0 : i32
      %lt3A_341 = arith.cmpi slt, %rem3A_337, %lt3A_340 : i32
      %lt3A_342 = arith.constant 0 : i32
      %lt3A_343 = arith.cmpi slt, %select_n3A_336, %lt3A_342 : i32
      %ne3A_344 = arith.xori %lt3A_341, %lt3A_343 : i1
      %and3A_345 = arith.andi %ne3A_344, %ne3A_339 : i1
      %add3A_346 = arith.addi %rem3A_337, %select_n3A_336 : i32
      %select_n3A_347 = arith.select %and3A_345, %add3A_346, %rem3A_337 : i32
      %mul3A_348 = arith.constant 4096 : i32
      %mul3A_349 = arith.muli %select_n3A_347, %mul3A_348 : i32
      %dma_start3A = arith.constant 1 : i32
      %dma_start3A_350 = arith.constant 1 : i32
      %dma_start3A_351 = tpu.memref_slice %arg8[%dma_start3A_350] : memref<3x!tpu.dma_semaphore, #tpu.memory_space<semaphore_mem>> -> memref<1x!tpu.dma_semaphore, #tpu.memory_space<semaphore_mem>>
      %dma_start3A_352 = tpu.memref_squeeze %dma_start3A_351 : memref<1x!tpu.dma_semaphore, #tpu.memory_space<semaphore_mem>> -> memref<!tpu.dma_semaphore, #tpu.memory_space<semaphore_mem>>
      %dma_start3A_353 = tpu.memref_slice %arg4[%mul3A_331, %mul3A_349] : memref<832x16384xf32, #tpu.memory_space<hbm>> -> memref<8x4096xf32, #tpu.memory_space<hbm>>
      %dma_start3A_354 = arith.constant 0 : i32
      %dma_start3A_355 = arith.constant 0 : i32
      %dma_start3A_356 = tpu.memref_slice %arg6[%arg1, %dma_start3A, %dma_start3A_354, %dma_start3A_355] : memref<15x3x8x4096xf32, #tpu.memory_space<vmem_shared>> -> memref<1x1x8x4096xf32, #tpu.memory_space<vmem_shared>>
      %dma_start3A_357 = tpu.memref_squeeze %dma_start3A_356 : memref<1x1x8x4096xf32, #tpu.memory_space<vmem_shared>> -> memref<8x4096xf32, #tpu.memory_space<vmem_shared>>
      tpu.enqueue_dma source(%dma_start3A_357 : memref<8x4096xf32, #tpu.memory_space<vmem_shared>>) target(%dma_start3A_353 : memref<8x4096xf32, #tpu.memory_space<hbm>>) target_semaphore(%dma_start3A_352 : memref<!tpu.dma_semaphore, #tpu.memory_space<semaphore_mem>>)
    } else {
    }
    %add3A_44 = arith.constant 90 : i32
    %add3A_45 = arith.addi %add3A_44, %add3A : i32
    %lt3A_46 = arith.constant 416 : i32
    %lt3A_47 = arith.cmpi slt, %add3A_45, %lt3A_46 : i32
    %and3A_48 = arith.andi %lt3A_1, %lt3A_47 : i1
    %convert_element_type3A_49 = arith.extui %and3A_48 : i1 to i32
    %cond3A_50 = arith.constant 0 : i32
    %cond3A_51 = arith.cmpi ne, %convert_element_type3A_49, %cond3A_50 : i32
    scf.if %cond3A_51 {
      %add3A_282 = arith.constant 0 : i32
      %add3A_283 = arith.addi %add3A_282, %add3A : i32
      %jit3A = arith.constant 4 : i32
      %div3A = arith.divsi %add3A_283, %jit3A : i32
      %sign3A = arith.constant 0 : i32
      %sign3A_284 = arith.cmpi sgt, %add3A_283, %sign3A : i32
      %sign3A_285 = arith.extui %sign3A_284 : i1 to i32
      %sign3A_286 = arith.constant 0 : i32
      %sign3A_287 = arith.cmpi slt, %add3A_283, %sign3A_286 : i32
      %sign3A_288 = arith.extui %sign3A_287 : i1 to i32
      %sign3A_289 = arith.subi %sign3A_285, %sign3A_288 : i32
      %sign3A_290 = arith.constant 0 : i32
      %sign3A_291 = arith.cmpi sgt, %jit3A, %sign3A_290 : i32
      %sign3A_292 = arith.extui %sign3A_291 : i1 to i32
      %sign3A_293 = arith.constant 0 : i32
      %sign3A_294 = arith.cmpi slt, %jit3A, %sign3A_293 : i32
      %sign3A_295 = arith.extui %sign3A_294 : i1 to i32
      %sign3A_296 = arith.subi %sign3A_292, %sign3A_295 : i32
      %ne3A = arith.cmpi ne, %sign3A_289, %sign3A_296 : i32
      %rem3A = arith.remsi %add3A_283, %jit3A : i32
      %ne3A_297 = arith.constant 0 : i32
      %ne3A_298 = arith.cmpi ne, %rem3A, %ne3A_297 : i32
      %and3A_299 = arith.andi %ne3A, %ne3A_298 : i1
      %sub3A = arith.constant 1 : i32
      %sub3A_300 = arith.subi %div3A, %sub3A : i32
      %select_n3A = arith.select %and3A_299, %sub3A_300, %div3A : i32
      %mul3A_301 = arith.constant 8 : i32
      %mul3A_302 = arith.muli %select_n3A, %mul3A_301 : i32
      %jit3A_303 = arith.constant 4 : i32
      %eq3A = arith.constant 0 : i32
      %eq3A_304 = arith.cmpi eq, %jit3A_303, %eq3A : i32
      %jit3A_305 = arith.constant 1 : i32
      %select_n3A_306 = arith.select %eq3A_304, %jit3A_305, %jit3A_303 : i32
      %rem3A_307 = arith.remsi %add3A_283, %select_n3A_306 : i32
      %ne3A_308 = arith.constant 0 : i32
      %ne3A_309 = arith.cmpi ne, %rem3A_307, %ne3A_308 : i32
      %lt3A_310 = arith.constant 0 : i32
      %lt3A_311 = arith.cmpi slt, %rem3A_307, %lt3A_310 : i32
      %lt3A_312 = arith.constant 0 : i32
      %lt3A_313 = arith.cmpi slt, %select_n3A_306, %lt3A_312 : i32
      %ne3A_314 = arith.xori %lt3A_311, %lt3A_313 : i1
      %and3A_315 = arith.andi %ne3A_314, %ne3A_309 : i1
      %add3A_316 = arith.addi %rem3A_307, %select_n3A_306 : i32
      %select_n3A_317 = arith.select %and3A_315, %add3A_316, %rem3A_307 : i32
      %mul3A_318 = arith.constant 4096 : i32
      %mul3A_319 = arith.muli %select_n3A_317, %mul3A_318 : i32
      %dma_wait3A = arith.constant 0 : i32
      %dma_wait3A_320 = arith.constant 0 : i32
      %dma_wait3A_321 = tpu.memref_slice %arg8[%dma_wait3A_320] : memref<3x!tpu.dma_semaphore, #tpu.memory_space<semaphore_mem>> -> memref<1x!tpu.dma_semaphore, #tpu.memory_space<semaphore_mem>>
      %dma_wait3A_322 = tpu.memref_squeeze %dma_wait3A_321 : memref<1x!tpu.dma_semaphore, #tpu.memory_space<semaphore_mem>> -> memref<!tpu.dma_semaphore, #tpu.memory_space<semaphore_mem>>
      %dma_wait3A_323 = tpu.memref_slice %arg4[%mul3A_302, %mul3A_319] : memref<832x16384xf32, #tpu.memory_space<hbm>> -> memref<8x4096xf32, #tpu.memory_space<hbm>>
      %dma_wait3A_324 = arith.constant 0 : i32
      %dma_wait3A_325 = arith.constant 0 : i32
      %dma_wait3A_326 = tpu.memref_slice %arg6[%arg1, %dma_wait3A, %dma_wait3A_324, %dma_wait3A_325] : memref<15x3x8x4096xf32, #tpu.memory_space<vmem_shared>> -> memref<1x1x8x4096xf32, #tpu.memory_space<vmem_shared>>
      %dma_wait3A_327 = tpu.memref_squeeze %dma_wait3A_326 : memref<1x1x8x4096xf32, #tpu.memory_space<vmem_shared>> -> memref<8x4096xf32, #tpu.memory_space<vmem_shared>>
      tpu.wait_dma2 semaphore(%dma_wait3A_322 : memref<!tpu.dma_semaphore, #tpu.memory_space<semaphore_mem>>) src(%dma_wait3A_327 : memref<8x4096xf32, #tpu.memory_space<vmem_shared>>) dst(%dma_wait3A_323 : memref<8x4096xf32, #tpu.memory_space<hbm>>)
      %add3A_328 = arith.constant 90 : i32
      %add3A_329 = arith.addi %add3A_328, %add3A : i32
      %slice3A = vector.extract_strided_slice %get3A_4 {offsets = [3], sizes = [1], strides = [1]} : vector<16xi32> to vector<1xi32>
      %squeeze3A = vector.extract %slice3A[0] : i32 from vector<1xi32>
      %mul3A_330 = arith.constant 8 : i32
      %mul3A_331 = arith.muli %squeeze3A, %mul3A_330 : i32
      %jit3A_332 = arith.constant 4 : i32
      %eq3A_333 = arith.constant 0 : i32
      %eq3A_334 = arith.cmpi eq, %jit3A_332, %eq3A_333 : i32
      %jit3A_335 = arith.constant 1 : i32
      %select_n3A_336 = arith.select %eq3A_334, %jit3A_335, %jit3A_332 : i32
      %rem3A_337 = arith.remsi %add3A_329, %select_n3A_336 : i32
      %ne3A_338 = arith.constant 0 : i32
      %ne3A_339 = arith.cmpi ne, %rem3A_337, %ne3A_338 : i32
      %lt3A_340 = arith.constant 0 : i32
      %lt3A_341 = arith.cmpi slt, %rem3A_337, %lt3A_340 : i32
      %lt3A_342 = arith.constant 0 : i32
      %lt3A_343 = arith.cmpi slt, %select_n3A_336, %lt3A_342 : i32
      %ne3A_344 = arith.xori %lt3A_341, %lt3A_343 : i1
      %and3A_345 = arith.andi %ne3A_344, %ne3A_339 : i1
      %add3A_346 = arith.addi %rem3A_337, %select_n3A_336 : i32
      %select_n3A_347 = arith.select %and3A_345, %add3A_346, %rem3A_337 : i32
      %mul3A_348 = arith.constant 4096 : i32
      %mul3A_349 = arith.muli %select_n3A_347, %mul3A_348 : i32
      %dma_start3A = arith.constant 0 : i32
      %dma_start3A_350 = arith.constant 0 : i32
      %dma_start3A_351 = tpu.memref_slice %arg7[%dma_start3A_350] : memref<3x!tpu.dma_semaphore, #tpu.memory_space<semaphore_mem>> -> memref<1x!tpu.dma_semaphore, #tpu.memory_space<semaphore_mem>>
      %dma_start3A_352 = tpu.memref_squeeze %dma_start3A_351 : memref<1x!tpu.dma_semaphore, #tpu.memory_space<semaphore_mem>> -> memref<!tpu.dma_semaphore, #tpu.memory_space<semaphore_mem>>
      %dma_start3A_353 = arith.constant 0 : i32
      %dma_start3A_354 = arith.constant 0 : i32
      %dma_start3A_355 = tpu.memref_slice %arg6[%arg1, %dma_start3A, %dma_start3A_353, %dma_start3A_354] : memref<15x3x8x4096xf32, #tpu.memory_space<vmem_shared>> -> memref<1x1x8x4096xf32, #tpu.memory_space<vmem_shared>>
      %dma_start3A_356 = tpu.memref_squeeze %dma_start3A_355 : memref<1x1x8x4096xf32, #tpu.memory_space<vmem_shared>> -> memref<8x4096xf32, #tpu.memory_space<vmem_shared>>
      %dma_start3A_357 = tpu.memref_slice %arg2[%mul3A_331, %mul3A_349] : memref<3200x16384xf32, #tpu.memory_space<hbm>> -> memref<8x4096xf32, #tpu.memory_space<hbm>>
      tpu.enqueue_dma source(%dma_start3A_357 : memref<8x4096xf32, #tpu.memory_space<hbm>>) target(%dma_start3A_356 : memref<8x4096xf32, #tpu.memory_space<vmem_shared>>) target_semaphore(%dma_start3A_352 : memref<!tpu.dma_semaphore, #tpu.memory_space<semaphore_mem>>)
    } else {
    }
    %add3A_52 = arith.constant 60 : i32
    %add3A_53 = arith.addi %add3A_52, %add3A : i32
    %lt3A_54 = arith.constant 416 : i32
    %lt3A_55 = arith.cmpi slt, %add3A_53, %lt3A_54 : i32
    %and3A_56 = arith.andi %lt3A_1, %lt3A_55 : i1
    %convert_element_type3A_57 = arith.extui %and3A_56 : i1 to i32
    %cond3A_58 = arith.constant 0 : i32
    %cond3A_59 = arith.cmpi ne, %convert_element_type3A_57, %cond3A_58 : i32
    scf.if %cond3A_59 {
      %add3A_282 = arith.constant 60 : i32
      %add3A_283 = arith.addi %add3A_282, %add3A : i32
      %slice3A = vector.extract_strided_slice %get3A_4 {offsets = [2], sizes = [1], strides = [1]} : vector<16xi32> to vector<1xi32>
      %squeeze3A = vector.extract %slice3A[0] : i32 from vector<1xi32>
      %mul3A_284 = arith.constant 8 : i32
      %mul3A_285 = arith.muli %squeeze3A, %mul3A_284 : i32
      %jit3A = arith.constant 4 : i32
      %eq3A = arith.constant 0 : i32
      %eq3A_286 = arith.cmpi eq, %jit3A, %eq3A : i32
      %jit3A_287 = arith.constant 1 : i32
      %select_n3A = arith.select %eq3A_286, %jit3A_287, %jit3A : i32
      %rem3A = arith.remsi %add3A_283, %select_n3A : i32
      %ne3A = arith.constant 0 : i32
      %ne3A_288 = arith.cmpi ne, %rem3A, %ne3A : i32
      %lt3A_289 = arith.constant 0 : i32
      %lt3A_290 = arith.cmpi slt, %rem3A, %lt3A_289 : i32
      %lt3A_291 = arith.constant 0 : i32
      %lt3A_292 = arith.cmpi slt, %select_n3A, %lt3A_291 : i32
      %ne3A_293 = arith.xori %lt3A_290, %lt3A_292 : i1
      %and3A_294 = arith.andi %ne3A_293, %ne3A_288 : i1
      %add3A_295 = arith.addi %rem3A, %select_n3A : i32
      %select_n3A_296 = arith.select %and3A_294, %add3A_295, %rem3A : i32
      %mul3A_297 = arith.constant 4096 : i32
      %mul3A_298 = arith.muli %select_n3A_296, %mul3A_297 : i32
      %dma_wait3A = arith.constant 2 : i32
      %dma_wait3A_299 = arith.constant 2 : i32
      %dma_wait3A_300 = tpu.memref_slice %arg7[%dma_wait3A_299] : memref<3x!tpu.dma_semaphore, #tpu.memory_space<semaphore_mem>> -> memref<1x!tpu.dma_semaphore, #tpu.memory_space<semaphore_mem>>
      %dma_wait3A_301 = tpu.memref_squeeze %dma_wait3A_300 : memref<1x!tpu.dma_semaphore, #tpu.memory_space<semaphore_mem>> -> memref<!tpu.dma_semaphore, #tpu.memory_space<semaphore_mem>>
      %dma_wait3A_302 = arith.constant 0 : i32
      %dma_wait3A_303 = arith.constant 0 : i32
      %dma_wait3A_304 = tpu.memref_slice %arg6[%arg1, %dma_wait3A, %dma_wait3A_302, %dma_wait3A_303] : memref<15x3x8x4096xf32, #tpu.memory_space<vmem_shared>> -> memref<1x1x8x4096xf32, #tpu.memory_space<vmem_shared>>
      %dma_wait3A_305 = tpu.memref_squeeze %dma_wait3A_304 : memref<1x1x8x4096xf32, #tpu.memory_space<vmem_shared>> -> memref<8x4096xf32, #tpu.memory_space<vmem_shared>>
      %dma_wait3A_306 = tpu.memref_slice %arg2[%mul3A_285, %mul3A_298] : memref<3200x16384xf32, #tpu.memory_space<hbm>> -> memref<8x4096xf32, #tpu.memory_space<hbm>>
      tpu.wait_dma2 semaphore(%dma_wait3A_301 : memref<!tpu.dma_semaphore, #tpu.memory_space<semaphore_mem>>) src(%dma_wait3A_306 : memref<8x4096xf32, #tpu.memory_space<hbm>>) dst(%dma_wait3A_305 : memref<8x4096xf32, #tpu.memory_space<vmem_shared>>)
      %add3A_307 = arith.constant 60 : i32
      %add3A_308 = arith.addi %add3A_307, %add3A : i32
      %jit3A_309 = arith.constant 4 : i32
      %div3A = arith.divsi %add3A_308, %jit3A_309 : i32
      %sign3A = arith.constant 0 : i32
      %sign3A_310 = arith.cmpi sgt, %add3A_308, %sign3A : i32
      %sign3A_311 = arith.extui %sign3A_310 : i1 to i32
      %sign3A_312 = arith.constant 0 : i32
      %sign3A_313 = arith.cmpi slt, %add3A_308, %sign3A_312 : i32
      %sign3A_314 = arith.extui %sign3A_313 : i1 to i32
      %sign3A_315 = arith.subi %sign3A_311, %sign3A_314 : i32
      %sign3A_316 = arith.constant 0 : i32
      %sign3A_317 = arith.cmpi sgt, %jit3A_309, %sign3A_316 : i32
      %sign3A_318 = arith.extui %sign3A_317 : i1 to i32
      %sign3A_319 = arith.constant 0 : i32
      %sign3A_320 = arith.cmpi slt, %jit3A_309, %sign3A_319 : i32
      %sign3A_321 = arith.extui %sign3A_320 : i1 to i32
      %sign3A_322 = arith.subi %sign3A_318, %sign3A_321 : i32
      %ne3A_323 = arith.cmpi ne, %sign3A_315, %sign3A_322 : i32
      %rem3A_324 = arith.remsi %add3A_308, %jit3A_309 : i32
      %ne3A_325 = arith.constant 0 : i32
      %ne3A_326 = arith.cmpi ne, %rem3A_324, %ne3A_325 : i32
      %and3A_327 = arith.andi %ne3A_323, %ne3A_326 : i1
      %sub3A = arith.constant 1 : i32
      %sub3A_328 = arith.subi %div3A, %sub3A : i32
      %select_n3A_329 = arith.select %and3A_327, %sub3A_328, %div3A : i32
      %mul3A_330 = arith.constant 8 : i32
      %mul3A_331 = arith.muli %select_n3A_329, %mul3A_330 : i32
      %jit3A_332 = arith.constant 4 : i32
      %eq3A_333 = arith.constant 0 : i32
      %eq3A_334 = arith.cmpi eq, %jit3A_332, %eq3A_333 : i32
      %jit3A_335 = arith.constant 1 : i32
      %select_n3A_336 = arith.select %eq3A_334, %jit3A_335, %jit3A_332 : i32
      %rem3A_337 = arith.remsi %add3A_308, %select_n3A_336 : i32
      %ne3A_338 = arith.constant 0 : i32
      %ne3A_339 = arith.cmpi ne, %rem3A_337, %ne3A_338 : i32
      %lt3A_340 = arith.constant 0 : i32
      %lt3A_341 = arith.cmpi slt, %rem3A_337, %lt3A_340 : i32
      %lt3A_342 = arith.constant 0 : i32
      %lt3A_343 = arith.cmpi slt, %select_n3A_336, %lt3A_342 : i32
      %ne3A_344 = arith.xori %lt3A_341, %lt3A_343 : i1
      %and3A_345 = arith.andi %ne3A_344, %ne3A_339 : i1
      %add3A_346 = arith.addi %rem3A_337, %select_n3A_336 : i32
      %select_n3A_347 = arith.select %and3A_345, %add3A_346, %rem3A_337 : i32
      %mul3A_348 = arith.constant 4096 : i32
      %mul3A_349 = arith.muli %select_n3A_347, %mul3A_348 : i32
      %dma_start3A = arith.constant 2 : i32
      %dma_start3A_350 = arith.constant 2 : i32
      %dma_start3A_351 = tpu.memref_slice %arg8[%dma_start3A_350] : memref<3x!tpu.dma_semaphore, #tpu.memory_space<semaphore_mem>> -> memref<1x!tpu.dma_semaphore, #tpu.memory_space<semaphore_mem>>
      %dma_start3A_352 = tpu.memref_squeeze %dma_start3A_351 : memref<1x!tpu.dma_semaphore, #tpu.memory_space<semaphore_mem>> -> memref<!tpu.dma_semaphore, #tpu.memory_space<semaphore_mem>>
      %dma_start3A_353 = tpu.memref_slice %arg4[%mul3A_331, %mul3A_349] : memref<832x16384xf32, #tpu.memory_space<hbm>> -> memref<8x4096xf32, #tpu.memory_space<hbm>>
      %dma_start3A_354 = arith.constant 0 : i32
      %dma_start3A_355 = arith.constant 0 : i32
      %dma_start3A_356 = tpu.memref_slice %arg6[%arg1, %dma_start3A, %dma_start3A_354, %dma_start3A_355] : memref<15x3x8x4096xf32, #tpu.memory_space<vmem_shared>> -> memref<1x1x8x4096xf32, #tpu.memory_space<vmem_shared>>
      %dma_start3A_357 = tpu.memref_squeeze %dma_start3A_356 : memref<1x1x8x4096xf32, #tpu.memory_space<vmem_shared>> -> memref<8x4096xf32, #tpu.memory_space<vmem_shared>>
      tpu.enqueue_dma source(%dma_start3A_357 : memref<8x4096xf32, #tpu.memory_space<vmem_shared>>) target(%dma_start3A_353 : memref<8x4096xf32, #tpu.memory_space<hbm>>) target_semaphore(%dma_start3A_352 : memref<!tpu.dma_semaphore, #tpu.memory_space<semaphore_mem>>)
    } else {
    }
    %add3A_60 = arith.constant 120 : i32
    %add3A_61 = arith.addi %add3A_60, %add3A : i32
    %lt3A_62 = arith.constant 416 : i32
    %lt3A_63 = arith.cmpi slt, %add3A_61, %lt3A_62 : i32
    %and3A_64 = arith.andi %lt3A_1, %lt3A_63 : i1
    %convert_element_type3A_65 = arith.extui %and3A_64 : i1 to i32
    %cond3A_66 = arith.constant 0 : i32
    %cond3A_67 = arith.cmpi ne, %convert_element_type3A_65, %cond3A_66 : i32
    scf.if %cond3A_67 {
      %add3A_282 = arith.constant 30 : i32
      %add3A_283 = arith.addi %add3A_282, %add3A : i32
      %jit3A = arith.constant 4 : i32
      %div3A = arith.divsi %add3A_283, %jit3A : i32
      %sign3A = arith.constant 0 : i32
      %sign3A_284 = arith.cmpi sgt, %add3A_283, %sign3A : i32
      %sign3A_285 = arith.extui %sign3A_284 : i1 to i32
      %sign3A_286 = arith.constant 0 : i32
      %sign3A_287 = arith.cmpi slt, %add3A_283, %sign3A_286 : i32
      %sign3A_288 = arith.extui %sign3A_287 : i1 to i32
      %sign3A_289 = arith.subi %sign3A_285, %sign3A_288 : i32
      %sign3A_290 = arith.constant 0 : i32
      %sign3A_291 = arith.cmpi sgt, %jit3A, %sign3A_290 : i32
      %sign3A_292 = arith.extui %sign3A_291 : i1 to i32
      %sign3A_293 = arith.constant 0 : i32
      %sign3A_294 = arith.cmpi slt, %jit3A, %sign3A_293 : i32
      %sign3A_295 = arith.extui %sign3A_294 : i1 to i32
      %sign3A_296 = arith.subi %sign3A_292, %sign3A_295 : i32
      %ne3A = arith.cmpi ne, %sign3A_289, %sign3A_296 : i32
      %rem3A = arith.remsi %add3A_283, %jit3A : i32
      %ne3A_297 = arith.constant 0 : i32
      %ne3A_298 = arith.cmpi ne, %rem3A, %ne3A_297 : i32
      %and3A_299 = arith.andi %ne3A, %ne3A_298 : i1
      %sub3A = arith.constant 1 : i32
      %sub3A_300 = arith.subi %div3A, %sub3A : i32
      %select_n3A = arith.select %and3A_299, %sub3A_300, %div3A : i32
      %mul3A_301 = arith.constant 8 : i32
      %mul3A_302 = arith.muli %select_n3A, %mul3A_301 : i32
      %jit3A_303 = arith.constant 4 : i32
      %eq3A = arith.constant 0 : i32
      %eq3A_304 = arith.cmpi eq, %jit3A_303, %eq3A : i32
      %jit3A_305 = arith.constant 1 : i32
      %select_n3A_306 = arith.select %eq3A_304, %jit3A_305, %jit3A_303 : i32
      %rem3A_307 = arith.remsi %add3A_283, %select_n3A_306 : i32
      %ne3A_308 = arith.constant 0 : i32
      %ne3A_309 = arith.cmpi ne, %rem3A_307, %ne3A_308 : i32
      %lt3A_310 = arith.constant 0 : i32
      %lt3A_311 = arith.cmpi slt, %rem3A_307, %lt3A_310 : i32
      %lt3A_312 = arith.constant 0 : i32
      %lt3A_313 = arith.cmpi slt, %select_n3A_306, %lt3A_312 : i32
      %ne3A_314 = arith.xori %lt3A_311, %lt3A_313 : i1
      %and3A_315 = arith.andi %ne3A_314, %ne3A_309 : i1
      %add3A_316 = arith.addi %rem3A_307, %select_n3A_306 : i32
      %select_n3A_317 = arith.select %and3A_315, %add3A_316, %rem3A_307 : i32
      %mul3A_318 = arith.constant 4096 : i32
      %mul3A_319 = arith.muli %select_n3A_317, %mul3A_318 : i32
      %dma_wait3A = arith.constant 1 : i32
      %dma_wait3A_320 = arith.constant 1 : i32
      %dma_wait3A_321 = tpu.memref_slice %arg8[%dma_wait3A_320] : memref<3x!tpu.dma_semaphore, #tpu.memory_space<semaphore_mem>> -> memref<1x!tpu.dma_semaphore, #tpu.memory_space<semaphore_mem>>
      %dma_wait3A_322 = tpu.memref_squeeze %dma_wait3A_321 : memref<1x!tpu.dma_semaphore, #tpu.memory_space<semaphore_mem>> -> memref<!tpu.dma_semaphore, #tpu.memory_space<semaphore_mem>>
      %dma_wait3A_323 = tpu.memref_slice %arg4[%mul3A_302, %mul3A_319] : memref<832x16384xf32, #tpu.memory_space<hbm>> -> memref<8x4096xf32, #tpu.memory_space<hbm>>
      %dma_wait3A_324 = arith.constant 0 : i32
      %dma_wait3A_325 = arith.constant 0 : i32
      %dma_wait3A_326 = tpu.memref_slice %arg6[%arg1, %dma_wait3A, %dma_wait3A_324, %dma_wait3A_325] : memref<15x3x8x4096xf32, #tpu.memory_space<vmem_shared>> -> memref<1x1x8x4096xf32, #tpu.memory_space<vmem_shared>>
      %dma_wait3A_327 = tpu.memref_squeeze %dma_wait3A_326 : memref<1x1x8x4096xf32, #tpu.memory_space<vmem_shared>> -> memref<8x4096xf32, #tpu.memory_space<vmem_shared>>
      tpu.wait_dma2 semaphore(%dma_wait3A_322 : memref<!tpu.dma_semaphore, #tpu.memory_space<semaphore_mem>>) src(%dma_wait3A_327 : memref<8x4096xf32, #tpu.memory_space<vmem_shared>>) dst(%dma_wait3A_323 : memref<8x4096xf32, #tpu.memory_space<hbm>>)
      %add3A_328 = arith.constant 120 : i32
      %add3A_329 = arith.addi %add3A_328, %add3A : i32
      %slice3A = vector.extract_strided_slice %get3A_4 {offsets = [4], sizes = [1], strides = [1]} : vector<16xi32> to vector<1xi32>
      %squeeze3A = vector.extract %slice3A[0] : i32 from vector<1xi32>
      %mul3A_330 = arith.constant 8 : i32
      %mul3A_331 = arith.muli %squeeze3A, %mul3A_330 : i32
      %jit3A_332 = arith.constant 4 : i32
      %eq3A_333 = arith.constant 0 : i32
      %eq3A_334 = arith.cmpi eq, %jit3A_332, %eq3A_333 : i32
      %jit3A_335 = arith.constant 1 : i32
      %select_n3A_336 = arith.select %eq3A_334, %jit3A_335, %jit3A_332 : i32
      %rem3A_337 = arith.remsi %add3A_329, %select_n3A_336 : i32
      %ne3A_338 = arith.constant 0 : i32
      %ne3A_339 = arith.cmpi ne, %rem3A_337, %ne3A_338 : i32
      %lt3A_340 = arith.constant 0 : i32
      %lt3A_341 = arith.cmpi slt, %rem3A_337, %lt3A_340 : i32
      %lt3A_342 = arith.constant 0 : i32
      %lt3A_343 = arith.cmpi slt, %select_n3A_336, %lt3A_342 : i32
      %ne3A_344 = arith.xori %lt3A_341, %lt3A_343 : i1
      %and3A_345 = arith.andi %ne3A_344, %ne3A_339 : i1
      %add3A_346 = arith.addi %rem3A_337, %select_n3A_336 : i32
      %select_n3A_347 = arith.select %and3A_345, %add3A_346, %rem3A_337 : i32
      %mul3A_348 = arith.constant 4096 : i32
      %mul3A_349 = arith.muli %select_n3A_347, %mul3A_348 : i32
      %dma_start3A = arith.constant 1 : i32
      %dma_start3A_350 = arith.constant 1 : i32
      %dma_start3A_351 = tpu.memref_slice %arg7[%dma_start3A_350] : memref<3x!tpu.dma_semaphore, #tpu.memory_space<semaphore_mem>> -> memref<1x!tpu.dma_semaphore, #tpu.memory_space<semaphore_mem>>
      %dma_start3A_352 = tpu.memref_squeeze %dma_start3A_351 : memref<1x!tpu.dma_semaphore, #tpu.memory_space<semaphore_mem>> -> memref<!tpu.dma_semaphore, #tpu.memory_space<semaphore_mem>>
      %dma_start3A_353 = arith.constant 0 : i32
      %dma_start3A_354 = arith.constant 0 : i32
      %dma_start3A_355 = tpu.memref_slice %arg6[%arg1, %dma_start3A, %dma_start3A_353, %dma_start3A_354] : memref<15x3x8x4096xf32, #tpu.memory_space<vmem_shared>> -> memref<1x1x8x4096xf32, #tpu.memory_space<vmem_shared>>
      %dma_start3A_356 = tpu.memref_squeeze %dma_start3A_355 : memref<1x1x8x4096xf32, #tpu.memory_space<vmem_shared>> -> memref<8x4096xf32, #tpu.memory_space<vmem_shared>>
      %dma_start3A_357 = tpu.memref_slice %arg2[%mul3A_331, %mul3A_349] : memref<3200x16384xf32, #tpu.memory_space<hbm>> -> memref<8x4096xf32, #tpu.memory_space<hbm>>
      tpu.enqueue_dma source(%dma_start3A_357 : memref<8x4096xf32, #tpu.memory_space<hbm>>) target(%dma_start3A_356 : memref<8x4096xf32, #tpu.memory_space<vmem_shared>>) target_semaphore(%dma_start3A_352 : memref<!tpu.dma_semaphore, #tpu.memory_space<semaphore_mem>>)
    } else {
    }
    %add3A_68 = arith.constant 90 : i32
    %add3A_69 = arith.addi %add3A_68, %add3A : i32
    %lt3A_70 = arith.constant 416 : i32
    %lt3A_71 = arith.cmpi slt, %add3A_69, %lt3A_70 : i32
    %and3A_72 = arith.andi %lt3A_1, %lt3A_71 : i1
    %convert_element_type3A_73 = arith.extui %and3A_72 : i1 to i32
    %cond3A_74 = arith.constant 0 : i32
    %cond3A_75 = arith.cmpi ne, %convert_element_type3A_73, %cond3A_74 : i32
    scf.if %cond3A_75 {
      %add3A_282 = arith.constant 90 : i32
      %add3A_283 = arith.addi %add3A_282, %add3A : i32
      %slice3A = vector.extract_strided_slice %get3A_4 {offsets = [3], sizes = [1], strides = [1]} : vector<16xi32> to vector<1xi32>
      %squeeze3A = vector.extract %slice3A[0] : i32 from vector<1xi32>
      %mul3A_284 = arith.constant 8 : i32
      %mul3A_285 = arith.muli %squeeze3A, %mul3A_284 : i32
      %jit3A = arith.constant 4 : i32
      %eq3A = arith.constant 0 : i32
      %eq3A_286 = arith.cmpi eq, %jit3A, %eq3A : i32
      %jit3A_287 = arith.constant 1 : i32
      %select_n3A = arith.select %eq3A_286, %jit3A_287, %jit3A : i32
      %rem3A = arith.remsi %add3A_283, %select_n3A : i32
      %ne3A = arith.constant 0 : i32
      %ne3A_288 = arith.cmpi ne, %rem3A, %ne3A : i32
      %lt3A_289 = arith.constant 0 : i32
      %lt3A_290 = arith.cmpi slt, %rem3A, %lt3A_289 : i32
      %lt3A_291 = arith.constant 0 : i32
      %lt3A_292 = arith.cmpi slt, %select_n3A, %lt3A_291 : i32
      %ne3A_293 = arith.xori %lt3A_290, %lt3A_292 : i1
      %and3A_294 = arith.andi %ne3A_293, %ne3A_288 : i1
      %add3A_295 = arith.addi %rem3A, %select_n3A : i32
      %select_n3A_296 = arith.select %and3A_294, %add3A_295, %rem3A : i32
      %mul3A_297 = arith.constant 4096 : i32
      %mul3A_298 = arith.muli %select_n3A_296, %mul3A_297 : i32
      %dma_wait3A = arith.constant 0 : i32
      %dma_wait3A_299 = arith.constant 0 : i32
      %dma_wait3A_300 = tpu.memref_slice %arg7[%dma_wait3A_299] : memref<3x!tpu.dma_semaphore, #tpu.memory_space<semaphore_mem>> -> memref<1x!tpu.dma_semaphore, #tpu.memory_space<semaphore_mem>>
      %dma_wait3A_301 = tpu.memref_squeeze %dma_wait3A_300 : memref<1x!tpu.dma_semaphore, #tpu.memory_space<semaphore_mem>> -> memref<!tpu.dma_semaphore, #tpu.memory_space<semaphore_mem>>
      %dma_wait3A_302 = arith.constant 0 : i32
      %dma_wait3A_303 = arith.constant 0 : i32
      %dma_wait3A_304 = tpu.memref_slice %arg6[%arg1, %dma_wait3A, %dma_wait3A_302, %dma_wait3A_303] : memref<15x3x8x4096xf32, #tpu.memory_space<vmem_shared>> -> memref<1x1x8x4096xf32, #tpu.memory_space<vmem_shared>>
      %dma_wait3A_305 = tpu.memref_squeeze %dma_wait3A_304 : memref<1x1x8x4096xf32, #tpu.memory_space<vmem_shared>> -> memref<8x4096xf32, #tpu.memory_space<vmem_shared>>
      %dma_wait3A_306 = tpu.memref_slice %arg2[%mul3A_285, %mul3A_298] : memref<3200x16384xf32, #tpu.memory_space<hbm>> -> memref<8x4096xf32, #tpu.memory_space<hbm>>
      tpu.wait_dma2 semaphore(%dma_wait3A_301 : memref<!tpu.dma_semaphore, #tpu.memory_space<semaphore_mem>>) src(%dma_wait3A_306 : memref<8x4096xf32, #tpu.memory_space<hbm>>) dst(%dma_wait3A_305 : memref<8x4096xf32, #tpu.memory_space<vmem_shared>>)
      %add3A_307 = arith.constant 90 : i32
      %add3A_308 = arith.addi %add3A_307, %add3A : i32
      %jit3A_309 = arith.constant 4 : i32
      %div3A = arith.divsi %add3A_308, %jit3A_309 : i32
      %sign3A = arith.constant 0 : i32
      %sign3A_310 = arith.cmpi sgt, %add3A_308, %sign3A : i32
      %sign3A_311 = arith.extui %sign3A_310 : i1 to i32
      %sign3A_312 = arith.constant 0 : i32
      %sign3A_313 = arith.cmpi slt, %add3A_308, %sign3A_312 : i32
      %sign3A_314 = arith.extui %sign3A_313 : i1 to i32
      %sign3A_315 = arith.subi %sign3A_311, %sign3A_314 : i32
      %sign3A_316 = arith.constant 0 : i32
      %sign3A_317 = arith.cmpi sgt, %jit3A_309, %sign3A_316 : i32
      %sign3A_318 = arith.extui %sign3A_317 : i1 to i32
      %sign3A_319 = arith.constant 0 : i32
      %sign3A_320 = arith.cmpi slt, %jit3A_309, %sign3A_319 : i32
      %sign3A_321 = arith.extui %sign3A_320 : i1 to i32
      %sign3A_322 = arith.subi %sign3A_318, %sign3A_321 : i32
      %ne3A_323 = arith.cmpi ne, %sign3A_315, %sign3A_322 : i32
      %rem3A_324 = arith.remsi %add3A_308, %jit3A_309 : i32
      %ne3A_325 = arith.constant 0 : i32
      %ne3A_326 = arith.cmpi ne, %rem3A_324, %ne3A_325 : i32
      %and3A_327 = arith.andi %ne3A_323, %ne3A_326 : i1
      %sub3A = arith.constant 1 : i32
      %sub3A_328 = arith.subi %div3A, %sub3A : i32
      %select_n3A_329 = arith.select %and3A_327, %sub3A_328, %div3A : i32
      %mul3A_330 = arith.constant 8 : i32
      %mul3A_331 = arith.muli %select_n3A_329, %mul3A_330 : i32
      %jit3A_332 = arith.constant 4 : i32
      %eq3A_333 = arith.constant 0 : i32
      %eq3A_334 = arith.cmpi eq, %jit3A_332, %eq3A_333 : i32
      %jit3A_335 = arith.constant 1 : i32
      %select_n3A_336 = arith.select %eq3A_334, %jit3A_335, %jit3A_332 : i32
      %rem3A_337 = arith.remsi %add3A_308, %select_n3A_336 : i32
      %ne3A_338 = arith.constant 0 : i32
      %ne3A_339 = arith.cmpi ne, %rem3A_337, %ne3A_338 : i32
      %lt3A_340 = arith.constant 0 : i32
      %lt3A_341 = arith.cmpi slt, %rem3A_337, %lt3A_340 : i32
      %lt3A_342 = arith.constant 0 : i32
      %lt3A_343 = arith.cmpi slt, %select_n3A_336, %lt3A_342 : i32
      %ne3A_344 = arith.xori %lt3A_341, %lt3A_343 : i1
      %and3A_345 = arith.andi %ne3A_344, %ne3A_339 : i1
      %add3A_346 = arith.addi %rem3A_337, %select_n3A_336 : i32
      %select_n3A_347 = arith.select %and3A_345, %add3A_346, %rem3A_337 : i32
      %mul3A_348 = arith.constant 4096 : i32
      %mul3A_349 = arith.muli %select_n3A_347, %mul3A_348 : i32
      %dma_start3A = arith.constant 0 : i32
      %dma_start3A_350 = arith.constant 0 : i32
      %dma_start3A_351 = tpu.memref_slice %arg8[%dma_start3A_350] : memref<3x!tpu.dma_semaphore, #tpu.memory_space<semaphore_mem>> -> memref<1x!tpu.dma_semaphore, #tpu.memory_space<semaphore_mem>>
      %dma_start3A_352 = tpu.memref_squeeze %dma_start3A_351 : memref<1x!tpu.dma_semaphore, #tpu.memory_space<semaphore_mem>> -> memref<!tpu.dma_semaphore, #tpu.memory_space<semaphore_mem>>
      %dma_start3A_353 = tpu.memref_slice %arg4[%mul3A_331, %mul3A_349] : memref<832x16384xf32, #tpu.memory_space<hbm>> -> memref<8x4096xf32, #tpu.memory_space<hbm>>
      %dma_start3A_354 = arith.constant 0 : i32
      %dma_start3A_355 = arith.constant 0 : i32
      %dma_start3A_356 = tpu.memref_slice %arg6[%arg1, %dma_start3A, %dma_start3A_354, %dma_start3A_355] : memref<15x3x8x4096xf32, #tpu.memory_space<vmem_shared>> -> memref<1x1x8x4096xf32, #tpu.memory_space<vmem_shared>>
      %dma_start3A_357 = tpu.memref_squeeze %dma_start3A_356 : memref<1x1x8x4096xf32, #tpu.memory_space<vmem_shared>> -> memref<8x4096xf32, #tpu.memory_space<vmem_shared>>
      tpu.enqueue_dma source(%dma_start3A_357 : memref<8x4096xf32, #tpu.memory_space<vmem_shared>>) target(%dma_start3A_353 : memref<8x4096xf32, #tpu.memory_space<hbm>>) target_semaphore(%dma_start3A_352 : memref<!tpu.dma_semaphore, #tpu.memory_space<semaphore_mem>>)
    } else {
    }
    %add3A_76 = arith.constant 150 : i32
    %add3A_77 = arith.addi %add3A_76, %add3A : i32
    %lt3A_78 = arith.constant 416 : i32
    %lt3A_79 = arith.cmpi slt, %add3A_77, %lt3A_78 : i32
    %and3A_80 = arith.andi %lt3A_1, %lt3A_79 : i1
    %convert_element_type3A_81 = arith.extui %and3A_80 : i1 to i32
    %cond3A_82 = arith.constant 0 : i32
    %cond3A_83 = arith.cmpi ne, %convert_element_type3A_81, %cond3A_82 : i32
    scf.if %cond3A_83 {
      %add3A_282 = arith.constant 60 : i32
      %add3A_283 = arith.addi %add3A_282, %add3A : i32
      %jit3A = arith.constant 4 : i32
      %div3A = arith.divsi %add3A_283, %jit3A : i32
      %sign3A = arith.constant 0 : i32
      %sign3A_284 = arith.cmpi sgt, %add3A_283, %sign3A : i32
      %sign3A_285 = arith.extui %sign3A_284 : i1 to i32
      %sign3A_286 = arith.constant 0 : i32
      %sign3A_287 = arith.cmpi slt, %add3A_283, %sign3A_286 : i32
      %sign3A_288 = arith.extui %sign3A_287 : i1 to i32
      %sign3A_289 = arith.subi %sign3A_285, %sign3A_288 : i32
      %sign3A_290 = arith.constant 0 : i32
      %sign3A_291 = arith.cmpi sgt, %jit3A, %sign3A_290 : i32
      %sign3A_292 = arith.extui %sign3A_291 : i1 to i32
      %sign3A_293 = arith.constant 0 : i32
      %sign3A_294 = arith.cmpi slt, %jit3A, %sign3A_293 : i32
      %sign3A_295 = arith.extui %sign3A_294 : i1 to i32
      %sign3A_296 = arith.subi %sign3A_292, %sign3A_295 : i32
      %ne3A = arith.cmpi ne, %sign3A_289, %sign3A_296 : i32
      %rem3A = arith.remsi %add3A_283, %jit3A : i32
      %ne3A_297 = arith.constant 0 : i32
      %ne3A_298 = arith.cmpi ne, %rem3A, %ne3A_297 : i32
      %and3A_299 = arith.andi %ne3A, %ne3A_298 : i1
      %sub3A = arith.constant 1 : i32
      %sub3A_300 = arith.subi %div3A, %sub3A : i32
      %select_n3A = arith.select %and3A_299, %sub3A_300, %div3A : i32
      %mul3A_301 = arith.constant 8 : i32
      %mul3A_302 = arith.muli %select_n3A, %mul3A_301 : i32
      %jit3A_303 = arith.constant 4 : i32
      %eq3A = arith.constant 0 : i32
      %eq3A_304 = arith.cmpi eq, %jit3A_303, %eq3A : i32
      %jit3A_305 = arith.constant 1 : i32
      %select_n3A_306 = arith.select %eq3A_304, %jit3A_305, %jit3A_303 : i32
      %rem3A_307 = arith.remsi %add3A_283, %select_n3A_306 : i32
      %ne3A_308 = arith.constant 0 : i32
      %ne3A_309 = arith.cmpi ne, %rem3A_307, %ne3A_308 : i32
      %lt3A_310 = arith.constant 0 : i32
      %lt3A_311 = arith.cmpi slt, %rem3A_307, %lt3A_310 : i32
      %lt3A_312 = arith.constant 0 : i32
      %lt3A_313 = arith.cmpi slt, %select_n3A_306, %lt3A_312 : i32
      %ne3A_314 = arith.xori %lt3A_311, %lt3A_313 : i1
      %and3A_315 = arith.andi %ne3A_314, %ne3A_309 : i1
      %add3A_316 = arith.addi %rem3A_307, %select_n3A_306 : i32
      %select_n3A_317 = arith.select %and3A_315, %add3A_316, %rem3A_307 : i32
      %mul3A_318 = arith.constant 4096 : i32
      %mul3A_319 = arith.muli %select_n3A_317, %mul3A_318 : i32
      %dma_wait3A = arith.constant 2 : i32
      %dma_wait3A_320 = arith.constant 2 : i32
      %dma_wait3A_321 = tpu.memref_slice %arg8[%dma_wait3A_320] : memref<3x!tpu.dma_semaphore, #tpu.memory_space<semaphore_mem>> -> memref<1x!tpu.dma_semaphore, #tpu.memory_space<semaphore_mem>>
      %dma_wait3A_322 = tpu.memref_squeeze %dma_wait3A_321 : memref<1x!tpu.dma_semaphore, #tpu.memory_space<semaphore_mem>> -> memref<!tpu.dma_semaphore, #tpu.memory_space<semaphore_mem>>
      %dma_wait3A_323 = tpu.memref_slice %arg4[%mul3A_302, %mul3A_319] : memref<832x16384xf32, #tpu.memory_space<hbm>> -> memref<8x4096xf32, #tpu.memory_space<hbm>>
      %dma_wait3A_324 = arith.constant 0 : i32
      %dma_wait3A_325 = arith.constant 0 : i32
      %dma_wait3A_326 = tpu.memref_slice %arg6[%arg1, %dma_wait3A, %dma_wait3A_324, %dma_wait3A_325] : memref<15x3x8x4096xf32, #tpu.memory_space<vmem_shared>> -> memref<1x1x8x4096xf32, #tpu.memory_space<vmem_shared>>
      %dma_wait3A_327 = tpu.memref_squeeze %dma_wait3A_326 : memref<1x1x8x4096xf32, #tpu.memory_space<vmem_shared>> -> memref<8x4096xf32, #tpu.memory_space<vmem_shared>>
      tpu.wait_dma2 semaphore(%dma_wait3A_322 : memref<!tpu.dma_semaphore, #tpu.memory_space<semaphore_mem>>) src(%dma_wait3A_327 : memref<8x4096xf32, #tpu.memory_space<vmem_shared>>) dst(%dma_wait3A_323 : memref<8x4096xf32, #tpu.memory_space<hbm>>)
      %add3A_328 = arith.constant 150 : i32
      %add3A_329 = arith.addi %add3A_328, %add3A : i32
      %slice3A = vector.extract_strided_slice %get3A_4 {offsets = [5], sizes = [1], strides = [1]} : vector<16xi32> to vector<1xi32>
      %squeeze3A = vector.extract %slice3A[0] : i32 from vector<1xi32>
      %mul3A_330 = arith.constant 8 : i32
      %mul3A_331 = arith.muli %squeeze3A, %mul3A_330 : i32
      %jit3A_332 = arith.constant 4 : i32
      %eq3A_333 = arith.constant 0 : i32
      %eq3A_334 = arith.cmpi eq, %jit3A_332, %eq3A_333 : i32
      %jit3A_335 = arith.constant 1 : i32
      %select_n3A_336 = arith.select %eq3A_334, %jit3A_335, %jit3A_332 : i32
      %rem3A_337 = arith.remsi %add3A_329, %select_n3A_336 : i32
      %ne3A_338 = arith.constant 0 : i32
      %ne3A_339 = arith.cmpi ne, %rem3A_337, %ne3A_338 : i32
      %lt3A_340 = arith.constant 0 : i32
      %lt3A_341 = arith.cmpi slt, %rem3A_337, %lt3A_340 : i32
      %lt3A_342 = arith.constant 0 : i32
      %lt3A_343 = arith.cmpi slt, %select_n3A_336, %lt3A_342 : i32
      %ne3A_344 = arith.xori %lt3A_341, %lt3A_343 : i1
      %and3A_345 = arith.andi %ne3A_344, %ne3A_339 : i1
      %add3A_346 = arith.addi %rem3A_337, %select_n3A_336 : i32
      %select_n3A_347 = arith.select %and3A_345, %add3A_346, %rem3A_337 : i32
      %mul3A_348 = arith.constant 4096 : i32
      %mul3A_349 = arith.muli %select_n3A_347, %mul3A_348 : i32
      %dma_start3A = arith.constant 2 : i32
      %dma_start3A_350 = arith.constant 2 : i32
      %dma_start3A_351 = tpu.memref_slice %arg7[%dma_start3A_350] : memref<3x!tpu.dma_semaphore, #tpu.memory_space<semaphore_mem>> -> memref<1x!tpu.dma_semaphore, #tpu.memory_space<semaphore_mem>>
      %dma_start3A_352 = tpu.memref_squeeze %dma_start3A_351 : memref<1x!tpu.dma_semaphore, #tpu.memory_space<semaphore_mem>> -> memref<!tpu.dma_semaphore, #tpu.memory_space<semaphore_mem>>
      %dma_start3A_353 = arith.constant 0 : i32
      %dma_start3A_354 = arith.constant 0 : i32
      %dma_start3A_355 = tpu.memref_slice %arg6[%arg1, %dma_start3A, %dma_start3A_353, %dma_start3A_354] : memref<15x3x8x4096xf32, #tpu.memory_space<vmem_shared>> -> memref<1x1x8x4096xf32, #tpu.memory_space<vmem_shared>>
      %dma_start3A_356 = tpu.memref_squeeze %dma_start3A_355 : memref<1x1x8x4096xf32, #tpu.memory_space<vmem_shared>> -> memref<8x4096xf32, #tpu.memory_space<vmem_shared>>
      %dma_start3A_357 = tpu.memref_slice %arg2[%mul3A_331, %mul3A_349] : memref<3200x16384xf32, #tpu.memory_space<hbm>> -> memref<8x4096xf32, #tpu.memory_space<hbm>>
      tpu.enqueue_dma source(%dma_start3A_357 : memref<8x4096xf32, #tpu.memory_space<hbm>>) target(%dma_start3A_356 : memref<8x4096xf32, #tpu.memory_space<vmem_shared>>) target_semaphore(%dma_start3A_352 : memref<!tpu.dma_semaphore, #tpu.memory_space<semaphore_mem>>)
    } else {
    }
    %add3A_84 = arith.constant 120 : i32
    %add3A_85 = arith.addi %add3A_84, %add3A : i32
    %lt3A_86 = arith.constant 416 : i32
    %lt3A_87 = arith.cmpi slt, %add3A_85, %lt3A_86 : i32
    %and3A_88 = arith.andi %lt3A_1, %lt3A_87 : i1
    %convert_element_type3A_89 = arith.extui %and3A_88 : i1 to i32
    %cond3A_90 = arith.constant 0 : i32
    %cond3A_91 = arith.cmpi ne, %convert_element_type3A_89, %cond3A_90 : i32
    scf.if %cond3A_91 {
      %add3A_282 = arith.constant 120 : i32
      %add3A_283 = arith.addi %add3A_282, %add3A : i32
      %slice3A = vector.extract_strided_slice %get3A_4 {offsets = [4], sizes = [1], strides = [1]} : vector<16xi32> to vector<1xi32>
      %squeeze3A = vector.extract %slice3A[0] : i32 from vector<1xi32>
      %mul3A_284 = arith.constant 8 : i32
      %mul3A_285 = arith.muli %squeeze3A, %mul3A_284 : i32
      %jit3A = arith.constant 4 : i32
      %eq3A = arith.constant 0 : i32
      %eq3A_286 = arith.cmpi eq, %jit3A, %eq3A : i32
      %jit3A_287 = arith.constant 1 : i32
      %select_n3A = arith.select %eq3A_286, %jit3A_287, %jit3A : i32
      %rem3A = arith.remsi %add3A_283, %select_n3A : i32
      %ne3A = arith.constant 0 : i32
      %ne3A_288 = arith.cmpi ne, %rem3A, %ne3A : i32
      %lt3A_289 = arith.constant 0 : i32
      %lt3A_290 = arith.cmpi slt, %rem3A, %lt3A_289 : i32
      %lt3A_291 = arith.constant 0 : i32
      %lt3A_292 = arith.cmpi slt, %select_n3A, %lt3A_291 : i32
      %ne3A_293 = arith.xori %lt3A_290, %lt3A_292 : i1
      %and3A_294 = arith.andi %ne3A_293, %ne3A_288 : i1
      %add3A_295 = arith.addi %rem3A, %select_n3A : i32
      %select_n3A_296 = arith.select %and3A_294, %add3A_295, %rem3A : i32
      %mul3A_297 = arith.constant 4096 : i32
      %mul3A_298 = arith.muli %select_n3A_296, %mul3A_297 : i32
      %dma_wait3A = arith.constant 1 : i32
      %dma_wait3A_299 = arith.constant 1 : i32
      %dma_wait3A_300 = tpu.memref_slice %arg7[%dma_wait3A_299] : memref<3x!tpu.dma_semaphore, #tpu.memory_space<semaphore_mem>> -> memref<1x!tpu.dma_semaphore, #tpu.memory_space<semaphore_mem>>
      %dma_wait3A_301 = tpu.memref_squeeze %dma_wait3A_300 : memref<1x!tpu.dma_semaphore, #tpu.memory_space<semaphore_mem>> -> memref<!tpu.dma_semaphore, #tpu.memory_space<semaphore_mem>>
      %dma_wait3A_302 = arith.constant 0 : i32
      %dma_wait3A_303 = arith.constant 0 : i32
      %dma_wait3A_304 = tpu.memref_slice %arg6[%arg1, %dma_wait3A, %dma_wait3A_302, %dma_wait3A_303] : memref<15x3x8x4096xf32, #tpu.memory_space<vmem_shared>> -> memref<1x1x8x4096xf32, #tpu.memory_space<vmem_shared>>
      %dma_wait3A_305 = tpu.memref_squeeze %dma_wait3A_304 : memref<1x1x8x4096xf32, #tpu.memory_space<vmem_shared>> -> memref<8x4096xf32, #tpu.memory_space<vmem_shared>>
      %dma_wait3A_306 = tpu.memref_slice %arg2[%mul3A_285, %mul3A_298] : memref<3200x16384xf32, #tpu.memory_space<hbm>> -> memref<8x4096xf32, #tpu.memory_space<hbm>>
      tpu.wait_dma2 semaphore(%dma_wait3A_301 : memref<!tpu.dma_semaphore, #tpu.memory_space<semaphore_mem>>) src(%dma_wait3A_306 : memref<8x4096xf32, #tpu.memory_space<hbm>>) dst(%dma_wait3A_305 : memref<8x4096xf32, #tpu.memory_space<vmem_shared>>)
      %add3A_307 = arith.constant 120 : i32
      %add3A_308 = arith.addi %add3A_307, %add3A : i32
      %jit3A_309 = arith.constant 4 : i32
      %div3A = arith.divsi %add3A_308, %jit3A_309 : i32
      %sign3A = arith.constant 0 : i32
      %sign3A_310 = arith.cmpi sgt, %add3A_308, %sign3A : i32
      %sign3A_311 = arith.extui %sign3A_310 : i1 to i32
      %sign3A_312 = arith.constant 0 : i32
      %sign3A_313 = arith.cmpi slt, %add3A_308, %sign3A_312 : i32
      %sign3A_314 = arith.extui %sign3A_313 : i1 to i32
      %sign3A_315 = arith.subi %sign3A_311, %sign3A_314 : i32
      %sign3A_316 = arith.constant 0 : i32
      %sign3A_317 = arith.cmpi sgt, %jit3A_309, %sign3A_316 : i32
      %sign3A_318 = arith.extui %sign3A_317 : i1 to i32
      %sign3A_319 = arith.constant 0 : i32
      %sign3A_320 = arith.cmpi slt, %jit3A_309, %sign3A_319 : i32
      %sign3A_321 = arith.extui %sign3A_320 : i1 to i32
      %sign3A_322 = arith.subi %sign3A_318, %sign3A_321 : i32
      %ne3A_323 = arith.cmpi ne, %sign3A_315, %sign3A_322 : i32
      %rem3A_324 = arith.remsi %add3A_308, %jit3A_309 : i32
      %ne3A_325 = arith.constant 0 : i32
      %ne3A_326 = arith.cmpi ne, %rem3A_324, %ne3A_325 : i32
      %and3A_327 = arith.andi %ne3A_323, %ne3A_326 : i1
      %sub3A = arith.constant 1 : i32
      %sub3A_328 = arith.subi %div3A, %sub3A : i32
      %select_n3A_329 = arith.select %and3A_327, %sub3A_328, %div3A : i32
      %mul3A_330 = arith.constant 8 : i32
      %mul3A_331 = arith.muli %select_n3A_329, %mul3A_330 : i32
      %jit3A_332 = arith.constant 4 : i32
      %eq3A_333 = arith.constant 0 : i32
      %eq3A_334 = arith.cmpi eq, %jit3A_332, %eq3A_333 : i32
      %jit3A_335 = arith.constant 1 : i32
      %select_n3A_336 = arith.select %eq3A_334, %jit3A_335, %jit3A_332 : i32
      %rem3A_337 = arith.remsi %add3A_308, %select_n3A_336 : i32
      %ne3A_338 = arith.constant 0 : i32
      %ne3A_339 = arith.cmpi ne, %rem3A_337, %ne3A_338 : i32
      %lt3A_340 = arith.constant 0 : i32
      %lt3A_341 = arith.cmpi slt, %rem3A_337, %lt3A_340 : i32
      %lt3A_342 = arith.constant 0 : i32
      %lt3A_343 = arith.cmpi slt, %select_n3A_336, %lt3A_342 : i32
      %ne3A_344 = arith.xori %lt3A_341, %lt3A_343 : i1
      %and3A_345 = arith.andi %ne3A_344, %ne3A_339 : i1
      %add3A_346 = arith.addi %rem3A_337, %select_n3A_336 : i32
      %select_n3A_347 = arith.select %and3A_345, %add3A_346, %rem3A_337 : i32
      %mul3A_348 = arith.constant 4096 : i32
      %mul3A_349 = arith.muli %select_n3A_347, %mul3A_348 : i32
      %dma_start3A = arith.constant 1 : i32
      %dma_start3A_350 = arith.constant 1 : i32
      %dma_start3A_351 = tpu.memref_slice %arg8[%dma_start3A_350] : memref<3x!tpu.dma_semaphore, #tpu.memory_space<semaphore_mem>> -> memref<1x!tpu.dma_semaphore, #tpu.memory_space<semaphore_mem>>
      %dma_start3A_352 = tpu.memref_squeeze %dma_start3A_351 : memref<1x!tpu.dma_semaphore, #tpu.memory_space<semaphore_mem>> -> memref<!tpu.dma_semaphore, #tpu.memory_space<semaphore_mem>>
      %dma_start3A_353 = tpu.memref_slice %arg4[%mul3A_331, %mul3A_349] : memref<832x16384xf32, #tpu.memory_space<hbm>> -> memref<8x4096xf32, #tpu.memory_space<hbm>>
      %dma_start3A_354 = arith.constant 0 : i32
      %dma_start3A_355 = arith.constant 0 : i32
      %dma_start3A_356 = tpu.memref_slice %arg6[%arg1, %dma_start3A, %dma_start3A_354, %dma_start3A_355] : memref<15x3x8x4096xf32, #tpu.memory_space<vmem_shared>> -> memref<1x1x8x4096xf32, #tpu.memory_space<vmem_shared>>
      %dma_start3A_357 = tpu.memref_squeeze %dma_start3A_356 : memref<1x1x8x4096xf32, #tpu.memory_space<vmem_shared>> -> memref<8x4096xf32, #tpu.memory_space<vmem_shared>>
      tpu.enqueue_dma source(%dma_start3A_357 : memref<8x4096xf32, #tpu.memory_space<vmem_shared>>) target(%dma_start3A_353 : memref<8x4096xf32, #tpu.memory_space<hbm>>) target_semaphore(%dma_start3A_352 : memref<!tpu.dma_semaphore, #tpu.memory_space<semaphore_mem>>)
    } else {
    }
    %add3A_92 = arith.constant 180 : i32
    %add3A_93 = arith.addi %add3A_92, %add3A : i32
    %lt3A_94 = arith.constant 416 : i32
    %lt3A_95 = arith.cmpi slt, %add3A_93, %lt3A_94 : i32
    %and3A_96 = arith.andi %lt3A_1, %lt3A_95 : i1
    %convert_element_type3A_97 = arith.extui %and3A_96 : i1 to i32
    %cond3A_98 = arith.constant 0 : i32
    %cond3A_99 = arith.cmpi ne, %convert_element_type3A_97, %cond3A_98 : i32
    scf.if %cond3A_99 {
      %add3A_282 = arith.constant 90 : i32
      %add3A_283 = arith.addi %add3A_282, %add3A : i32
      %jit3A = arith.constant 4 : i32
      %div3A = arith.divsi %add3A_283, %jit3A : i32
      %sign3A = arith.constant 0 : i32
      %sign3A_284 = arith.cmpi sgt, %add3A_283, %sign3A : i32
      %sign3A_285 = arith.extui %sign3A_284 : i1 to i32
      %sign3A_286 = arith.constant 0 : i32
      %sign3A_287 = arith.cmpi slt, %add3A_283, %sign3A_286 : i32
      %sign3A_288 = arith.extui %sign3A_287 : i1 to i32
      %sign3A_289 = arith.subi %sign3A_285, %sign3A_288 : i32
      %sign3A_290 = arith.constant 0 : i32
      %sign3A_291 = arith.cmpi sgt, %jit3A, %sign3A_290 : i32
      %sign3A_292 = arith.extui %sign3A_291 : i1 to i32
      %sign3A_293 = arith.constant 0 : i32
      %sign3A_294 = arith.cmpi slt, %jit3A, %sign3A_293 : i32
      %sign3A_295 = arith.extui %sign3A_294 : i1 to i32
      %sign3A_296 = arith.subi %sign3A_292, %sign3A_295 : i32
      %ne3A = arith.cmpi ne, %sign3A_289, %sign3A_296 : i32
      %rem3A = arith.remsi %add3A_283, %jit3A : i32
      %ne3A_297 = arith.constant 0 : i32
      %ne3A_298 = arith.cmpi ne, %rem3A, %ne3A_297 : i32
      %and3A_299 = arith.andi %ne3A, %ne3A_298 : i1
      %sub3A = arith.constant 1 : i32
      %sub3A_300 = arith.subi %div3A, %sub3A : i32
      %select_n3A = arith.select %and3A_299, %sub3A_300, %div3A : i32
      %mul3A_301 = arith.constant 8 : i32
      %mul3A_302 = arith.muli %select_n3A, %mul3A_301 : i32
      %jit3A_303 = arith.constant 4 : i32
      %eq3A = arith.constant 0 : i32
      %eq3A_304 = arith.cmpi eq, %jit3A_303, %eq3A : i32
      %jit3A_305 = arith.constant 1 : i32
      %select_n3A_306 = arith.select %eq3A_304, %jit3A_305, %jit3A_303 : i32
      %rem3A_307 = arith.remsi %add3A_283, %select_n3A_306 : i32
      %ne3A_308 = arith.constant 0 : i32
      %ne3A_309 = arith.cmpi ne, %rem3A_307, %ne3A_308 : i32
      %lt3A_310 = arith.constant 0 : i32
      %lt3A_311 = arith.cmpi slt, %rem3A_307, %lt3A_310 : i32
      %lt3A_312 = arith.constant 0 : i32
      %lt3A_313 = arith.cmpi slt, %select_n3A_306, %lt3A_312 : i32
      %ne3A_314 = arith.xori %lt3A_311, %lt3A_313 : i1
      %and3A_315 = arith.andi %ne3A_314, %ne3A_309 : i1
      %add3A_316 = arith.addi %rem3A_307, %select_n3A_306 : i32
      %select_n3A_317 = arith.select %and3A_315, %add3A_316, %rem3A_307 : i32
      %mul3A_318 = arith.constant 4096 : i32
      %mul3A_319 = arith.muli %select_n3A_317, %mul3A_318 : i32
      %dma_wait3A = arith.constant 0 : i32
      %dma_wait3A_320 = arith.constant 0 : i32
      %dma_wait3A_321 = tpu.memref_slice %arg8[%dma_wait3A_320] : memref<3x!tpu.dma_semaphore, #tpu.memory_space<semaphore_mem>> -> memref<1x!tpu.dma_semaphore, #tpu.memory_space<semaphore_mem>>
      %dma_wait3A_322 = tpu.memref_squeeze %dma_wait3A_321 : memref<1x!tpu.dma_semaphore, #tpu.memory_space<semaphore_mem>> -> memref<!tpu.dma_semaphore, #tpu.memory_space<semaphore_mem>>
      %dma_wait3A_323 = tpu.memref_slice %arg4[%mul3A_302, %mul3A_319] : memref<832x16384xf32, #tpu.memory_space<hbm>> -> memref<8x4096xf32, #tpu.memory_space<hbm>>
      %dma_wait3A_324 = arith.constant 0 : i32
      %dma_wait3A_325 = arith.constant 0 : i32
      %dma_wait3A_326 = tpu.memref_slice %arg6[%arg1, %dma_wait3A, %dma_wait3A_324, %dma_wait3A_325] : memref<15x3x8x4096xf32, #tpu.memory_space<vmem_shared>> -> memref<1x1x8x4096xf32, #tpu.memory_space<vmem_shared>>
      %dma_wait3A_327 = tpu.memref_squeeze %dma_wait3A_326 : memref<1x1x8x4096xf32, #tpu.memory_space<vmem_shared>> -> memref<8x4096xf32, #tpu.memory_space<vmem_shared>>
      tpu.wait_dma2 semaphore(%dma_wait3A_322 : memref<!tpu.dma_semaphore, #tpu.memory_space<semaphore_mem>>) src(%dma_wait3A_327 : memref<8x4096xf32, #tpu.memory_space<vmem_shared>>) dst(%dma_wait3A_323 : memref<8x4096xf32, #tpu.memory_space<hbm>>)
      %add3A_328 = arith.constant 180 : i32
      %add3A_329 = arith.addi %add3A_328, %add3A : i32
      %slice3A = vector.extract_strided_slice %get3A_4 {offsets = [6], sizes = [1], strides = [1]} : vector<16xi32> to vector<1xi32>
      %squeeze3A = vector.extract %slice3A[0] : i32 from vector<1xi32>
      %mul3A_330 = arith.constant 8 : i32
      %mul3A_331 = arith.muli %squeeze3A, %mul3A_330 : i32
      %jit3A_332 = arith.constant 4 : i32
      %eq3A_333 = arith.constant 0 : i32
      %eq3A_334 = arith.cmpi eq, %jit3A_332, %eq3A_333 : i32
      %jit3A_335 = arith.constant 1 : i32
      %select_n3A_336 = arith.select %eq3A_334, %jit3A_335, %jit3A_332 : i32
      %rem3A_337 = arith.remsi %add3A_329, %select_n3A_336 : i32
      %ne3A_338 = arith.constant 0 : i32
      %ne3A_339 = arith.cmpi ne, %rem3A_337, %ne3A_338 : i32
      %lt3A_340 = arith.constant 0 : i32
      %lt3A_341 = arith.cmpi slt, %rem3A_337, %lt3A_340 : i32
      %lt3A_342 = arith.constant 0 : i32
      %lt3A_343 = arith.cmpi slt, %select_n3A_336, %lt3A_342 : i32
      %ne3A_344 = arith.xori %lt3A_341, %lt3A_343 : i1
      %and3A_345 = arith.andi %ne3A_344, %ne3A_339 : i1
      %add3A_346 = arith.addi %rem3A_337, %select_n3A_336 : i32
      %select_n3A_347 = arith.select %and3A_345, %add3A_346, %rem3A_337 : i32
      %mul3A_348 = arith.constant 4096 : i32
      %mul3A_349 = arith.muli %select_n3A_347, %mul3A_348 : i32
      %dma_start3A = arith.constant 0 : i32
      %dma_start3A_350 = arith.constant 0 : i32
      %dma_start3A_351 = tpu.memref_slice %arg7[%dma_start3A_350] : memref<3x!tpu.dma_semaphore, #tpu.memory_space<semaphore_mem>> -> memref<1x!tpu.dma_semaphore, #tpu.memory_space<semaphore_mem>>
      %dma_start3A_352 = tpu.memref_squeeze %dma_start3A_351 : memref<1x!tpu.dma_semaphore, #tpu.memory_space<semaphore_mem>> -> memref<!tpu.dma_semaphore, #tpu.memory_space<semaphore_mem>>
      %dma_start3A_353 = arith.constant 0 : i32
      %dma_start3A_354 = arith.constant 0 : i32
      %dma_start3A_355 = tpu.memref_slice %arg6[%arg1, %dma_start3A, %dma_start3A_353, %dma_start3A_354] : memref<15x3x8x4096xf32, #tpu.memory_space<vmem_shared>> -> memref<1x1x8x4096xf32, #tpu.memory_space<vmem_shared>>
      %dma_start3A_356 = tpu.memref_squeeze %dma_start3A_355 : memref<1x1x8x4096xf32, #tpu.memory_space<vmem_shared>> -> memref<8x4096xf32, #tpu.memory_space<vmem_shared>>
      %dma_start3A_357 = tpu.memref_slice %arg2[%mul3A_331, %mul3A_349] : memref<3200x16384xf32, #tpu.memory_space<hbm>> -> memref<8x4096xf32, #tpu.memory_space<hbm>>
      tpu.enqueue_dma source(%dma_start3A_357 : memref<8x4096xf32, #tpu.memory_space<hbm>>) target(%dma_start3A_356 : memref<8x4096xf32, #tpu.memory_space<vmem_shared>>) target_semaphore(%dma_start3A_352 : memref<!tpu.dma_semaphore, #tpu.memory_space<semaphore_mem>>)
    } else {
    }
    %add3A_100 = arith.constant 150 : i32
    %add3A_101 = arith.addi %add3A_100, %add3A : i32
    %lt3A_102 = arith.constant 416 : i32
    %lt3A_103 = arith.cmpi slt, %add3A_101, %lt3A_102 : i32
    %and3A_104 = arith.andi %lt3A_1, %lt3A_103 : i1
    %convert_element_type3A_105 = arith.extui %and3A_104 : i1 to i32
    %cond3A_106 = arith.constant 0 : i32
    %cond3A_107 = arith.cmpi ne, %convert_element_type3A_105, %cond3A_106 : i32
    scf.if %cond3A_107 {
      %add3A_282 = arith.constant 150 : i32
      %add3A_283 = arith.addi %add3A_282, %add3A : i32
      %slice3A = vector.extract_strided_slice %get3A_4 {offsets = [5], sizes = [1], strides = [1]} : vector<16xi32> to vector<1xi32>
      %squeeze3A = vector.extract %slice3A[0] : i32 from vector<1xi32>
      %mul3A_284 = arith.constant 8 : i32
      %mul3A_285 = arith.muli %squeeze3A, %mul3A_284 : i32
      %jit3A = arith.constant 4 : i32
      %eq3A = arith.constant 0 : i32
      %eq3A_286 = arith.cmpi eq, %jit3A, %eq3A : i32
      %jit3A_287 = arith.constant 1 : i32
      %select_n3A = arith.select %eq3A_286, %jit3A_287, %jit3A : i32
      %rem3A = arith.remsi %add3A_283, %select_n3A : i32
      %ne3A = arith.constant 0 : i32
      %ne3A_288 = arith.cmpi ne, %rem3A, %ne3A : i32
      %lt3A_289 = arith.constant 0 : i32
      %lt3A_290 = arith.cmpi slt, %rem3A, %lt3A_289 : i32
      %lt3A_291 = arith.constant 0 : i32
      %lt3A_292 = arith.cmpi slt, %select_n3A, %lt3A_291 : i32
      %ne3A_293 = arith.xori %lt3A_290, %lt3A_292 : i1
      %and3A_294 = arith.andi %ne3A_293, %ne3A_288 : i1
      %add3A_295 = arith.addi %rem3A, %select_n3A : i32
      %select_n3A_296 = arith.select %and3A_294, %add3A_295, %rem3A : i32
      %mul3A_297 = arith.constant 4096 : i32
      %mul3A_298 = arith.muli %select_n3A_296, %mul3A_297 : i32
      %dma_wait3A = arith.constant 2 : i32
      %dma_wait3A_299 = arith.constant 2 : i32
      %dma_wait3A_300 = tpu.memref_slice %arg7[%dma_wait3A_299] : memref<3x!tpu.dma_semaphore, #tpu.memory_space<semaphore_mem>> -> memref<1x!tpu.dma_semaphore, #tpu.memory_space<semaphore_mem>>
      %dma_wait3A_301 = tpu.memref_squeeze %dma_wait3A_300 : memref<1x!tpu.dma_semaphore, #tpu.memory_space<semaphore_mem>> -> memref<!tpu.dma_semaphore, #tpu.memory_space<semaphore_mem>>
      %dma_wait3A_302 = arith.constant 0 : i32
      %dma_wait3A_303 = arith.constant 0 : i32
      %dma_wait3A_304 = tpu.memref_slice %arg6[%arg1, %dma_wait3A, %dma_wait3A_302, %dma_wait3A_303] : memref<15x3x8x4096xf32, #tpu.memory_space<vmem_shared>> -> memref<1x1x8x4096xf32, #tpu.memory_space<vmem_shared>>
      %dma_wait3A_305 = tpu.memref_squeeze %dma_wait3A_304 : memref<1x1x8x4096xf32, #tpu.memory_space<vmem_shared>> -> memref<8x4096xf32, #tpu.memory_space<vmem_shared>>
      %dma_wait3A_306 = tpu.memref_slice %arg2[%mul3A_285, %mul3A_298] : memref<3200x16384xf32, #tpu.memory_space<hbm>> -> memref<8x4096xf32, #tpu.memory_space<hbm>>
      tpu.wait_dma2 semaphore(%dma_wait3A_301 : memref<!tpu.dma_semaphore, #tpu.memory_space<semaphore_mem>>) src(%dma_wait3A_306 : memref<8x4096xf32, #tpu.memory_space<hbm>>) dst(%dma_wait3A_305 : memref<8x4096xf32, #tpu.memory_space<vmem_shared>>)
      %add3A_307 = arith.constant 150 : i32
      %add3A_308 = arith.addi %add3A_307, %add3A : i32
      %jit3A_309 = arith.constant 4 : i32
      %div3A = arith.divsi %add3A_308, %jit3A_309 : i32
      %sign3A = arith.constant 0 : i32
      %sign3A_310 = arith.cmpi sgt, %add3A_308, %sign3A : i32
      %sign3A_311 = arith.extui %sign3A_310 : i1 to i32
      %sign3A_312 = arith.constant 0 : i32
      %sign3A_313 = arith.cmpi slt, %add3A_308, %sign3A_312 : i32
      %sign3A_314 = arith.extui %sign3A_313 : i1 to i32
      %sign3A_315 = arith.subi %sign3A_311, %sign3A_314 : i32
      %sign3A_316 = arith.constant 0 : i32
      %sign3A_317 = arith.cmpi sgt, %jit3A_309, %sign3A_316 : i32
      %sign3A_318 = arith.extui %sign3A_317 : i1 to i32
      %sign3A_319 = arith.constant 0 : i32
      %sign3A_320 = arith.cmpi slt, %jit3A_309, %sign3A_319 : i32
      %sign3A_321 = arith.extui %sign3A_320 : i1 to i32
      %sign3A_322 = arith.subi %sign3A_318, %sign3A_321 : i32
      %ne3A_323 = arith.cmpi ne, %sign3A_315, %sign3A_322 : i32
      %rem3A_324 = arith.remsi %add3A_308, %jit3A_309 : i32
      %ne3A_325 = arith.constant 0 : i32
      %ne3A_326 = arith.cmpi ne, %rem3A_324, %ne3A_325 : i32
      %and3A_327 = arith.andi %ne3A_323, %ne3A_326 : i1
      %sub3A = arith.constant 1 : i32
      %sub3A_328 = arith.subi %div3A, %sub3A : i32
      %select_n3A_329 = arith.select %and3A_327, %sub3A_328, %div3A : i32
      %mul3A_330 = arith.constant 8 : i32
      %mul3A_331 = arith.muli %select_n3A_329, %mul3A_330 : i32
      %jit3A_332 = arith.constant 4 : i32
      %eq3A_333 = arith.constant 0 : i32
      %eq3A_334 = arith.cmpi eq, %jit3A_332, %eq3A_333 : i32
      %jit3A_335 = arith.constant 1 : i32
      %select_n3A_336 = arith.select %eq3A_334, %jit3A_335, %jit3A_332 : i32
      %rem3A_337 = arith.remsi %add3A_308, %select_n3A_336 : i32
      %ne3A_338 = arith.constant 0 : i32
      %ne3A_339 = arith.cmpi ne, %rem3A_337, %ne3A_338 : i32
      %lt3A_340 = arith.constant 0 : i32
      %lt3A_341 = arith.cmpi slt, %rem3A_337, %lt3A_340 : i32
      %lt3A_342 = arith.constant 0 : i32
      %lt3A_343 = arith.cmpi slt, %select_n3A_336, %lt3A_342 : i32
      %ne3A_344 = arith.xori %lt3A_341, %lt3A_343 : i1
      %and3A_345 = arith.andi %ne3A_344, %ne3A_339 : i1
      %add3A_346 = arith.addi %rem3A_337, %select_n3A_336 : i32
      %select_n3A_347 = arith.select %and3A_345, %add3A_346, %rem3A_337 : i32
      %mul3A_348 = arith.constant 4096 : i32
      %mul3A_349 = arith.muli %select_n3A_347, %mul3A_348 : i32
      %dma_start3A = arith.constant 2 : i32
      %dma_start3A_350 = arith.constant 2 : i32
      %dma_start3A_351 = tpu.memref_slice %arg8[%dma_start3A_350] : memref<3x!tpu.dma_semaphore, #tpu.memory_space<semaphore_mem>> -> memref<1x!tpu.dma_semaphore, #tpu.memory_space<semaphore_mem>>
      %dma_start3A_352 = tpu.memref_squeeze %dma_start3A_351 : memref<1x!tpu.dma_semaphore, #tpu.memory_space<semaphore_mem>> -> memref<!tpu.dma_semaphore, #tpu.memory_space<semaphore_mem>>
      %dma_start3A_353 = tpu.memref_slice %arg4[%mul3A_331, %mul3A_349] : memref<832x16384xf32, #tpu.memory_space<hbm>> -> memref<8x4096xf32, #tpu.memory_space<hbm>>
      %dma_start3A_354 = arith.constant 0 : i32
      %dma_start3A_355 = arith.constant 0 : i32
      %dma_start3A_356 = tpu.memref_slice %arg6[%arg1, %dma_start3A, %dma_start3A_354, %dma_start3A_355] : memref<15x3x8x4096xf32, #tpu.memory_space<vmem_shared>> -> memref<1x1x8x4096xf32, #tpu.memory_space<vmem_shared>>
      %dma_start3A_357 = tpu.memref_squeeze %dma_start3A_356 : memref<1x1x8x4096xf32, #tpu.memory_space<vmem_shared>> -> memref<8x4096xf32, #tpu.memory_space<vmem_shared>>
      tpu.enqueue_dma source(%dma_start3A_357 : memref<8x4096xf32, #tpu.memory_space<vmem_shared>>) target(%dma_start3A_353 : memref<8x4096xf32, #tpu.memory_space<hbm>>) target_semaphore(%dma_start3A_352 : memref<!tpu.dma_semaphore, #tpu.memory_space<semaphore_mem>>)
    } else {
    }
    %add3A_108 = arith.constant 210 : i32
    %add3A_109 = arith.addi %add3A_108, %add3A : i32
    %lt3A_110 = arith.constant 416 : i32
    %lt3A_111 = arith.cmpi slt, %add3A_109, %lt3A_110 : i32
    %and3A_112 = arith.andi %lt3A_1, %lt3A_111 : i1
    %convert_element_type3A_113 = arith.extui %and3A_112 : i1 to i32
    %cond3A_114 = arith.constant 0 : i32
    %cond3A_115 = arith.cmpi ne, %convert_element_type3A_113, %cond3A_114 : i32
    scf.if %cond3A_115 {
      %add3A_282 = arith.constant 120 : i32
      %add3A_283 = arith.addi %add3A_282, %add3A : i32
      %jit3A = arith.constant 4 : i32
      %div3A = arith.divsi %add3A_283, %jit3A : i32
      %sign3A = arith.constant 0 : i32
      %sign3A_284 = arith.cmpi sgt, %add3A_283, %sign3A : i32
      %sign3A_285 = arith.extui %sign3A_284 : i1 to i32
      %sign3A_286 = arith.constant 0 : i32
      %sign3A_287 = arith.cmpi slt, %add3A_283, %sign3A_286 : i32
      %sign3A_288 = arith.extui %sign3A_287 : i1 to i32
      %sign3A_289 = arith.subi %sign3A_285, %sign3A_288 : i32
      %sign3A_290 = arith.constant 0 : i32
      %sign3A_291 = arith.cmpi sgt, %jit3A, %sign3A_290 : i32
      %sign3A_292 = arith.extui %sign3A_291 : i1 to i32
      %sign3A_293 = arith.constant 0 : i32
      %sign3A_294 = arith.cmpi slt, %jit3A, %sign3A_293 : i32
      %sign3A_295 = arith.extui %sign3A_294 : i1 to i32
      %sign3A_296 = arith.subi %sign3A_292, %sign3A_295 : i32
      %ne3A = arith.cmpi ne, %sign3A_289, %sign3A_296 : i32
      %rem3A = arith.remsi %add3A_283, %jit3A : i32
      %ne3A_297 = arith.constant 0 : i32
      %ne3A_298 = arith.cmpi ne, %rem3A, %ne3A_297 : i32
      %and3A_299 = arith.andi %ne3A, %ne3A_298 : i1
      %sub3A = arith.constant 1 : i32
      %sub3A_300 = arith.subi %div3A, %sub3A : i32
      %select_n3A = arith.select %and3A_299, %sub3A_300, %div3A : i32
      %mul3A_301 = arith.constant 8 : i32
      %mul3A_302 = arith.muli %select_n3A, %mul3A_301 : i32
      %jit3A_303 = arith.constant 4 : i32
      %eq3A = arith.constant 0 : i32
      %eq3A_304 = arith.cmpi eq, %jit3A_303, %eq3A : i32
      %jit3A_305 = arith.constant 1 : i32
      %select_n3A_306 = arith.select %eq3A_304, %jit3A_305, %jit3A_303 : i32
      %rem3A_307 = arith.remsi %add3A_283, %select_n3A_306 : i32
      %ne3A_308 = arith.constant 0 : i32
      %ne3A_309 = arith.cmpi ne, %rem3A_307, %ne3A_308 : i32
      %lt3A_310 = arith.constant 0 : i32
      %lt3A_311 = arith.cmpi slt, %rem3A_307, %lt3A_310 : i32
      %lt3A_312 = arith.constant 0 : i32
      %lt3A_313 = arith.cmpi slt, %select_n3A_306, %lt3A_312 : i32
      %ne3A_314 = arith.xori %lt3A_311, %lt3A_313 : i1
      %and3A_315 = arith.andi %ne3A_314, %ne3A_309 : i1
      %add3A_316 = arith.addi %rem3A_307, %select_n3A_306 : i32
      %select_n3A_317 = arith.select %and3A_315, %add3A_316, %rem3A_307 : i32
      %mul3A_318 = arith.constant 4096 : i32
      %mul3A_319 = arith.muli %select_n3A_317, %mul3A_318 : i32
      %dma_wait3A = arith.constant 1 : i32
      %dma_wait3A_320 = arith.constant 1 : i32
      %dma_wait3A_321 = tpu.memref_slice %arg8[%dma_wait3A_320] : memref<3x!tpu.dma_semaphore, #tpu.memory_space<semaphore_mem>> -> memref<1x!tpu.dma_semaphore, #tpu.memory_space<semaphore_mem>>
      %dma_wait3A_322 = tpu.memref_squeeze %dma_wait3A_321 : memref<1x!tpu.dma_semaphore, #tpu.memory_space<semaphore_mem>> -> memref<!tpu.dma_semaphore, #tpu.memory_space<semaphore_mem>>
      %dma_wait3A_323 = tpu.memref_slice %arg4[%mul3A_302, %mul3A_319] : memref<832x16384xf32, #tpu.memory_space<hbm>> -> memref<8x4096xf32, #tpu.memory_space<hbm>>
      %dma_wait3A_324 = arith.constant 0 : i32
      %dma_wait3A_325 = arith.constant 0 : i32
      %dma_wait3A_326 = tpu.memref_slice %arg6[%arg1, %dma_wait3A, %dma_wait3A_324, %dma_wait3A_325] : memref<15x3x8x4096xf32, #tpu.memory_space<vmem_shared>> -> memref<1x1x8x4096xf32, #tpu.memory_space<vmem_shared>>
      %dma_wait3A_327 = tpu.memref_squeeze %dma_wait3A_326 : memref<1x1x8x4096xf32, #tpu.memory_space<vmem_shared>> -> memref<8x4096xf32, #tpu.memory_space<vmem_shared>>
      tpu.wait_dma2 semaphore(%dma_wait3A_322 : memref<!tpu.dma_semaphore, #tpu.memory_space<semaphore_mem>>) src(%dma_wait3A_327 : memref<8x4096xf32, #tpu.memory_space<vmem_shared>>) dst(%dma_wait3A_323 : memref<8x4096xf32, #tpu.memory_space<hbm>>)
      %add3A_328 = arith.constant 210 : i32
      %add3A_329 = arith.addi %add3A_328, %add3A : i32
      %slice3A = vector.extract_strided_slice %get3A_4 {offsets = [7], sizes = [1], strides = [1]} : vector<16xi32> to vector<1xi32>
      %squeeze3A = vector.extract %slice3A[0] : i32 from vector<1xi32>
      %mul3A_330 = arith.constant 8 : i32
      %mul3A_331 = arith.muli %squeeze3A, %mul3A_330 : i32
      %jit3A_332 = arith.constant 4 : i32
      %eq3A_333 = arith.constant 0 : i32
      %eq3A_334 = arith.cmpi eq, %jit3A_332, %eq3A_333 : i32
      %jit3A_335 = arith.constant 1 : i32
      %select_n3A_336 = arith.select %eq3A_334, %jit3A_335, %jit3A_332 : i32
      %rem3A_337 = arith.remsi %add3A_329, %select_n3A_336 : i32
      %ne3A_338 = arith.constant 0 : i32
      %ne3A_339 = arith.cmpi ne, %rem3A_337, %ne3A_338 : i32
      %lt3A_340 = arith.constant 0 : i32
      %lt3A_341 = arith.cmpi slt, %rem3A_337, %lt3A_340 : i32
      %lt3A_342 = arith.constant 0 : i32
      %lt3A_343 = arith.cmpi slt, %select_n3A_336, %lt3A_342 : i32
      %ne3A_344 = arith.xori %lt3A_341, %lt3A_343 : i1
      %and3A_345 = arith.andi %ne3A_344, %ne3A_339 : i1
      %add3A_346 = arith.addi %rem3A_337, %select_n3A_336 : i32
      %select_n3A_347 = arith.select %and3A_345, %add3A_346, %rem3A_337 : i32
      %mul3A_348 = arith.constant 4096 : i32
      %mul3A_349 = arith.muli %select_n3A_347, %mul3A_348 : i32
      %dma_start3A = arith.constant 1 : i32
      %dma_start3A_350 = arith.constant 1 : i32
      %dma_start3A_351 = tpu.memref_slice %arg7[%dma_start3A_350] : memref<3x!tpu.dma_semaphore, #tpu.memory_space<semaphore_mem>> -> memref<1x!tpu.dma_semaphore, #tpu.memory_space<semaphore_mem>>
      %dma_start3A_352 = tpu.memref_squeeze %dma_start3A_351 : memref<1x!tpu.dma_semaphore, #tpu.memory_space<semaphore_mem>> -> memref<!tpu.dma_semaphore, #tpu.memory_space<semaphore_mem>>
      %dma_start3A_353 = arith.constant 0 : i32
      %dma_start3A_354 = arith.constant 0 : i32
      %dma_start3A_355 = tpu.memref_slice %arg6[%arg1, %dma_start3A, %dma_start3A_353, %dma_start3A_354] : memref<15x3x8x4096xf32, #tpu.memory_space<vmem_shared>> -> memref<1x1x8x4096xf32, #tpu.memory_space<vmem_shared>>
      %dma_start3A_356 = tpu.memref_squeeze %dma_start3A_355 : memref<1x1x8x4096xf32, #tpu.memory_space<vmem_shared>> -> memref<8x4096xf32, #tpu.memory_space<vmem_shared>>
      %dma_start3A_357 = tpu.memref_slice %arg2[%mul3A_331, %mul3A_349] : memref<3200x16384xf32, #tpu.memory_space<hbm>> -> memref<8x4096xf32, #tpu.memory_space<hbm>>
      tpu.enqueue_dma source(%dma_start3A_357 : memref<8x4096xf32, #tpu.memory_space<hbm>>) target(%dma_start3A_356 : memref<8x4096xf32, #tpu.memory_space<vmem_shared>>) target_semaphore(%dma_start3A_352 : memref<!tpu.dma_semaphore, #tpu.memory_space<semaphore_mem>>)
    } else {
    }
    %add3A_116 = arith.constant 180 : i32
    %add3A_117 = arith.addi %add3A_116, %add3A : i32
    %lt3A_118 = arith.constant 416 : i32
    %lt3A_119 = arith.cmpi slt, %add3A_117, %lt3A_118 : i32
    %and3A_120 = arith.andi %lt3A_1, %lt3A_119 : i1
    %convert_element_type3A_121 = arith.extui %and3A_120 : i1 to i32
    %cond3A_122 = arith.constant 0 : i32
    %cond3A_123 = arith.cmpi ne, %convert_element_type3A_121, %cond3A_122 : i32
    scf.if %cond3A_123 {
      %add3A_282 = arith.constant 180 : i32
      %add3A_283 = arith.addi %add3A_282, %add3A : i32
      %slice3A = vector.extract_strided_slice %get3A_4 {offsets = [6], sizes = [1], strides = [1]} : vector<16xi32> to vector<1xi32>
      %squeeze3A = vector.extract %slice3A[0] : i32 from vector<1xi32>
      %mul3A_284 = arith.constant 8 : i32
      %mul3A_285 = arith.muli %squeeze3A, %mul3A_284 : i32
      %jit3A = arith.constant 4 : i32
      %eq3A = arith.constant 0 : i32
      %eq3A_286 = arith.cmpi eq, %jit3A, %eq3A : i32
      %jit3A_287 = arith.constant 1 : i32
      %select_n3A = arith.select %eq3A_286, %jit3A_287, %jit3A : i32
      %rem3A = arith.remsi %add3A_283, %select_n3A : i32
      %ne3A = arith.constant 0 : i32
      %ne3A_288 = arith.cmpi ne, %rem3A, %ne3A : i32
      %lt3A_289 = arith.constant 0 : i32
      %lt3A_290 = arith.cmpi slt, %rem3A, %lt3A_289 : i32
      %lt3A_291 = arith.constant 0 : i32
      %lt3A_292 = arith.cmpi slt, %select_n3A, %lt3A_291 : i32
      %ne3A_293 = arith.xori %lt3A_290, %lt3A_292 : i1
      %and3A_294 = arith.andi %ne3A_293, %ne3A_288 : i1
      %add3A_295 = arith.addi %rem3A, %select_n3A : i32
      %select_n3A_296 = arith.select %and3A_294, %add3A_295, %rem3A : i32
      %mul3A_297 = arith.constant 4096 : i32
      %mul3A_298 = arith.muli %select_n3A_296, %mul3A_297 : i32
      %dma_wait3A = arith.constant 0 : i32
      %dma_wait3A_299 = arith.constant 0 : i32
      %dma_wait3A_300 = tpu.memref_slice %arg7[%dma_wait3A_299] : memref<3x!tpu.dma_semaphore, #tpu.memory_space<semaphore_mem>> -> memref<1x!tpu.dma_semaphore, #tpu.memory_space<semaphore_mem>>
      %dma_wait3A_301 = tpu.memref_squeeze %dma_wait3A_300 : memref<1x!tpu.dma_semaphore, #tpu.memory_space<semaphore_mem>> -> memref<!tpu.dma_semaphore, #tpu.memory_space<semaphore_mem>>
      %dma_wait3A_302 = arith.constant 0 : i32
      %dma_wait3A_303 = arith.constant 0 : i32
      %dma_wait3A_304 = tpu.memref_slice %arg6[%arg1, %dma_wait3A, %dma_wait3A_302, %dma_wait3A_303] : memref<15x3x8x4096xf32, #tpu.memory_space<vmem_shared>> -> memref<1x1x8x4096xf32, #tpu.memory_space<vmem_shared>>
      %dma_wait3A_305 = tpu.memref_squeeze %dma_wait3A_304 : memref<1x1x8x4096xf32, #tpu.memory_space<vmem_shared>> -> memref<8x4096xf32, #tpu.memory_space<vmem_shared>>
      %dma_wait3A_306 = tpu.memref_slice %arg2[%mul3A_285, %mul3A_298] : memref<3200x16384xf32, #tpu.memory_space<hbm>> -> memref<8x4096xf32, #tpu.memory_space<hbm>>
      tpu.wait_dma2 semaphore(%dma_wait3A_301 : memref<!tpu.dma_semaphore, #tpu.memory_space<semaphore_mem>>) src(%dma_wait3A_306 : memref<8x4096xf32, #tpu.memory_space<hbm>>) dst(%dma_wait3A_305 : memref<8x4096xf32, #tpu.memory_space<vmem_shared>>)
      %add3A_307 = arith.constant 180 : i32
      %add3A_308 = arith.addi %add3A_307, %add3A : i32
      %jit3A_309 = arith.constant 4 : i32
      %div3A = arith.divsi %add3A_308, %jit3A_309 : i32
      %sign3A = arith.constant 0 : i32
      %sign3A_310 = arith.cmpi sgt, %add3A_308, %sign3A : i32
      %sign3A_311 = arith.extui %sign3A_310 : i1 to i32
      %sign3A_312 = arith.constant 0 : i32
      %sign3A_313 = arith.cmpi slt, %add3A_308, %sign3A_312 : i32
      %sign3A_314 = arith.extui %sign3A_313 : i1 to i32
      %sign3A_315 = arith.subi %sign3A_311, %sign3A_314 : i32
      %sign3A_316 = arith.constant 0 : i32
      %sign3A_317 = arith.cmpi sgt, %jit3A_309, %sign3A_316 : i32
      %sign3A_318 = arith.extui %sign3A_317 : i1 to i32
      %sign3A_319 = arith.constant 0 : i32
      %sign3A_320 = arith.cmpi slt, %jit3A_309, %sign3A_319 : i32
      %sign3A_321 = arith.extui %sign3A_320 : i1 to i32
      %sign3A_322 = arith.subi %sign3A_318, %sign3A_321 : i32
      %ne3A_323 = arith.cmpi ne, %sign3A_315, %sign3A_322 : i32
      %rem3A_324 = arith.remsi %add3A_308, %jit3A_309 : i32
      %ne3A_325 = arith.constant 0 : i32
      %ne3A_326 = arith.cmpi ne, %rem3A_324, %ne3A_325 : i32
      %and3A_327 = arith.andi %ne3A_323, %ne3A_326 : i1
      %sub3A = arith.constant 1 : i32
      %sub3A_328 = arith.subi %div3A, %sub3A : i32
      %select_n3A_329 = arith.select %and3A_327, %sub3A_328, %div3A : i32
      %mul3A_330 = arith.constant 8 : i32
      %mul3A_331 = arith.muli %select_n3A_329, %mul3A_330 : i32
      %jit3A_332 = arith.constant 4 : i32
      %eq3A_333 = arith.constant 0 : i32
      %eq3A_334 = arith.cmpi eq, %jit3A_332, %eq3A_333 : i32
      %jit3A_335 = arith.constant 1 : i32
      %select_n3A_336 = arith.select %eq3A_334, %jit3A_335, %jit3A_332 : i32
      %rem3A_337 = arith.remsi %add3A_308, %select_n3A_336 : i32
      %ne3A_338 = arith.constant 0 : i32
      %ne3A_339 = arith.cmpi ne, %rem3A_337, %ne3A_338 : i32
      %lt3A_340 = arith.constant 0 : i32
      %lt3A_341 = arith.cmpi slt, %rem3A_337, %lt3A_340 : i32
      %lt3A_342 = arith.constant 0 : i32
      %lt3A_343 = arith.cmpi slt, %select_n3A_336, %lt3A_342 : i32
      %ne3A_344 = arith.xori %lt3A_341, %lt3A_343 : i1
      %and3A_345 = arith.andi %ne3A_344, %ne3A_339 : i1
      %add3A_346 = arith.addi %rem3A_337, %select_n3A_336 : i32
      %select_n3A_347 = arith.select %and3A_345, %add3A_346, %rem3A_337 : i32
      %mul3A_348 = arith.constant 4096 : i32
      %mul3A_349 = arith.muli %select_n3A_347, %mul3A_348 : i32
      %dma_start3A = arith.constant 0 : i32
      %dma_start3A_350 = arith.constant 0 : i32
      %dma_start3A_351 = tpu.memref_slice %arg8[%dma_start3A_350] : memref<3x!tpu.dma_semaphore, #tpu.memory_space<semaphore_mem>> -> memref<1x!tpu.dma_semaphore, #tpu.memory_space<semaphore_mem>>
      %dma_start3A_352 = tpu.memref_squeeze %dma_start3A_351 : memref<1x!tpu.dma_semaphore, #tpu.memory_space<semaphore_mem>> -> memref<!tpu.dma_semaphore, #tpu.memory_space<semaphore_mem>>
      %dma_start3A_353 = tpu.memref_slice %arg4[%mul3A_331, %mul3A_349] : memref<832x16384xf32, #tpu.memory_space<hbm>> -> memref<8x4096xf32, #tpu.memory_space<hbm>>
      %dma_start3A_354 = arith.constant 0 : i32
      %dma_start3A_355 = arith.constant 0 : i32
      %dma_start3A_356 = tpu.memref_slice %arg6[%arg1, %dma_start3A, %dma_start3A_354, %dma_start3A_355] : memref<15x3x8x4096xf32, #tpu.memory_space<vmem_shared>> -> memref<1x1x8x4096xf32, #tpu.memory_space<vmem_shared>>
      %dma_start3A_357 = tpu.memref_squeeze %dma_start3A_356 : memref<1x1x8x4096xf32, #tpu.memory_space<vmem_shared>> -> memref<8x4096xf32, #tpu.memory_space<vmem_shared>>
      tpu.enqueue_dma source(%dma_start3A_357 : memref<8x4096xf32, #tpu.memory_space<vmem_shared>>) target(%dma_start3A_353 : memref<8x4096xf32, #tpu.memory_space<hbm>>) target_semaphore(%dma_start3A_352 : memref<!tpu.dma_semaphore, #tpu.memory_space<semaphore_mem>>)
    } else {
    }
    %add3A_124 = arith.constant 240 : i32
    %add3A_125 = arith.addi %add3A_124, %add3A : i32
    %lt3A_126 = arith.constant 416 : i32
    %lt3A_127 = arith.cmpi slt, %add3A_125, %lt3A_126 : i32
    %and3A_128 = arith.andi %lt3A_1, %lt3A_127 : i1
    %convert_element_type3A_129 = arith.extui %and3A_128 : i1 to i32
    %cond3A_130 = arith.constant 0 : i32
    %cond3A_131 = arith.cmpi ne, %convert_element_type3A_129, %cond3A_130 : i32
    scf.if %cond3A_131 {
      %add3A_282 = arith.constant 150 : i32
      %add3A_283 = arith.addi %add3A_282, %add3A : i32
      %jit3A = arith.constant 4 : i32
      %div3A = arith.divsi %add3A_283, %jit3A : i32
      %sign3A = arith.constant 0 : i32
      %sign3A_284 = arith.cmpi sgt, %add3A_283, %sign3A : i32
      %sign3A_285 = arith.extui %sign3A_284 : i1 to i32
      %sign3A_286 = arith.constant 0 : i32
      %sign3A_287 = arith.cmpi slt, %add3A_283, %sign3A_286 : i32
      %sign3A_288 = arith.extui %sign3A_287 : i1 to i32
      %sign3A_289 = arith.subi %sign3A_285, %sign3A_288 : i32
      %sign3A_290 = arith.constant 0 : i32
      %sign3A_291 = arith.cmpi sgt, %jit3A, %sign3A_290 : i32
      %sign3A_292 = arith.extui %sign3A_291 : i1 to i32
      %sign3A_293 = arith.constant 0 : i32
      %sign3A_294 = arith.cmpi slt, %jit3A, %sign3A_293 : i32
      %sign3A_295 = arith.extui %sign3A_294 : i1 to i32
      %sign3A_296 = arith.subi %sign3A_292, %sign3A_295 : i32
      %ne3A = arith.cmpi ne, %sign3A_289, %sign3A_296 : i32
      %rem3A = arith.remsi %add3A_283, %jit3A : i32
      %ne3A_297 = arith.constant 0 : i32
      %ne3A_298 = arith.cmpi ne, %rem3A, %ne3A_297 : i32
      %and3A_299 = arith.andi %ne3A, %ne3A_298 : i1
      %sub3A = arith.constant 1 : i32
      %sub3A_300 = arith.subi %div3A, %sub3A : i32
      %select_n3A = arith.select %and3A_299, %sub3A_300, %div3A : i32
      %mul3A_301 = arith.constant 8 : i32
      %mul3A_302 = arith.muli %select_n3A, %mul3A_301 : i32
      %jit3A_303 = arith.constant 4 : i32
      %eq3A = arith.constant 0 : i32
      %eq3A_304 = arith.cmpi eq, %jit3A_303, %eq3A : i32
      %jit3A_305 = arith.constant 1 : i32
      %select_n3A_306 = arith.select %eq3A_304, %jit3A_305, %jit3A_303 : i32
      %rem3A_307 = arith.remsi %add3A_283, %select_n3A_306 : i32
      %ne3A_308 = arith.constant 0 : i32
      %ne3A_309 = arith.cmpi ne, %rem3A_307, %ne3A_308 : i32
      %lt3A_310 = arith.constant 0 : i32
      %lt3A_311 = arith.cmpi slt, %rem3A_307, %lt3A_310 : i32
      %lt3A_312 = arith.constant 0 : i32
      %lt3A_313 = arith.cmpi slt, %select_n3A_306, %lt3A_312 : i32
      %ne3A_314 = arith.xori %lt3A_311, %lt3A_313 : i1
      %and3A_315 = arith.andi %ne3A_314, %ne3A_309 : i1
      %add3A_316 = arith.addi %rem3A_307, %select_n3A_306 : i32
      %select_n3A_317 = arith.select %and3A_315, %add3A_316, %rem3A_307 : i32
      %mul3A_318 = arith.constant 4096 : i32
      %mul3A_319 = arith.muli %select_n3A_317, %mul3A_318 : i32
      %dma_wait3A = arith.constant 2 : i32
      %dma_wait3A_320 = arith.constant 2 : i32
      %dma_wait3A_321 = tpu.memref_slice %arg8[%dma_wait3A_320] : memref<3x!tpu.dma_semaphore, #tpu.memory_space<semaphore_mem>> -> memref<1x!tpu.dma_semaphore, #tpu.memory_space<semaphore_mem>>
      %dma_wait3A_322 = tpu.memref_squeeze %dma_wait3A_321 : memref<1x!tpu.dma_semaphore, #tpu.memory_space<semaphore_mem>> -> memref<!tpu.dma_semaphore, #tpu.memory_space<semaphore_mem>>
      %dma_wait3A_323 = tpu.memref_slice %arg4[%mul3A_302, %mul3A_319] : memref<832x16384xf32, #tpu.memory_space<hbm>> -> memref<8x4096xf32, #tpu.memory_space<hbm>>
      %dma_wait3A_324 = arith.constant 0 : i32
      %dma_wait3A_325 = arith.constant 0 : i32
      %dma_wait3A_326 = tpu.memref_slice %arg6[%arg1, %dma_wait3A, %dma_wait3A_324, %dma_wait3A_325] : memref<15x3x8x4096xf32, #tpu.memory_space<vmem_shared>> -> memref<1x1x8x4096xf32, #tpu.memory_space<vmem_shared>>
      %dma_wait3A_327 = tpu.memref_squeeze %dma_wait3A_326 : memref<1x1x8x4096xf32, #tpu.memory_space<vmem_shared>> -> memref<8x4096xf32, #tpu.memory_space<vmem_shared>>
      tpu.wait_dma2 semaphore(%dma_wait3A_322 : memref<!tpu.dma_semaphore, #tpu.memory_space<semaphore_mem>>) src(%dma_wait3A_327 : memref<8x4096xf32, #tpu.memory_space<vmem_shared>>) dst(%dma_wait3A_323 : memref<8x4096xf32, #tpu.memory_space<hbm>>)
      %add3A_328 = arith.constant 240 : i32
      %add3A_329 = arith.addi %add3A_328, %add3A : i32
      %slice3A = vector.extract_strided_slice %get3A_4 {offsets = [8], sizes = [1], strides = [1]} : vector<16xi32> to vector<1xi32>
      %squeeze3A = vector.extract %slice3A[0] : i32 from vector<1xi32>
      %mul3A_330 = arith.constant 8 : i32
      %mul3A_331 = arith.muli %squeeze3A, %mul3A_330 : i32
      %jit3A_332 = arith.constant 4 : i32
      %eq3A_333 = arith.constant 0 : i32
      %eq3A_334 = arith.cmpi eq, %jit3A_332, %eq3A_333 : i32
      %jit3A_335 = arith.constant 1 : i32
      %select_n3A_336 = arith.select %eq3A_334, %jit3A_335, %jit3A_332 : i32
      %rem3A_337 = arith.remsi %add3A_329, %select_n3A_336 : i32
      %ne3A_338 = arith.constant 0 : i32
      %ne3A_339 = arith.cmpi ne, %rem3A_337, %ne3A_338 : i32
      %lt3A_340 = arith.constant 0 : i32
      %lt3A_341 = arith.cmpi slt, %rem3A_337, %lt3A_340 : i32
      %lt3A_342 = arith.constant 0 : i32
      %lt3A_343 = arith.cmpi slt, %select_n3A_336, %lt3A_342 : i32
      %ne3A_344 = arith.xori %lt3A_341, %lt3A_343 : i1
      %and3A_345 = arith.andi %ne3A_344, %ne3A_339 : i1
      %add3A_346 = arith.addi %rem3A_337, %select_n3A_336 : i32
      %select_n3A_347 = arith.select %and3A_345, %add3A_346, %rem3A_337 : i32
      %mul3A_348 = arith.constant 4096 : i32
      %mul3A_349 = arith.muli %select_n3A_347, %mul3A_348 : i32
      %dma_start3A = arith.constant 2 : i32
      %dma_start3A_350 = arith.constant 2 : i32
      %dma_start3A_351 = tpu.memref_slice %arg7[%dma_start3A_350] : memref<3x!tpu.dma_semaphore, #tpu.memory_space<semaphore_mem>> -> memref<1x!tpu.dma_semaphore, #tpu.memory_space<semaphore_mem>>
      %dma_start3A_352 = tpu.memref_squeeze %dma_start3A_351 : memref<1x!tpu.dma_semaphore, #tpu.memory_space<semaphore_mem>> -> memref<!tpu.dma_semaphore, #tpu.memory_space<semaphore_mem>>
      %dma_start3A_353 = arith.constant 0 : i32
      %dma_start3A_354 = arith.constant 0 : i32
      %dma_start3A_355 = tpu.memref_slice %arg6[%arg1, %dma_start3A, %dma_start3A_353, %dma_start3A_354] : memref<15x3x8x4096xf32, #tpu.memory_space<vmem_shared>> -> memref<1x1x8x4096xf32, #tpu.memory_space<vmem_shared>>
      %dma_start3A_356 = tpu.memref_squeeze %dma_start3A_355 : memref<1x1x8x4096xf32, #tpu.memory_space<vmem_shared>> -> memref<8x4096xf32, #tpu.memory_space<vmem_shared>>
      %dma_start3A_357 = tpu.memref_slice %arg2[%mul3A_331, %mul3A_349] : memref<3200x16384xf32, #tpu.memory_space<hbm>> -> memref<8x4096xf32, #tpu.memory_space<hbm>>
      tpu.enqueue_dma source(%dma_start3A_357 : memref<8x4096xf32, #tpu.memory_space<hbm>>) target(%dma_start3A_356 : memref<8x4096xf32, #tpu.memory_space<vmem_shared>>) target_semaphore(%dma_start3A_352 : memref<!tpu.dma_semaphore, #tpu.memory_space<semaphore_mem>>)
    } else {
    }
    %add3A_132 = arith.constant 210 : i32
    %add3A_133 = arith.addi %add3A_132, %add3A : i32
    %lt3A_134 = arith.constant 416 : i32
    %lt3A_135 = arith.cmpi slt, %add3A_133, %lt3A_134 : i32
    %and3A_136 = arith.andi %lt3A_1, %lt3A_135 : i1
    %convert_element_type3A_137 = arith.extui %and3A_136 : i1 to i32
    %cond3A_138 = arith.constant 0 : i32
    %cond3A_139 = arith.cmpi ne, %convert_element_type3A_137, %cond3A_138 : i32
    scf.if %cond3A_139 {
      %add3A_282 = arith.constant 210 : i32
      %add3A_283 = arith.addi %add3A_282, %add3A : i32
      %slice3A = vector.extract_strided_slice %get3A_4 {offsets = [7], sizes = [1], strides = [1]} : vector<16xi32> to vector<1xi32>
      %squeeze3A = vector.extract %slice3A[0] : i32 from vector<1xi32>
      %mul3A_284 = arith.constant 8 : i32
      %mul3A_285 = arith.muli %squeeze3A, %mul3A_284 : i32
      %jit3A = arith.constant 4 : i32
      %eq3A = arith.constant 0 : i32
      %eq3A_286 = arith.cmpi eq, %jit3A, %eq3A : i32
      %jit3A_287 = arith.constant 1 : i32
      %select_n3A = arith.select %eq3A_286, %jit3A_287, %jit3A : i32
      %rem3A = arith.remsi %add3A_283, %select_n3A : i32
      %ne3A = arith.constant 0 : i32
      %ne3A_288 = arith.cmpi ne, %rem3A, %ne3A : i32
      %lt3A_289 = arith.constant 0 : i32
      %lt3A_290 = arith.cmpi slt, %rem3A, %lt3A_289 : i32
      %lt3A_291 = arith.constant 0 : i32
      %lt3A_292 = arith.cmpi slt, %select_n3A, %lt3A_291 : i32
      %ne3A_293 = arith.xori %lt3A_290, %lt3A_292 : i1
      %and3A_294 = arith.andi %ne3A_293, %ne3A_288 : i1
      %add3A_295 = arith.addi %rem3A, %select_n3A : i32
      %select_n3A_296 = arith.select %and3A_294, %add3A_295, %rem3A : i32
      %mul3A_297 = arith.constant 4096 : i32
      %mul3A_298 = arith.muli %select_n3A_296, %mul3A_297 : i32
      %dma_wait3A = arith.constant 1 : i32
      %dma_wait3A_299 = arith.constant 1 : i32
      %dma_wait3A_300 = tpu.memref_slice %arg7[%dma_wait3A_299] : memref<3x!tpu.dma_semaphore, #tpu.memory_space<semaphore_mem>> -> memref<1x!tpu.dma_semaphore, #tpu.memory_space<semaphore_mem>>
      %dma_wait3A_301 = tpu.memref_squeeze %dma_wait3A_300 : memref<1x!tpu.dma_semaphore, #tpu.memory_space<semaphore_mem>> -> memref<!tpu.dma_semaphore, #tpu.memory_space<semaphore_mem>>
      %dma_wait3A_302 = arith.constant 0 : i32
      %dma_wait3A_303 = arith.constant 0 : i32
      %dma_wait3A_304 = tpu.memref_slice %arg6[%arg1, %dma_wait3A, %dma_wait3A_302, %dma_wait3A_303] : memref<15x3x8x4096xf32, #tpu.memory_space<vmem_shared>> -> memref<1x1x8x4096xf32, #tpu.memory_space<vmem_shared>>
      %dma_wait3A_305 = tpu.memref_squeeze %dma_wait3A_304 : memref<1x1x8x4096xf32, #tpu.memory_space<vmem_shared>> -> memref<8x4096xf32, #tpu.memory_space<vmem_shared>>
      %dma_wait3A_306 = tpu.memref_slice %arg2[%mul3A_285, %mul3A_298] : memref<3200x16384xf32, #tpu.memory_space<hbm>> -> memref<8x4096xf32, #tpu.memory_space<hbm>>
      tpu.wait_dma2 semaphore(%dma_wait3A_301 : memref<!tpu.dma_semaphore, #tpu.memory_space<semaphore_mem>>) src(%dma_wait3A_306 : memref<8x4096xf32, #tpu.memory_space<hbm>>) dst(%dma_wait3A_305 : memref<8x4096xf32, #tpu.memory_space<vmem_shared>>)
      %add3A_307 = arith.constant 210 : i32
      %add3A_308 = arith.addi %add3A_307, %add3A : i32
      %jit3A_309 = arith.constant 4 : i32
      %div3A = arith.divsi %add3A_308, %jit3A_309 : i32
      %sign3A = arith.constant 0 : i32
      %sign3A_310 = arith.cmpi sgt, %add3A_308, %sign3A : i32
      %sign3A_311 = arith.extui %sign3A_310 : i1 to i32
      %sign3A_312 = arith.constant 0 : i32
      %sign3A_313 = arith.cmpi slt, %add3A_308, %sign3A_312 : i32
      %sign3A_314 = arith.extui %sign3A_313 : i1 to i32
      %sign3A_315 = arith.subi %sign3A_311, %sign3A_314 : i32
      %sign3A_316 = arith.constant 0 : i32
      %sign3A_317 = arith.cmpi sgt, %jit3A_309, %sign3A_316 : i32
      %sign3A_318 = arith.extui %sign3A_317 : i1 to i32
      %sign3A_319 = arith.constant 0 : i32
      %sign3A_320 = arith.cmpi slt, %jit3A_309, %sign3A_319 : i32
      %sign3A_321 = arith.extui %sign3A_320 : i1 to i32
      %sign3A_322 = arith.subi %sign3A_318, %sign3A_321 : i32
      %ne3A_323 = arith.cmpi ne, %sign3A_315, %sign3A_322 : i32
      %rem3A_324 = arith.remsi %add3A_308, %jit3A_309 : i32
      %ne3A_325 = arith.constant 0 : i32
      %ne3A_326 = arith.cmpi ne, %rem3A_324, %ne3A_325 : i32
      %and3A_327 = arith.andi %ne3A_323, %ne3A_326 : i1
      %sub3A = arith.constant 1 : i32
      %sub3A_328 = arith.subi %div3A, %sub3A : i32
      %select_n3A_329 = arith.select %and3A_327, %sub3A_328, %div3A : i32
      %mul3A_330 = arith.constant 8 : i32
      %mul3A_331 = arith.muli %select_n3A_329, %mul3A_330 : i32
      %jit3A_332 = arith.constant 4 : i32
      %eq3A_333 = arith.constant 0 : i32
      %eq3A_334 = arith.cmpi eq, %jit3A_332, %eq3A_333 : i32
      %jit3A_335 = arith.constant 1 : i32
      %select_n3A_336 = arith.select %eq3A_334, %jit3A_335, %jit3A_332 : i32
      %rem3A_337 = arith.remsi %add3A_308, %select_n3A_336 : i32
      %ne3A_338 = arith.constant 0 : i32
      %ne3A_339 = arith.cmpi ne, %rem3A_337, %ne3A_338 : i32
      %lt3A_340 = arith.constant 0 : i32
      %lt3A_341 = arith.cmpi slt, %rem3A_337, %lt3A_340 : i32
      %lt3A_342 = arith.constant 0 : i32
      %lt3A_343 = arith.cmpi slt, %select_n3A_336, %lt3A_342 : i32
      %ne3A_344 = arith.xori %lt3A_341, %lt3A_343 : i1
      %and3A_345 = arith.andi %ne3A_344, %ne3A_339 : i1
      %add3A_346 = arith.addi %rem3A_337, %select_n3A_336 : i32
      %select_n3A_347 = arith.select %and3A_345, %add3A_346, %rem3A_337 : i32
      %mul3A_348 = arith.constant 4096 : i32
      %mul3A_349 = arith.muli %select_n3A_347, %mul3A_348 : i32
      %dma_start3A = arith.constant 1 : i32
      %dma_start3A_350 = arith.constant 1 : i32
      %dma_start3A_351 = tpu.memref_slice %arg8[%dma_start3A_350] : memref<3x!tpu.dma_semaphore, #tpu.memory_space<semaphore_mem>> -> memref<1x!tpu.dma_semaphore, #tpu.memory_space<semaphore_mem>>
      %dma_start3A_352 = tpu.memref_squeeze %dma_start3A_351 : memref<1x!tpu.dma_semaphore, #tpu.memory_space<semaphore_mem>> -> memref<!tpu.dma_semaphore, #tpu.memory_space<semaphore_mem>>
      %dma_start3A_353 = tpu.memref_slice %arg4[%mul3A_331, %mul3A_349] : memref<832x16384xf32, #tpu.memory_space<hbm>> -> memref<8x4096xf32, #tpu.memory_space<hbm>>
      %dma_start3A_354 = arith.constant 0 : i32
      %dma_start3A_355 = arith.constant 0 : i32
      %dma_start3A_356 = tpu.memref_slice %arg6[%arg1, %dma_start3A, %dma_start3A_354, %dma_start3A_355] : memref<15x3x8x4096xf32, #tpu.memory_space<vmem_shared>> -> memref<1x1x8x4096xf32, #tpu.memory_space<vmem_shared>>
      %dma_start3A_357 = tpu.memref_squeeze %dma_start3A_356 : memref<1x1x8x4096xf32, #tpu.memory_space<vmem_shared>> -> memref<8x4096xf32, #tpu.memory_space<vmem_shared>>
      tpu.enqueue_dma source(%dma_start3A_357 : memref<8x4096xf32, #tpu.memory_space<vmem_shared>>) target(%dma_start3A_353 : memref<8x4096xf32, #tpu.memory_space<hbm>>) target_semaphore(%dma_start3A_352 : memref<!tpu.dma_semaphore, #tpu.memory_space<semaphore_mem>>)
    } else {
    }
    %add3A_140 = arith.constant 270 : i32
    %add3A_141 = arith.addi %add3A_140, %add3A : i32
    %lt3A_142 = arith.constant 416 : i32
    %lt3A_143 = arith.cmpi slt, %add3A_141, %lt3A_142 : i32
    %and3A_144 = arith.andi %lt3A_1, %lt3A_143 : i1
    %convert_element_type3A_145 = arith.extui %and3A_144 : i1 to i32
    %cond3A_146 = arith.constant 0 : i32
    %cond3A_147 = arith.cmpi ne, %convert_element_type3A_145, %cond3A_146 : i32
    scf.if %cond3A_147 {
      %add3A_282 = arith.constant 180 : i32
      %add3A_283 = arith.addi %add3A_282, %add3A : i32
      %jit3A = arith.constant 4 : i32
      %div3A = arith.divsi %add3A_283, %jit3A : i32
      %sign3A = arith.constant 0 : i32
      %sign3A_284 = arith.cmpi sgt, %add3A_283, %sign3A : i32
      %sign3A_285 = arith.extui %sign3A_284 : i1 to i32
      %sign3A_286 = arith.constant 0 : i32
      %sign3A_287 = arith.cmpi slt, %add3A_283, %sign3A_286 : i32
      %sign3A_288 = arith.extui %sign3A_287 : i1 to i32
      %sign3A_289 = arith.subi %sign3A_285, %sign3A_288 : i32
      %sign3A_290 = arith.constant 0 : i32
      %sign3A_291 = arith.cmpi sgt, %jit3A, %sign3A_290 : i32
      %sign3A_292 = arith.extui %sign3A_291 : i1 to i32
      %sign3A_293 = arith.constant 0 : i32
      %sign3A_294 = arith.cmpi slt, %jit3A, %sign3A_293 : i32
      %sign3A_295 = arith.extui %sign3A_294 : i1 to i32
      %sign3A_296 = arith.subi %sign3A_292, %sign3A_295 : i32
      %ne3A = arith.cmpi ne, %sign3A_289, %sign3A_296 : i32
      %rem3A = arith.remsi %add3A_283, %jit3A : i32
      %ne3A_297 = arith.constant 0 : i32
      %ne3A_298 = arith.cmpi ne, %rem3A, %ne3A_297 : i32
      %and3A_299 = arith.andi %ne3A, %ne3A_298 : i1
      %sub3A = arith.constant 1 : i32
      %sub3A_300 = arith.subi %div3A, %sub3A : i32
      %select_n3A = arith.select %and3A_299, %sub3A_300, %div3A : i32
      %mul3A_301 = arith.constant 8 : i32
      %mul3A_302 = arith.muli %select_n3A, %mul3A_301 : i32
      %jit3A_303 = arith.constant 4 : i32
      %eq3A = arith.constant 0 : i32
      %eq3A_304 = arith.cmpi eq, %jit3A_303, %eq3A : i32
      %jit3A_305 = arith.constant 1 : i32
      %select_n3A_306 = arith.select %eq3A_304, %jit3A_305, %jit3A_303 : i32
      %rem3A_307 = arith.remsi %add3A_283, %select_n3A_306 : i32
      %ne3A_308 = arith.constant 0 : i32
      %ne3A_309 = arith.cmpi ne, %rem3A_307, %ne3A_308 : i32
      %lt3A_310 = arith.constant 0 : i32
      %lt3A_311 = arith.cmpi slt, %rem3A_307, %lt3A_310 : i32
      %lt3A_312 = arith.constant 0 : i32
      %lt3A_313 = arith.cmpi slt, %select_n3A_306, %lt3A_312 : i32
      %ne3A_314 = arith.xori %lt3A_311, %lt3A_313 : i1
      %and3A_315 = arith.andi %ne3A_314, %ne3A_309 : i1
      %add3A_316 = arith.addi %rem3A_307, %select_n3A_306 : i32
      %select_n3A_317 = arith.select %and3A_315, %add3A_316, %rem3A_307 : i32
      %mul3A_318 = arith.constant 4096 : i32
      %mul3A_319 = arith.muli %select_n3A_317, %mul3A_318 : i32
      %dma_wait3A = arith.constant 0 : i32
      %dma_wait3A_320 = arith.constant 0 : i32
      %dma_wait3A_321 = tpu.memref_slice %arg8[%dma_wait3A_320] : memref<3x!tpu.dma_semaphore, #tpu.memory_space<semaphore_mem>> -> memref<1x!tpu.dma_semaphore, #tpu.memory_space<semaphore_mem>>
      %dma_wait3A_322 = tpu.memref_squeeze %dma_wait3A_321 : memref<1x!tpu.dma_semaphore, #tpu.memory_space<semaphore_mem>> -> memref<!tpu.dma_semaphore, #tpu.memory_space<semaphore_mem>>
      %dma_wait3A_323 = tpu.memref_slice %arg4[%mul3A_302, %mul3A_319] : memref<832x16384xf32, #tpu.memory_space<hbm>> -> memref<8x4096xf32, #tpu.memory_space<hbm>>
      %dma_wait3A_324 = arith.constant 0 : i32
      %dma_wait3A_325 = arith.constant 0 : i32
      %dma_wait3A_326 = tpu.memref_slice %arg6[%arg1, %dma_wait3A, %dma_wait3A_324, %dma_wait3A_325] : memref<15x3x8x4096xf32, #tpu.memory_space<vmem_shared>> -> memref<1x1x8x4096xf32, #tpu.memory_space<vmem_shared>>
      %dma_wait3A_327 = tpu.memref_squeeze %dma_wait3A_326 : memref<1x1x8x4096xf32, #tpu.memory_space<vmem_shared>> -> memref<8x4096xf32, #tpu.memory_space<vmem_shared>>
      tpu.wait_dma2 semaphore(%dma_wait3A_322 : memref<!tpu.dma_semaphore, #tpu.memory_space<semaphore_mem>>) src(%dma_wait3A_327 : memref<8x4096xf32, #tpu.memory_space<vmem_shared>>) dst(%dma_wait3A_323 : memref<8x4096xf32, #tpu.memory_space<hbm>>)
      %add3A_328 = arith.constant 270 : i32
      %add3A_329 = arith.addi %add3A_328, %add3A : i32
      %slice3A = vector.extract_strided_slice %get3A_4 {offsets = [9], sizes = [1], strides = [1]} : vector<16xi32> to vector<1xi32>
      %squeeze3A = vector.extract %slice3A[0] : i32 from vector<1xi32>
      %mul3A_330 = arith.constant 8 : i32
      %mul3A_331 = arith.muli %squeeze3A, %mul3A_330 : i32
      %jit3A_332 = arith.constant 4 : i32
      %eq3A_333 = arith.constant 0 : i32
      %eq3A_334 = arith.cmpi eq, %jit3A_332, %eq3A_333 : i32
      %jit3A_335 = arith.constant 1 : i32
      %select_n3A_336 = arith.select %eq3A_334, %jit3A_335, %jit3A_332 : i32
      %rem3A_337 = arith.remsi %add3A_329, %select_n3A_336 : i32
      %ne3A_338 = arith.constant 0 : i32
      %ne3A_339 = arith.cmpi ne, %rem3A_337, %ne3A_338 : i32
      %lt3A_340 = arith.constant 0 : i32
      %lt3A_341 = arith.cmpi slt, %rem3A_337, %lt3A_340 : i32
      %lt3A_342 = arith.constant 0 : i32
      %lt3A_343 = arith.cmpi slt, %select_n3A_336, %lt3A_342 : i32
      %ne3A_344 = arith.xori %lt3A_341, %lt3A_343 : i1
      %and3A_345 = arith.andi %ne3A_344, %ne3A_339 : i1
      %add3A_346 = arith.addi %rem3A_337, %select_n3A_336 : i32
      %select_n3A_347 = arith.select %and3A_345, %add3A_346, %rem3A_337 : i32
      %mul3A_348 = arith.constant 4096 : i32
      %mul3A_349 = arith.muli %select_n3A_347, %mul3A_348 : i32
      %dma_start3A = arith.constant 0 : i32
      %dma_start3A_350 = arith.constant 0 : i32
      %dma_start3A_351 = tpu.memref_slice %arg7[%dma_start3A_350] : memref<3x!tpu.dma_semaphore, #tpu.memory_space<semaphore_mem>> -> memref<1x!tpu.dma_semaphore, #tpu.memory_space<semaphore_mem>>
      %dma_start3A_352 = tpu.memref_squeeze %dma_start3A_351 : memref<1x!tpu.dma_semaphore, #tpu.memory_space<semaphore_mem>> -> memref<!tpu.dma_semaphore, #tpu.memory_space<semaphore_mem>>
      %dma_start3A_353 = arith.constant 0 : i32
      %dma_start3A_354 = arith.constant 0 : i32
      %dma_start3A_355 = tpu.memref_slice %arg6[%arg1, %dma_start3A, %dma_start3A_353, %dma_start3A_354] : memref<15x3x8x4096xf32, #tpu.memory_space<vmem_shared>> -> memref<1x1x8x4096xf32, #tpu.memory_space<vmem_shared>>
      %dma_start3A_356 = tpu.memref_squeeze %dma_start3A_355 : memref<1x1x8x4096xf32, #tpu.memory_space<vmem_shared>> -> memref<8x4096xf32, #tpu.memory_space<vmem_shared>>
      %dma_start3A_357 = tpu.memref_slice %arg2[%mul3A_331, %mul3A_349] : memref<3200x16384xf32, #tpu.memory_space<hbm>> -> memref<8x4096xf32, #tpu.memory_space<hbm>>
      tpu.enqueue_dma source(%dma_start3A_357 : memref<8x4096xf32, #tpu.memory_space<hbm>>) target(%dma_start3A_356 : memref<8x4096xf32, #tpu.memory_space<vmem_shared>>) target_semaphore(%dma_start3A_352 : memref<!tpu.dma_semaphore, #tpu.memory_space<semaphore_mem>>)
    } else {
    }
    %add3A_148 = arith.constant 240 : i32
    %add3A_149 = arith.addi %add3A_148, %add3A : i32
    %lt3A_150 = arith.constant 416 : i32
    %lt3A_151 = arith.cmpi slt, %add3A_149, %lt3A_150 : i32
    %and3A_152 = arith.andi %lt3A_1, %lt3A_151 : i1
    %convert_element_type3A_153 = arith.extui %and3A_152 : i1 to i32
    %cond3A_154 = arith.constant 0 : i32
    %cond3A_155 = arith.cmpi ne, %convert_element_type3A_153, %cond3A_154 : i32
    scf.if %cond3A_155 {
      %add3A_282 = arith.constant 240 : i32
      %add3A_283 = arith.addi %add3A_282, %add3A : i32
      %slice3A = vector.extract_strided_slice %get3A_4 {offsets = [8], sizes = [1], strides = [1]} : vector<16xi32> to vector<1xi32>
      %squeeze3A = vector.extract %slice3A[0] : i32 from vector<1xi32>
      %mul3A_284 = arith.constant 8 : i32
      %mul3A_285 = arith.muli %squeeze3A, %mul3A_284 : i32
      %jit3A = arith.constant 4 : i32
      %eq3A = arith.constant 0 : i32
      %eq3A_286 = arith.cmpi eq, %jit3A, %eq3A : i32
      %jit3A_287 = arith.constant 1 : i32
      %select_n3A = arith.select %eq3A_286, %jit3A_287, %jit3A : i32
      %rem3A = arith.remsi %add3A_283, %select_n3A : i32
      %ne3A = arith.constant 0 : i32
      %ne3A_288 = arith.cmpi ne, %rem3A, %ne3A : i32
      %lt3A_289 = arith.constant 0 : i32
      %lt3A_290 = arith.cmpi slt, %rem3A, %lt3A_289 : i32
      %lt3A_291 = arith.constant 0 : i32
      %lt3A_292 = arith.cmpi slt, %select_n3A, %lt3A_291 : i32
      %ne3A_293 = arith.xori %lt3A_290, %lt3A_292 : i1
      %and3A_294 = arith.andi %ne3A_293, %ne3A_288 : i1
      %add3A_295 = arith.addi %rem3A, %select_n3A : i32
      %select_n3A_296 = arith.select %and3A_294, %add3A_295, %rem3A : i32
      %mul3A_297 = arith.constant 4096 : i32
      %mul3A_298 = arith.muli %select_n3A_296, %mul3A_297 : i32
      %dma_wait3A = arith.constant 2 : i32
      %dma_wait3A_299 = arith.constant 2 : i32
      %dma_wait3A_300 = tpu.memref_slice %arg7[%dma_wait3A_299] : memref<3x!tpu.dma_semaphore, #tpu.memory_space<semaphore_mem>> -> memref<1x!tpu.dma_semaphore, #tpu.memory_space<semaphore_mem>>
      %dma_wait3A_301 = tpu.memref_squeeze %dma_wait3A_300 : memref<1x!tpu.dma_semaphore, #tpu.memory_space<semaphore_mem>> -> memref<!tpu.dma_semaphore, #tpu.memory_space<semaphore_mem>>
      %dma_wait3A_302 = arith.constant 0 : i32
      %dma_wait3A_303 = arith.constant 0 : i32
      %dma_wait3A_304 = tpu.memref_slice %arg6[%arg1, %dma_wait3A, %dma_wait3A_302, %dma_wait3A_303] : memref<15x3x8x4096xf32, #tpu.memory_space<vmem_shared>> -> memref<1x1x8x4096xf32, #tpu.memory_space<vmem_shared>>
      %dma_wait3A_305 = tpu.memref_squeeze %dma_wait3A_304 : memref<1x1x8x4096xf32, #tpu.memory_space<vmem_shared>> -> memref<8x4096xf32, #tpu.memory_space<vmem_shared>>
      %dma_wait3A_306 = tpu.memref_slice %arg2[%mul3A_285, %mul3A_298] : memref<3200x16384xf32, #tpu.memory_space<hbm>> -> memref<8x4096xf32, #tpu.memory_space<hbm>>
      tpu.wait_dma2 semaphore(%dma_wait3A_301 : memref<!tpu.dma_semaphore, #tpu.memory_space<semaphore_mem>>) src(%dma_wait3A_306 : memref<8x4096xf32, #tpu.memory_space<hbm>>) dst(%dma_wait3A_305 : memref<8x4096xf32, #tpu.memory_space<vmem_shared>>)
      %add3A_307 = arith.constant 240 : i32
      %add3A_308 = arith.addi %add3A_307, %add3A : i32
      %jit3A_309 = arith.constant 4 : i32
      %div3A = arith.divsi %add3A_308, %jit3A_309 : i32
      %sign3A = arith.constant 0 : i32
      %sign3A_310 = arith.cmpi sgt, %add3A_308, %sign3A : i32
      %sign3A_311 = arith.extui %sign3A_310 : i1 to i32
      %sign3A_312 = arith.constant 0 : i32
      %sign3A_313 = arith.cmpi slt, %add3A_308, %sign3A_312 : i32
      %sign3A_314 = arith.extui %sign3A_313 : i1 to i32
      %sign3A_315 = arith.subi %sign3A_311, %sign3A_314 : i32
      %sign3A_316 = arith.constant 0 : i32
      %sign3A_317 = arith.cmpi sgt, %jit3A_309, %sign3A_316 : i32
      %sign3A_318 = arith.extui %sign3A_317 : i1 to i32
      %sign3A_319 = arith.constant 0 : i32
      %sign3A_320 = arith.cmpi slt, %jit3A_309, %sign3A_319 : i32
      %sign3A_321 = arith.extui %sign3A_320 : i1 to i32
      %sign3A_322 = arith.subi %sign3A_318, %sign3A_321 : i32
      %ne3A_323 = arith.cmpi ne, %sign3A_315, %sign3A_322 : i32
      %rem3A_324 = arith.remsi %add3A_308, %jit3A_309 : i32
      %ne3A_325 = arith.constant 0 : i32
      %ne3A_326 = arith.cmpi ne, %rem3A_324, %ne3A_325 : i32
      %and3A_327 = arith.andi %ne3A_323, %ne3A_326 : i1
      %sub3A = arith.constant 1 : i32
      %sub3A_328 = arith.subi %div3A, %sub3A : i32
      %select_n3A_329 = arith.select %and3A_327, %sub3A_328, %div3A : i32
      %mul3A_330 = arith.constant 8 : i32
      %mul3A_331 = arith.muli %select_n3A_329, %mul3A_330 : i32
      %jit3A_332 = arith.constant 4 : i32
      %eq3A_333 = arith.constant 0 : i32
      %eq3A_334 = arith.cmpi eq, %jit3A_332, %eq3A_333 : i32
      %jit3A_335 = arith.constant 1 : i32
      %select_n3A_336 = arith.select %eq3A_334, %jit3A_335, %jit3A_332 : i32
      %rem3A_337 = arith.remsi %add3A_308, %select_n3A_336 : i32
      %ne3A_338 = arith.constant 0 : i32
      %ne3A_339 = arith.cmpi ne, %rem3A_337, %ne3A_338 : i32
      %lt3A_340 = arith.constant 0 : i32
      %lt3A_341 = arith.cmpi slt, %rem3A_337, %lt3A_340 : i32
      %lt3A_342 = arith.constant 0 : i32
      %lt3A_343 = arith.cmpi slt, %select_n3A_336, %lt3A_342 : i32
      %ne3A_344 = arith.xori %lt3A_341, %lt3A_343 : i1
      %and3A_345 = arith.andi %ne3A_344, %ne3A_339 : i1
      %add3A_346 = arith.addi %rem3A_337, %select_n3A_336 : i32
      %select_n3A_347 = arith.select %and3A_345, %add3A_346, %rem3A_337 : i32
      %mul3A_348 = arith.constant 4096 : i32
      %mul3A_349 = arith.muli %select_n3A_347, %mul3A_348 : i32
      %dma_start3A = arith.constant 2 : i32
      %dma_start3A_350 = arith.constant 2 : i32
      %dma_start3A_351 = tpu.memref_slice %arg8[%dma_start3A_350] : memref<3x!tpu.dma_semaphore, #tpu.memory_space<semaphore_mem>> -> memref<1x!tpu.dma_semaphore, #tpu.memory_space<semaphore_mem>>
      %dma_start3A_352 = tpu.memref_squeeze %dma_start3A_351 : memref<1x!tpu.dma_semaphore, #tpu.memory_space<semaphore_mem>> -> memref<!tpu.dma_semaphore, #tpu.memory_space<semaphore_mem>>
      %dma_start3A_353 = tpu.memref_slice %arg4[%mul3A_331, %mul3A_349] : memref<832x16384xf32, #tpu.memory_space<hbm>> -> memref<8x4096xf32, #tpu.memory_space<hbm>>
      %dma_start3A_354 = arith.constant 0 : i32
      %dma_start3A_355 = arith.constant 0 : i32
      %dma_start3A_356 = tpu.memref_slice %arg6[%arg1, %dma_start3A, %dma_start3A_354, %dma_start3A_355] : memref<15x3x8x4096xf32, #tpu.memory_space<vmem_shared>> -> memref<1x1x8x4096xf32, #tpu.memory_space<vmem_shared>>
      %dma_start3A_357 = tpu.memref_squeeze %dma_start3A_356 : memref<1x1x8x4096xf32, #tpu.memory_space<vmem_shared>> -> memref<8x4096xf32, #tpu.memory_space<vmem_shared>>
      tpu.enqueue_dma source(%dma_start3A_357 : memref<8x4096xf32, #tpu.memory_space<vmem_shared>>) target(%dma_start3A_353 : memref<8x4096xf32, #tpu.memory_space<hbm>>) target_semaphore(%dma_start3A_352 : memref<!tpu.dma_semaphore, #tpu.memory_space<semaphore_mem>>)
    } else {
    }
    %add3A_156 = arith.constant 300 : i32
    %add3A_157 = arith.addi %add3A_156, %add3A : i32
    %lt3A_158 = arith.constant 416 : i32
    %lt3A_159 = arith.cmpi slt, %add3A_157, %lt3A_158 : i32
    %and3A_160 = arith.andi %lt3A_1, %lt3A_159 : i1
    %convert_element_type3A_161 = arith.extui %and3A_160 : i1 to i32
    %cond3A_162 = arith.constant 0 : i32
    %cond3A_163 = arith.cmpi ne, %convert_element_type3A_161, %cond3A_162 : i32
    scf.if %cond3A_163 {
      %add3A_282 = arith.constant 210 : i32
      %add3A_283 = arith.addi %add3A_282, %add3A : i32
      %jit3A = arith.constant 4 : i32
      %div3A = arith.divsi %add3A_283, %jit3A : i32
      %sign3A = arith.constant 0 : i32
      %sign3A_284 = arith.cmpi sgt, %add3A_283, %sign3A : i32
      %sign3A_285 = arith.extui %sign3A_284 : i1 to i32
      %sign3A_286 = arith.constant 0 : i32
      %sign3A_287 = arith.cmpi slt, %add3A_283, %sign3A_286 : i32
      %sign3A_288 = arith.extui %sign3A_287 : i1 to i32
      %sign3A_289 = arith.subi %sign3A_285, %sign3A_288 : i32
      %sign3A_290 = arith.constant 0 : i32
      %sign3A_291 = arith.cmpi sgt, %jit3A, %sign3A_290 : i32
      %sign3A_292 = arith.extui %sign3A_291 : i1 to i32
      %sign3A_293 = arith.constant 0 : i32
      %sign3A_294 = arith.cmpi slt, %jit3A, %sign3A_293 : i32
      %sign3A_295 = arith.extui %sign3A_294 : i1 to i32
      %sign3A_296 = arith.subi %sign3A_292, %sign3A_295 : i32
      %ne3A = arith.cmpi ne, %sign3A_289, %sign3A_296 : i32
      %rem3A = arith.remsi %add3A_283, %jit3A : i32
      %ne3A_297 = arith.constant 0 : i32
      %ne3A_298 = arith.cmpi ne, %rem3A, %ne3A_297 : i32
      %and3A_299 = arith.andi %ne3A, %ne3A_298 : i1
      %sub3A = arith.constant 1 : i32
      %sub3A_300 = arith.subi %div3A, %sub3A : i32
      %select_n3A = arith.select %and3A_299, %sub3A_300, %div3A : i32
      %mul3A_301 = arith.constant 8 : i32
      %mul3A_302 = arith.muli %select_n3A, %mul3A_301 : i32
      %jit3A_303 = arith.constant 4 : i32
      %eq3A = arith.constant 0 : i32
      %eq3A_304 = arith.cmpi eq, %jit3A_303, %eq3A : i32
      %jit3A_305 = arith.constant 1 : i32
      %select_n3A_306 = arith.select %eq3A_304, %jit3A_305, %jit3A_303 : i32
      %rem3A_307 = arith.remsi %add3A_283, %select_n3A_306 : i32
      %ne3A_308 = arith.constant 0 : i32
      %ne3A_309 = arith.cmpi ne, %rem3A_307, %ne3A_308 : i32
      %lt3A_310 = arith.constant 0 : i32
      %lt3A_311 = arith.cmpi slt, %rem3A_307, %lt3A_310 : i32
      %lt3A_312 = arith.constant 0 : i32
      %lt3A_313 = arith.cmpi slt, %select_n3A_306, %lt3A_312 : i32
      %ne3A_314 = arith.xori %lt3A_311, %lt3A_313 : i1
      %and3A_315 = arith.andi %ne3A_314, %ne3A_309 : i1
      %add3A_316 = arith.addi %rem3A_307, %select_n3A_306 : i32
      %select_n3A_317 = arith.select %and3A_315, %add3A_316, %rem3A_307 : i32
      %mul3A_318 = arith.constant 4096 : i32
      %mul3A_319 = arith.muli %select_n3A_317, %mul3A_318 : i32
      %dma_wait3A = arith.constant 1 : i32
      %dma_wait3A_320 = arith.constant 1 : i32
      %dma_wait3A_321 = tpu.memref_slice %arg8[%dma_wait3A_320] : memref<3x!tpu.dma_semaphore, #tpu.memory_space<semaphore_mem>> -> memref<1x!tpu.dma_semaphore, #tpu.memory_space<semaphore_mem>>
      %dma_wait3A_322 = tpu.memref_squeeze %dma_wait3A_321 : memref<1x!tpu.dma_semaphore, #tpu.memory_space<semaphore_mem>> -> memref<!tpu.dma_semaphore, #tpu.memory_space<semaphore_mem>>
      %dma_wait3A_323 = tpu.memref_slice %arg4[%mul3A_302, %mul3A_319] : memref<832x16384xf32, #tpu.memory_space<hbm>> -> memref<8x4096xf32, #tpu.memory_space<hbm>>
      %dma_wait3A_324 = arith.constant 0 : i32
      %dma_wait3A_325 = arith.constant 0 : i32
      %dma_wait3A_326 = tpu.memref_slice %arg6[%arg1, %dma_wait3A, %dma_wait3A_324, %dma_wait3A_325] : memref<15x3x8x4096xf32, #tpu.memory_space<vmem_shared>> -> memref<1x1x8x4096xf32, #tpu.memory_space<vmem_shared>>
      %dma_wait3A_327 = tpu.memref_squeeze %dma_wait3A_326 : memref<1x1x8x4096xf32, #tpu.memory_space<vmem_shared>> -> memref<8x4096xf32, #tpu.memory_space<vmem_shared>>
      tpu.wait_dma2 semaphore(%dma_wait3A_322 : memref<!tpu.dma_semaphore, #tpu.memory_space<semaphore_mem>>) src(%dma_wait3A_327 : memref<8x4096xf32, #tpu.memory_space<vmem_shared>>) dst(%dma_wait3A_323 : memref<8x4096xf32, #tpu.memory_space<hbm>>)
      %add3A_328 = arith.constant 300 : i32
      %add3A_329 = arith.addi %add3A_328, %add3A : i32
      %slice3A = vector.extract_strided_slice %get3A_4 {offsets = [10], sizes = [1], strides = [1]} : vector<16xi32> to vector<1xi32>
      %squeeze3A = vector.extract %slice3A[0] : i32 from vector<1xi32>
      %mul3A_330 = arith.constant 8 : i32
      %mul3A_331 = arith.muli %squeeze3A, %mul3A_330 : i32
      %jit3A_332 = arith.constant 4 : i32
      %eq3A_333 = arith.constant 0 : i32
      %eq3A_334 = arith.cmpi eq, %jit3A_332, %eq3A_333 : i32
      %jit3A_335 = arith.constant 1 : i32
      %select_n3A_336 = arith.select %eq3A_334, %jit3A_335, %jit3A_332 : i32
      %rem3A_337 = arith.remsi %add3A_329, %select_n3A_336 : i32
      %ne3A_338 = arith.constant 0 : i32
      %ne3A_339 = arith.cmpi ne, %rem3A_337, %ne3A_338 : i32
      %lt3A_340 = arith.constant 0 : i32
      %lt3A_341 = arith.cmpi slt, %rem3A_337, %lt3A_340 : i32
      %lt3A_342 = arith.constant 0 : i32
      %lt3A_343 = arith.cmpi slt, %select_n3A_336, %lt3A_342 : i32
      %ne3A_344 = arith.xori %lt3A_341, %lt3A_343 : i1
      %and3A_345 = arith.andi %ne3A_344, %ne3A_339 : i1
      %add3A_346 = arith.addi %rem3A_337, %select_n3A_336 : i32
      %select_n3A_347 = arith.select %and3A_345, %add3A_346, %rem3A_337 : i32
      %mul3A_348 = arith.constant 4096 : i32
      %mul3A_349 = arith.muli %select_n3A_347, %mul3A_348 : i32
      %dma_start3A = arith.constant 1 : i32
      %dma_start3A_350 = arith.constant 1 : i32
      %dma_start3A_351 = tpu.memref_slice %arg7[%dma_start3A_350] : memref<3x!tpu.dma_semaphore, #tpu.memory_space<semaphore_mem>> -> memref<1x!tpu.dma_semaphore, #tpu.memory_space<semaphore_mem>>
      %dma_start3A_352 = tpu.memref_squeeze %dma_start3A_351 : memref<1x!tpu.dma_semaphore, #tpu.memory_space<semaphore_mem>> -> memref<!tpu.dma_semaphore, #tpu.memory_space<semaphore_mem>>
      %dma_start3A_353 = arith.constant 0 : i32
      %dma_start3A_354 = arith.constant 0 : i32
      %dma_start3A_355 = tpu.memref_slice %arg6[%arg1, %dma_start3A, %dma_start3A_353, %dma_start3A_354] : memref<15x3x8x4096xf32, #tpu.memory_space<vmem_shared>> -> memref<1x1x8x4096xf32, #tpu.memory_space<vmem_shared>>
      %dma_start3A_356 = tpu.memref_squeeze %dma_start3A_355 : memref<1x1x8x4096xf32, #tpu.memory_space<vmem_shared>> -> memref<8x4096xf32, #tpu.memory_space<vmem_shared>>
      %dma_start3A_357 = tpu.memref_slice %arg2[%mul3A_331, %mul3A_349] : memref<3200x16384xf32, #tpu.memory_space<hbm>> -> memref<8x4096xf32, #tpu.memory_space<hbm>>
      tpu.enqueue_dma source(%dma_start3A_357 : memref<8x4096xf32, #tpu.memory_space<hbm>>) target(%dma_start3A_356 : memref<8x4096xf32, #tpu.memory_space<vmem_shared>>) target_semaphore(%dma_start3A_352 : memref<!tpu.dma_semaphore, #tpu.memory_space<semaphore_mem>>)
    } else {
    }
    %add3A_164 = arith.constant 270 : i32
    %add3A_165 = arith.addi %add3A_164, %add3A : i32
    %lt3A_166 = arith.constant 416 : i32
    %lt3A_167 = arith.cmpi slt, %add3A_165, %lt3A_166 : i32
    %and3A_168 = arith.andi %lt3A_1, %lt3A_167 : i1
    %convert_element_type3A_169 = arith.extui %and3A_168 : i1 to i32
    %cond3A_170 = arith.constant 0 : i32
    %cond3A_171 = arith.cmpi ne, %convert_element_type3A_169, %cond3A_170 : i32
    scf.if %cond3A_171 {
      %add3A_282 = arith.constant 270 : i32
      %add3A_283 = arith.addi %add3A_282, %add3A : i32
      %slice3A = vector.extract_strided_slice %get3A_4 {offsets = [9], sizes = [1], strides = [1]} : vector<16xi32> to vector<1xi32>
      %squeeze3A = vector.extract %slice3A[0] : i32 from vector<1xi32>
      %mul3A_284 = arith.constant 8 : i32
      %mul3A_285 = arith.muli %squeeze3A, %mul3A_284 : i32
      %jit3A = arith.constant 4 : i32
      %eq3A = arith.constant 0 : i32
      %eq3A_286 = arith.cmpi eq, %jit3A, %eq3A : i32
      %jit3A_287 = arith.constant 1 : i32
      %select_n3A = arith.select %eq3A_286, %jit3A_287, %jit3A : i32
      %rem3A = arith.remsi %add3A_283, %select_n3A : i32
      %ne3A = arith.constant 0 : i32
      %ne3A_288 = arith.cmpi ne, %rem3A, %ne3A : i32
      %lt3A_289 = arith.constant 0 : i32
      %lt3A_290 = arith.cmpi slt, %rem3A, %lt3A_289 : i32
      %lt3A_291 = arith.constant 0 : i32
      %lt3A_292 = arith.cmpi slt, %select_n3A, %lt3A_291 : i32
      %ne3A_293 = arith.xori %lt3A_290, %lt3A_292 : i1
      %and3A_294 = arith.andi %ne3A_293, %ne3A_288 : i1
      %add3A_295 = arith.addi %rem3A, %select_n3A : i32
      %select_n3A_296 = arith.select %and3A_294, %add3A_295, %rem3A : i32
      %mul3A_297 = arith.constant 4096 : i32
      %mul3A_298 = arith.muli %select_n3A_296, %mul3A_297 : i32
      %dma_wait3A = arith.constant 0 : i32
      %dma_wait3A_299 = arith.constant 0 : i32
      %dma_wait3A_300 = tpu.memref_slice %arg7[%dma_wait3A_299] : memref<3x!tpu.dma_semaphore, #tpu.memory_space<semaphore_mem>> -> memref<1x!tpu.dma_semaphore, #tpu.memory_space<semaphore_mem>>
      %dma_wait3A_301 = tpu.memref_squeeze %dma_wait3A_300 : memref<1x!tpu.dma_semaphore, #tpu.memory_space<semaphore_mem>> -> memref<!tpu.dma_semaphore, #tpu.memory_space<semaphore_mem>>
      %dma_wait3A_302 = arith.constant 0 : i32
      %dma_wait3A_303 = arith.constant 0 : i32
      %dma_wait3A_304 = tpu.memref_slice %arg6[%arg1, %dma_wait3A, %dma_wait3A_302, %dma_wait3A_303] : memref<15x3x8x4096xf32, #tpu.memory_space<vmem_shared>> -> memref<1x1x8x4096xf32, #tpu.memory_space<vmem_shared>>
      %dma_wait3A_305 = tpu.memref_squeeze %dma_wait3A_304 : memref<1x1x8x4096xf32, #tpu.memory_space<vmem_shared>> -> memref<8x4096xf32, #tpu.memory_space<vmem_shared>>
      %dma_wait3A_306 = tpu.memref_slice %arg2[%mul3A_285, %mul3A_298] : memref<3200x16384xf32, #tpu.memory_space<hbm>> -> memref<8x4096xf32, #tpu.memory_space<hbm>>
      tpu.wait_dma2 semaphore(%dma_wait3A_301 : memref<!tpu.dma_semaphore, #tpu.memory_space<semaphore_mem>>) src(%dma_wait3A_306 : memref<8x4096xf32, #tpu.memory_space<hbm>>) dst(%dma_wait3A_305 : memref<8x4096xf32, #tpu.memory_space<vmem_shared>>)
      %add3A_307 = arith.constant 270 : i32
      %add3A_308 = arith.addi %add3A_307, %add3A : i32
      %jit3A_309 = arith.constant 4 : i32
      %div3A = arith.divsi %add3A_308, %jit3A_309 : i32
      %sign3A = arith.constant 0 : i32
      %sign3A_310 = arith.cmpi sgt, %add3A_308, %sign3A : i32
      %sign3A_311 = arith.extui %sign3A_310 : i1 to i32
      %sign3A_312 = arith.constant 0 : i32
      %sign3A_313 = arith.cmpi slt, %add3A_308, %sign3A_312 : i32
      %sign3A_314 = arith.extui %sign3A_313 : i1 to i32
      %sign3A_315 = arith.subi %sign3A_311, %sign3A_314 : i32
      %sign3A_316 = arith.constant 0 : i32
      %sign3A_317 = arith.cmpi sgt, %jit3A_309, %sign3A_316 : i32
      %sign3A_318 = arith.extui %sign3A_317 : i1 to i32
      %sign3A_319 = arith.constant 0 : i32
      %sign3A_320 = arith.cmpi slt, %jit3A_309, %sign3A_319 : i32
      %sign3A_321 = arith.extui %sign3A_320 : i1 to i32
      %sign3A_322 = arith.subi %sign3A_318, %sign3A_321 : i32
      %ne3A_323 = arith.cmpi ne, %sign3A_315, %sign3A_322 : i32
      %rem3A_324 = arith.remsi %add3A_308, %jit3A_309 : i32
      %ne3A_325 = arith.constant 0 : i32
      %ne3A_326 = arith.cmpi ne, %rem3A_324, %ne3A_325 : i32
      %and3A_327 = arith.andi %ne3A_323, %ne3A_326 : i1
      %sub3A = arith.constant 1 : i32
      %sub3A_328 = arith.subi %div3A, %sub3A : i32
      %select_n3A_329 = arith.select %and3A_327, %sub3A_328, %div3A : i32
      %mul3A_330 = arith.constant 8 : i32
      %mul3A_331 = arith.muli %select_n3A_329, %mul3A_330 : i32
      %jit3A_332 = arith.constant 4 : i32
      %eq3A_333 = arith.constant 0 : i32
      %eq3A_334 = arith.cmpi eq, %jit3A_332, %eq3A_333 : i32
      %jit3A_335 = arith.constant 1 : i32
      %select_n3A_336 = arith.select %eq3A_334, %jit3A_335, %jit3A_332 : i32
      %rem3A_337 = arith.remsi %add3A_308, %select_n3A_336 : i32
      %ne3A_338 = arith.constant 0 : i32
      %ne3A_339 = arith.cmpi ne, %rem3A_337, %ne3A_338 : i32
      %lt3A_340 = arith.constant 0 : i32
      %lt3A_341 = arith.cmpi slt, %rem3A_337, %lt3A_340 : i32
      %lt3A_342 = arith.constant 0 : i32
      %lt3A_343 = arith.cmpi slt, %select_n3A_336, %lt3A_342 : i32
      %ne3A_344 = arith.xori %lt3A_341, %lt3A_343 : i1
      %and3A_345 = arith.andi %ne3A_344, %ne3A_339 : i1
      %add3A_346 = arith.addi %rem3A_337, %select_n3A_336 : i32
      %select_n3A_347 = arith.select %and3A_345, %add3A_346, %rem3A_337 : i32
      %mul3A_348 = arith.constant 4096 : i32
      %mul3A_349 = arith.muli %select_n3A_347, %mul3A_348 : i32
      %dma_start3A = arith.constant 0 : i32
      %dma_start3A_350 = arith.constant 0 : i32
      %dma_start3A_351 = tpu.memref_slice %arg8[%dma_start3A_350] : memref<3x!tpu.dma_semaphore, #tpu.memory_space<semaphore_mem>> -> memref<1x!tpu.dma_semaphore, #tpu.memory_space<semaphore_mem>>
      %dma_start3A_352 = tpu.memref_squeeze %dma_start3A_351 : memref<1x!tpu.dma_semaphore, #tpu.memory_space<semaphore_mem>> -> memref<!tpu.dma_semaphore, #tpu.memory_space<semaphore_mem>>
      %dma_start3A_353 = tpu.memref_slice %arg4[%mul3A_331, %mul3A_349] : memref<832x16384xf32, #tpu.memory_space<hbm>> -> memref<8x4096xf32, #tpu.memory_space<hbm>>
      %dma_start3A_354 = arith.constant 0 : i32
      %dma_start3A_355 = arith.constant 0 : i32
      %dma_start3A_356 = tpu.memref_slice %arg6[%arg1, %dma_start3A, %dma_start3A_354, %dma_start3A_355] : memref<15x3x8x4096xf32, #tpu.memory_space<vmem_shared>> -> memref<1x1x8x4096xf32, #tpu.memory_space<vmem_shared>>
      %dma_start3A_357 = tpu.memref_squeeze %dma_start3A_356 : memref<1x1x8x4096xf32, #tpu.memory_space<vmem_shared>> -> memref<8x4096xf32, #tpu.memory_space<vmem_shared>>
      tpu.enqueue_dma source(%dma_start3A_357 : memref<8x4096xf32, #tpu.memory_space<vmem_shared>>) target(%dma_start3A_353 : memref<8x4096xf32, #tpu.memory_space<hbm>>) target_semaphore(%dma_start3A_352 : memref<!tpu.dma_semaphore, #tpu.memory_space<semaphore_mem>>)
    } else {
    }
    %add3A_172 = arith.constant 330 : i32
    %add3A_173 = arith.addi %add3A_172, %add3A : i32
    %lt3A_174 = arith.constant 416 : i32
    %lt3A_175 = arith.cmpi slt, %add3A_173, %lt3A_174 : i32
    %and3A_176 = arith.andi %lt3A_1, %lt3A_175 : i1
    %convert_element_type3A_177 = arith.extui %and3A_176 : i1 to i32
    %cond3A_178 = arith.constant 0 : i32
    %cond3A_179 = arith.cmpi ne, %convert_element_type3A_177, %cond3A_178 : i32
    scf.if %cond3A_179 {
      %add3A_282 = arith.constant 240 : i32
      %add3A_283 = arith.addi %add3A_282, %add3A : i32
      %jit3A = arith.constant 4 : i32
      %div3A = arith.divsi %add3A_283, %jit3A : i32
      %sign3A = arith.constant 0 : i32
      %sign3A_284 = arith.cmpi sgt, %add3A_283, %sign3A : i32
      %sign3A_285 = arith.extui %sign3A_284 : i1 to i32
      %sign3A_286 = arith.constant 0 : i32
      %sign3A_287 = arith.cmpi slt, %add3A_283, %sign3A_286 : i32
      %sign3A_288 = arith.extui %sign3A_287 : i1 to i32
      %sign3A_289 = arith.subi %sign3A_285, %sign3A_288 : i32
      %sign3A_290 = arith.constant 0 : i32
      %sign3A_291 = arith.cmpi sgt, %jit3A, %sign3A_290 : i32
      %sign3A_292 = arith.extui %sign3A_291 : i1 to i32
      %sign3A_293 = arith.constant 0 : i32
      %sign3A_294 = arith.cmpi slt, %jit3A, %sign3A_293 : i32
      %sign3A_295 = arith.extui %sign3A_294 : i1 to i32
      %sign3A_296 = arith.subi %sign3A_292, %sign3A_295 : i32
      %ne3A = arith.cmpi ne, %sign3A_289, %sign3A_296 : i32
      %rem3A = arith.remsi %add3A_283, %jit3A : i32
      %ne3A_297 = arith.constant 0 : i32
      %ne3A_298 = arith.cmpi ne, %rem3A, %ne3A_297 : i32
      %and3A_299 = arith.andi %ne3A, %ne3A_298 : i1
      %sub3A = arith.constant 1 : i32
      %sub3A_300 = arith.subi %div3A, %sub3A : i32
      %select_n3A = arith.select %and3A_299, %sub3A_300, %div3A : i32
      %mul3A_301 = arith.constant 8 : i32
      %mul3A_302 = arith.muli %select_n3A, %mul3A_301 : i32
      %jit3A_303 = arith.constant 4 : i32
      %eq3A = arith.constant 0 : i32
      %eq3A_304 = arith.cmpi eq, %jit3A_303, %eq3A : i32
      %jit3A_305 = arith.constant 1 : i32
      %select_n3A_306 = arith.select %eq3A_304, %jit3A_305, %jit3A_303 : i32
      %rem3A_307 = arith.remsi %add3A_283, %select_n3A_306 : i32
      %ne3A_308 = arith.constant 0 : i32
      %ne3A_309 = arith.cmpi ne, %rem3A_307, %ne3A_308 : i32
      %lt3A_310 = arith.constant 0 : i32
      %lt3A_311 = arith.cmpi slt, %rem3A_307, %lt3A_310 : i32
      %lt3A_312 = arith.constant 0 : i32
      %lt3A_313 = arith.cmpi slt, %select_n3A_306, %lt3A_312 : i32
      %ne3A_314 = arith.xori %lt3A_311, %lt3A_313 : i1
      %and3A_315 = arith.andi %ne3A_314, %ne3A_309 : i1
      %add3A_316 = arith.addi %rem3A_307, %select_n3A_306 : i32
      %select_n3A_317 = arith.select %and3A_315, %add3A_316, %rem3A_307 : i32
      %mul3A_318 = arith.constant 4096 : i32
      %mul3A_319 = arith.muli %select_n3A_317, %mul3A_318 : i32
      %dma_wait3A = arith.constant 2 : i32
      %dma_wait3A_320 = arith.constant 2 : i32
      %dma_wait3A_321 = tpu.memref_slice %arg8[%dma_wait3A_320] : memref<3x!tpu.dma_semaphore, #tpu.memory_space<semaphore_mem>> -> memref<1x!tpu.dma_semaphore, #tpu.memory_space<semaphore_mem>>
      %dma_wait3A_322 = tpu.memref_squeeze %dma_wait3A_321 : memref<1x!tpu.dma_semaphore, #tpu.memory_space<semaphore_mem>> -> memref<!tpu.dma_semaphore, #tpu.memory_space<semaphore_mem>>
      %dma_wait3A_323 = tpu.memref_slice %arg4[%mul3A_302, %mul3A_319] : memref<832x16384xf32, #tpu.memory_space<hbm>> -> memref<8x4096xf32, #tpu.memory_space<hbm>>
      %dma_wait3A_324 = arith.constant 0 : i32
      %dma_wait3A_325 = arith.constant 0 : i32
      %dma_wait3A_326 = tpu.memref_slice %arg6[%arg1, %dma_wait3A, %dma_wait3A_324, %dma_wait3A_325] : memref<15x3x8x4096xf32, #tpu.memory_space<vmem_shared>> -> memref<1x1x8x4096xf32, #tpu.memory_space<vmem_shared>>
      %dma_wait3A_327 = tpu.memref_squeeze %dma_wait3A_326 : memref<1x1x8x4096xf32, #tpu.memory_space<vmem_shared>> -> memref<8x4096xf32, #tpu.memory_space<vmem_shared>>
      tpu.wait_dma2 semaphore(%dma_wait3A_322 : memref<!tpu.dma_semaphore, #tpu.memory_space<semaphore_mem>>) src(%dma_wait3A_327 : memref<8x4096xf32, #tpu.memory_space<vmem_shared>>) dst(%dma_wait3A_323 : memref<8x4096xf32, #tpu.memory_space<hbm>>)
      %add3A_328 = arith.constant 330 : i32
      %add3A_329 = arith.addi %add3A_328, %add3A : i32
      %slice3A = vector.extract_strided_slice %get3A_4 {offsets = [11], sizes = [1], strides = [1]} : vector<16xi32> to vector<1xi32>
      %squeeze3A = vector.extract %slice3A[0] : i32 from vector<1xi32>
      %mul3A_330 = arith.constant 8 : i32
      %mul3A_331 = arith.muli %squeeze3A, %mul3A_330 : i32
      %jit3A_332 = arith.constant 4 : i32
      %eq3A_333 = arith.constant 0 : i32
      %eq3A_334 = arith.cmpi eq, %jit3A_332, %eq3A_333 : i32
      %jit3A_335 = arith.constant 1 : i32
      %select_n3A_336 = arith.select %eq3A_334, %jit3A_335, %jit3A_332 : i32
      %rem3A_337 = arith.remsi %add3A_329, %select_n3A_336 : i32
      %ne3A_338 = arith.constant 0 : i32
      %ne3A_339 = arith.cmpi ne, %rem3A_337, %ne3A_338 : i32
      %lt3A_340 = arith.constant 0 : i32
      %lt3A_341 = arith.cmpi slt, %rem3A_337, %lt3A_340 : i32
      %lt3A_342 = arith.constant 0 : i32
      %lt3A_343 = arith.cmpi slt, %select_n3A_336, %lt3A_342 : i32
      %ne3A_344 = arith.xori %lt3A_341, %lt3A_343 : i1
      %and3A_345 = arith.andi %ne3A_344, %ne3A_339 : i1
      %add3A_346 = arith.addi %rem3A_337, %select_n3A_336 : i32
      %select_n3A_347 = arith.select %and3A_345, %add3A_346, %rem3A_337 : i32
      %mul3A_348 = arith.constant 4096 : i32
      %mul3A_349 = arith.muli %select_n3A_347, %mul3A_348 : i32
      %dma_start3A = arith.constant 2 : i32
      %dma_start3A_350 = arith.constant 2 : i32
      %dma_start3A_351 = tpu.memref_slice %arg7[%dma_start3A_350] : memref<3x!tpu.dma_semaphore, #tpu.memory_space<semaphore_mem>> -> memref<1x!tpu.dma_semaphore, #tpu.memory_space<semaphore_mem>>
      %dma_start3A_352 = tpu.memref_squeeze %dma_start3A_351 : memref<1x!tpu.dma_semaphore, #tpu.memory_space<semaphore_mem>> -> memref<!tpu.dma_semaphore, #tpu.memory_space<semaphore_mem>>
      %dma_start3A_353 = arith.constant 0 : i32
      %dma_start3A_354 = arith.constant 0 : i32
      %dma_start3A_355 = tpu.memref_slice %arg6[%arg1, %dma_start3A, %dma_start3A_353, %dma_start3A_354] : memref<15x3x8x4096xf32, #tpu.memory_space<vmem_shared>> -> memref<1x1x8x4096xf32, #tpu.memory_space<vmem_shared>>
      %dma_start3A_356 = tpu.memref_squeeze %dma_start3A_355 : memref<1x1x8x4096xf32, #tpu.memory_space<vmem_shared>> -> memref<8x4096xf32, #tpu.memory_space<vmem_shared>>
      %dma_start3A_357 = tpu.memref_slice %arg2[%mul3A_331, %mul3A_349] : memref<3200x16384xf32, #tpu.memory_space<hbm>> -> memref<8x4096xf32, #tpu.memory_space<hbm>>
      tpu.enqueue_dma source(%dma_start3A_357 : memref<8x4096xf32, #tpu.memory_space<hbm>>) target(%dma_start3A_356 : memref<8x4096xf32, #tpu.memory_space<vmem_shared>>) target_semaphore(%dma_start3A_352 : memref<!tpu.dma_semaphore, #tpu.memory_space<semaphore_mem>>)
    } else {
    }
    %add3A_180 = arith.constant 300 : i32
    %add3A_181 = arith.addi %add3A_180, %add3A : i32
    %lt3A_182 = arith.constant 416 : i32
    %lt3A_183 = arith.cmpi slt, %add3A_181, %lt3A_182 : i32
    %and3A_184 = arith.andi %lt3A_1, %lt3A_183 : i1
    %convert_element_type3A_185 = arith.extui %and3A_184 : i1 to i32
    %cond3A_186 = arith.constant 0 : i32
    %cond3A_187 = arith.cmpi ne, %convert_element_type3A_185, %cond3A_186 : i32
    scf.if %cond3A_187 {
      %add3A_282 = arith.constant 300 : i32
      %add3A_283 = arith.addi %add3A_282, %add3A : i32
      %slice3A = vector.extract_strided_slice %get3A_4 {offsets = [10], sizes = [1], strides = [1]} : vector<16xi32> to vector<1xi32>
      %squeeze3A = vector.extract %slice3A[0] : i32 from vector<1xi32>
      %mul3A_284 = arith.constant 8 : i32
      %mul3A_285 = arith.muli %squeeze3A, %mul3A_284 : i32
      %jit3A = arith.constant 4 : i32
      %eq3A = arith.constant 0 : i32
      %eq3A_286 = arith.cmpi eq, %jit3A, %eq3A : i32
      %jit3A_287 = arith.constant 1 : i32
      %select_n3A = arith.select %eq3A_286, %jit3A_287, %jit3A : i32
      %rem3A = arith.remsi %add3A_283, %select_n3A : i32
      %ne3A = arith.constant 0 : i32
      %ne3A_288 = arith.cmpi ne, %rem3A, %ne3A : i32
      %lt3A_289 = arith.constant 0 : i32
      %lt3A_290 = arith.cmpi slt, %rem3A, %lt3A_289 : i32
      %lt3A_291 = arith.constant 0 : i32
      %lt3A_292 = arith.cmpi slt, %select_n3A, %lt3A_291 : i32
      %ne3A_293 = arith.xori %lt3A_290, %lt3A_292 : i1
      %and3A_294 = arith.andi %ne3A_293, %ne3A_288 : i1
      %add3A_295 = arith.addi %rem3A, %select_n3A : i32
      %select_n3A_296 = arith.select %and3A_294, %add3A_295, %rem3A : i32
      %mul3A_297 = arith.constant 4096 : i32
      %mul3A_298 = arith.muli %select_n3A_296, %mul3A_297 : i32
      %dma_wait3A = arith.constant 1 : i32
      %dma_wait3A_299 = arith.constant 1 : i32
      %dma_wait3A_300 = tpu.memref_slice %arg7[%dma_wait3A_299] : memref<3x!tpu.dma_semaphore, #tpu.memory_space<semaphore_mem>> -> memref<1x!tpu.dma_semaphore, #tpu.memory_space<semaphore_mem>>
      %dma_wait3A_301 = tpu.memref_squeeze %dma_wait3A_300 : memref<1x!tpu.dma_semaphore, #tpu.memory_space<semaphore_mem>> -> memref<!tpu.dma_semaphore, #tpu.memory_space<semaphore_mem>>
      %dma_wait3A_302 = arith.constant 0 : i32
      %dma_wait3A_303 = arith.constant 0 : i32
      %dma_wait3A_304 = tpu.memref_slice %arg6[%arg1, %dma_wait3A, %dma_wait3A_302, %dma_wait3A_303] : memref<15x3x8x4096xf32, #tpu.memory_space<vmem_shared>> -> memref<1x1x8x4096xf32, #tpu.memory_space<vmem_shared>>
      %dma_wait3A_305 = tpu.memref_squeeze %dma_wait3A_304 : memref<1x1x8x4096xf32, #tpu.memory_space<vmem_shared>> -> memref<8x4096xf32, #tpu.memory_space<vmem_shared>>
      %dma_wait3A_306 = tpu.memref_slice %arg2[%mul3A_285, %mul3A_298] : memref<3200x16384xf32, #tpu.memory_space<hbm>> -> memref<8x4096xf32, #tpu.memory_space<hbm>>
      tpu.wait_dma2 semaphore(%dma_wait3A_301 : memref<!tpu.dma_semaphore, #tpu.memory_space<semaphore_mem>>) src(%dma_wait3A_306 : memref<8x4096xf32, #tpu.memory_space<hbm>>) dst(%dma_wait3A_305 : memref<8x4096xf32, #tpu.memory_space<vmem_shared>>)
      %add3A_307 = arith.constant 300 : i32
      %add3A_308 = arith.addi %add3A_307, %add3A : i32
      %jit3A_309 = arith.constant 4 : i32
      %div3A = arith.divsi %add3A_308, %jit3A_309 : i32
      %sign3A = arith.constant 0 : i32
      %sign3A_310 = arith.cmpi sgt, %add3A_308, %sign3A : i32
      %sign3A_311 = arith.extui %sign3A_310 : i1 to i32
      %sign3A_312 = arith.constant 0 : i32
      %sign3A_313 = arith.cmpi slt, %add3A_308, %sign3A_312 : i32
      %sign3A_314 = arith.extui %sign3A_313 : i1 to i32
      %sign3A_315 = arith.subi %sign3A_311, %sign3A_314 : i32
      %sign3A_316 = arith.constant 0 : i32
      %sign3A_317 = arith.cmpi sgt, %jit3A_309, %sign3A_316 : i32
      %sign3A_318 = arith.extui %sign3A_317 : i1 to i32
      %sign3A_319 = arith.constant 0 : i32
      %sign3A_320 = arith.cmpi slt, %jit3A_309, %sign3A_319 : i32
      %sign3A_321 = arith.extui %sign3A_320 : i1 to i32
      %sign3A_322 = arith.subi %sign3A_318, %sign3A_321 : i32
      %ne3A_323 = arith.cmpi ne, %sign3A_315, %sign3A_322 : i32
      %rem3A_324 = arith.remsi %add3A_308, %jit3A_309 : i32
      %ne3A_325 = arith.constant 0 : i32
      %ne3A_326 = arith.cmpi ne, %rem3A_324, %ne3A_325 : i32
      %and3A_327 = arith.andi %ne3A_323, %ne3A_326 : i1
      %sub3A = arith.constant 1 : i32
      %sub3A_328 = arith.subi %div3A, %sub3A : i32
      %select_n3A_329 = arith.select %and3A_327, %sub3A_328, %div3A : i32
      %mul3A_330 = arith.constant 8 : i32
      %mul3A_331 = arith.muli %select_n3A_329, %mul3A_330 : i32
      %jit3A_332 = arith.constant 4 : i32
      %eq3A_333 = arith.constant 0 : i32
      %eq3A_334 = arith.cmpi eq, %jit3A_332, %eq3A_333 : i32
      %jit3A_335 = arith.constant 1 : i32
      %select_n3A_336 = arith.select %eq3A_334, %jit3A_335, %jit3A_332 : i32
      %rem3A_337 = arith.remsi %add3A_308, %select_n3A_336 : i32
      %ne3A_338 = arith.constant 0 : i32
      %ne3A_339 = arith.cmpi ne, %rem3A_337, %ne3A_338 : i32
      %lt3A_340 = arith.constant 0 : i32
      %lt3A_341 = arith.cmpi slt, %rem3A_337, %lt3A_340 : i32
      %lt3A_342 = arith.constant 0 : i32
      %lt3A_343 = arith.cmpi slt, %select_n3A_336, %lt3A_342 : i32
      %ne3A_344 = arith.xori %lt3A_341, %lt3A_343 : i1
      %and3A_345 = arith.andi %ne3A_344, %ne3A_339 : i1
      %add3A_346 = arith.addi %rem3A_337, %select_n3A_336 : i32
      %select_n3A_347 = arith.select %and3A_345, %add3A_346, %rem3A_337 : i32
      %mul3A_348 = arith.constant 4096 : i32
      %mul3A_349 = arith.muli %select_n3A_347, %mul3A_348 : i32
      %dma_start3A = arith.constant 1 : i32
      %dma_start3A_350 = arith.constant 1 : i32
      %dma_start3A_351 = tpu.memref_slice %arg8[%dma_start3A_350] : memref<3x!tpu.dma_semaphore, #tpu.memory_space<semaphore_mem>> -> memref<1x!tpu.dma_semaphore, #tpu.memory_space<semaphore_mem>>
      %dma_start3A_352 = tpu.memref_squeeze %dma_start3A_351 : memref<1x!tpu.dma_semaphore, #tpu.memory_space<semaphore_mem>> -> memref<!tpu.dma_semaphore, #tpu.memory_space<semaphore_mem>>
      %dma_start3A_353 = tpu.memref_slice %arg4[%mul3A_331, %mul3A_349] : memref<832x16384xf32, #tpu.memory_space<hbm>> -> memref<8x4096xf32, #tpu.memory_space<hbm>>
      %dma_start3A_354 = arith.constant 0 : i32
      %dma_start3A_355 = arith.constant 0 : i32
      %dma_start3A_356 = tpu.memref_slice %arg6[%arg1, %dma_start3A, %dma_start3A_354, %dma_start3A_355] : memref<15x3x8x4096xf32, #tpu.memory_space<vmem_shared>> -> memref<1x1x8x4096xf32, #tpu.memory_space<vmem_shared>>
      %dma_start3A_357 = tpu.memref_squeeze %dma_start3A_356 : memref<1x1x8x4096xf32, #tpu.memory_space<vmem_shared>> -> memref<8x4096xf32, #tpu.memory_space<vmem_shared>>
      tpu.enqueue_dma source(%dma_start3A_357 : memref<8x4096xf32, #tpu.memory_space<vmem_shared>>) target(%dma_start3A_353 : memref<8x4096xf32, #tpu.memory_space<hbm>>) target_semaphore(%dma_start3A_352 : memref<!tpu.dma_semaphore, #tpu.memory_space<semaphore_mem>>)
    } else {
    }
    %add3A_188 = arith.constant 360 : i32
    %add3A_189 = arith.addi %add3A_188, %add3A : i32
    %lt3A_190 = arith.constant 416 : i32
    %lt3A_191 = arith.cmpi slt, %add3A_189, %lt3A_190 : i32
    %and3A_192 = arith.andi %lt3A_1, %lt3A_191 : i1
    %convert_element_type3A_193 = arith.extui %and3A_192 : i1 to i32
    %cond3A_194 = arith.constant 0 : i32
    %cond3A_195 = arith.cmpi ne, %convert_element_type3A_193, %cond3A_194 : i32
    scf.if %cond3A_195 {
      %add3A_282 = arith.constant 270 : i32
      %add3A_283 = arith.addi %add3A_282, %add3A : i32
      %jit3A = arith.constant 4 : i32
      %div3A = arith.divsi %add3A_283, %jit3A : i32
      %sign3A = arith.constant 0 : i32
      %sign3A_284 = arith.cmpi sgt, %add3A_283, %sign3A : i32
      %sign3A_285 = arith.extui %sign3A_284 : i1 to i32
      %sign3A_286 = arith.constant 0 : i32
      %sign3A_287 = arith.cmpi slt, %add3A_283, %sign3A_286 : i32
      %sign3A_288 = arith.extui %sign3A_287 : i1 to i32
      %sign3A_289 = arith.subi %sign3A_285, %sign3A_288 : i32
      %sign3A_290 = arith.constant 0 : i32
      %sign3A_291 = arith.cmpi sgt, %jit3A, %sign3A_290 : i32
      %sign3A_292 = arith.extui %sign3A_291 : i1 to i32
      %sign3A_293 = arith.constant 0 : i32
      %sign3A_294 = arith.cmpi slt, %jit3A, %sign3A_293 : i32
      %sign3A_295 = arith.extui %sign3A_294 : i1 to i32
      %sign3A_296 = arith.subi %sign3A_292, %sign3A_295 : i32
      %ne3A = arith.cmpi ne, %sign3A_289, %sign3A_296 : i32
      %rem3A = arith.remsi %add3A_283, %jit3A : i32
      %ne3A_297 = arith.constant 0 : i32
      %ne3A_298 = arith.cmpi ne, %rem3A, %ne3A_297 : i32
      %and3A_299 = arith.andi %ne3A, %ne3A_298 : i1
      %sub3A = arith.constant 1 : i32
      %sub3A_300 = arith.subi %div3A, %sub3A : i32
      %select_n3A = arith.select %and3A_299, %sub3A_300, %div3A : i32
      %mul3A_301 = arith.constant 8 : i32
      %mul3A_302 = arith.muli %select_n3A, %mul3A_301 : i32
      %jit3A_303 = arith.constant 4 : i32
      %eq3A = arith.constant 0 : i32
      %eq3A_304 = arith.cmpi eq, %jit3A_303, %eq3A : i32
      %jit3A_305 = arith.constant 1 : i32
      %select_n3A_306 = arith.select %eq3A_304, %jit3A_305, %jit3A_303 : i32
      %rem3A_307 = arith.remsi %add3A_283, %select_n3A_306 : i32
      %ne3A_308 = arith.constant 0 : i32
      %ne3A_309 = arith.cmpi ne, %rem3A_307, %ne3A_308 : i32
      %lt3A_310 = arith.constant 0 : i32
      %lt3A_311 = arith.cmpi slt, %rem3A_307, %lt3A_310 : i32
      %lt3A_312 = arith.constant 0 : i32
      %lt3A_313 = arith.cmpi slt, %select_n3A_306, %lt3A_312 : i32
      %ne3A_314 = arith.xori %lt3A_311, %lt3A_313 : i1
      %and3A_315 = arith.andi %ne3A_314, %ne3A_309 : i1
      %add3A_316 = arith.addi %rem3A_307, %select_n3A_306 : i32
      %select_n3A_317 = arith.select %and3A_315, %add3A_316, %rem3A_307 : i32
      %mul3A_318 = arith.constant 4096 : i32
      %mul3A_319 = arith.muli %select_n3A_317, %mul3A_318 : i32
      %dma_wait3A = arith.constant 0 : i32
      %dma_wait3A_320 = arith.constant 0 : i32
      %dma_wait3A_321 = tpu.memref_slice %arg8[%dma_wait3A_320] : memref<3x!tpu.dma_semaphore, #tpu.memory_space<semaphore_mem>> -> memref<1x!tpu.dma_semaphore, #tpu.memory_space<semaphore_mem>>
      %dma_wait3A_322 = tpu.memref_squeeze %dma_wait3A_321 : memref<1x!tpu.dma_semaphore, #tpu.memory_space<semaphore_mem>> -> memref<!tpu.dma_semaphore, #tpu.memory_space<semaphore_mem>>
      %dma_wait3A_323 = tpu.memref_slice %arg4[%mul3A_302, %mul3A_319] : memref<832x16384xf32, #tpu.memory_space<hbm>> -> memref<8x4096xf32, #tpu.memory_space<hbm>>
      %dma_wait3A_324 = arith.constant 0 : i32
      %dma_wait3A_325 = arith.constant 0 : i32
      %dma_wait3A_326 = tpu.memref_slice %arg6[%arg1, %dma_wait3A, %dma_wait3A_324, %dma_wait3A_325] : memref<15x3x8x4096xf32, #tpu.memory_space<vmem_shared>> -> memref<1x1x8x4096xf32, #tpu.memory_space<vmem_shared>>
      %dma_wait3A_327 = tpu.memref_squeeze %dma_wait3A_326 : memref<1x1x8x4096xf32, #tpu.memory_space<vmem_shared>> -> memref<8x4096xf32, #tpu.memory_space<vmem_shared>>
      tpu.wait_dma2 semaphore(%dma_wait3A_322 : memref<!tpu.dma_semaphore, #tpu.memory_space<semaphore_mem>>) src(%dma_wait3A_327 : memref<8x4096xf32, #tpu.memory_space<vmem_shared>>) dst(%dma_wait3A_323 : memref<8x4096xf32, #tpu.memory_space<hbm>>)
      %add3A_328 = arith.constant 360 : i32
      %add3A_329 = arith.addi %add3A_328, %add3A : i32
      %slice3A = vector.extract_strided_slice %get3A_4 {offsets = [12], sizes = [1], strides = [1]} : vector<16xi32> to vector<1xi32>
      %squeeze3A = vector.extract %slice3A[0] : i32 from vector<1xi32>
      %mul3A_330 = arith.constant 8 : i32
      %mul3A_331 = arith.muli %squeeze3A, %mul3A_330 : i32
      %jit3A_332 = arith.constant 4 : i32
      %eq3A_333 = arith.constant 0 : i32
      %eq3A_334 = arith.cmpi eq, %jit3A_332, %eq3A_333 : i32
      %jit3A_335 = arith.constant 1 : i32
      %select_n3A_336 = arith.select %eq3A_334, %jit3A_335, %jit3A_332 : i32
      %rem3A_337 = arith.remsi %add3A_329, %select_n3A_336 : i32
      %ne3A_338 = arith.constant 0 : i32
      %ne3A_339 = arith.cmpi ne, %rem3A_337, %ne3A_338 : i32
      %lt3A_340 = arith.constant 0 : i32
      %lt3A_341 = arith.cmpi slt, %rem3A_337, %lt3A_340 : i32
      %lt3A_342 = arith.constant 0 : i32
      %lt3A_343 = arith.cmpi slt, %select_n3A_336, %lt3A_342 : i32
      %ne3A_344 = arith.xori %lt3A_341, %lt3A_343 : i1
      %and3A_345 = arith.andi %ne3A_344, %ne3A_339 : i1
      %add3A_346 = arith.addi %rem3A_337, %select_n3A_336 : i32
      %select_n3A_347 = arith.select %and3A_345, %add3A_346, %rem3A_337 : i32
      %mul3A_348 = arith.constant 4096 : i32
      %mul3A_349 = arith.muli %select_n3A_347, %mul3A_348 : i32
      %dma_start3A = arith.constant 0 : i32
      %dma_start3A_350 = arith.constant 0 : i32
      %dma_start3A_351 = tpu.memref_slice %arg7[%dma_start3A_350] : memref<3x!tpu.dma_semaphore, #tpu.memory_space<semaphore_mem>> -> memref<1x!tpu.dma_semaphore, #tpu.memory_space<semaphore_mem>>
      %dma_start3A_352 = tpu.memref_squeeze %dma_start3A_351 : memref<1x!tpu.dma_semaphore, #tpu.memory_space<semaphore_mem>> -> memref<!tpu.dma_semaphore, #tpu.memory_space<semaphore_mem>>
      %dma_start3A_353 = arith.constant 0 : i32
      %dma_start3A_354 = arith.constant 0 : i32
      %dma_start3A_355 = tpu.memref_slice %arg6[%arg1, %dma_start3A, %dma_start3A_353, %dma_start3A_354] : memref<15x3x8x4096xf32, #tpu.memory_space<vmem_shared>> -> memref<1x1x8x4096xf32, #tpu.memory_space<vmem_shared>>
      %dma_start3A_356 = tpu.memref_squeeze %dma_start3A_355 : memref<1x1x8x4096xf32, #tpu.memory_space<vmem_shared>> -> memref<8x4096xf32, #tpu.memory_space<vmem_shared>>
      %dma_start3A_357 = tpu.memref_slice %arg2[%mul3A_331, %mul3A_349] : memref<3200x16384xf32, #tpu.memory_space<hbm>> -> memref<8x4096xf32, #tpu.memory_space<hbm>>
      tpu.enqueue_dma source(%dma_start3A_357 : memref<8x4096xf32, #tpu.memory_space<hbm>>) target(%dma_start3A_356 : memref<8x4096xf32, #tpu.memory_space<vmem_shared>>) target_semaphore(%dma_start3A_352 : memref<!tpu.dma_semaphore, #tpu.memory_space<semaphore_mem>>)
    } else {
    }
    %add3A_196 = arith.constant 330 : i32
    %add3A_197 = arith.addi %add3A_196, %add3A : i32
    %lt3A_198 = arith.constant 416 : i32
    %lt3A_199 = arith.cmpi slt, %add3A_197, %lt3A_198 : i32
    %and3A_200 = arith.andi %lt3A_1, %lt3A_199 : i1
    %convert_element_type3A_201 = arith.extui %and3A_200 : i1 to i32
    %cond3A_202 = arith.constant 0 : i32
    %cond3A_203 = arith.cmpi ne, %convert_element_type3A_201, %cond3A_202 : i32
    scf.if %cond3A_203 {
      %add3A_282 = arith.constant 330 : i32
      %add3A_283 = arith.addi %add3A_282, %add3A : i32
      %slice3A = vector.extract_strided_slice %get3A_4 {offsets = [11], sizes = [1], strides = [1]} : vector<16xi32> to vector<1xi32>
      %squeeze3A = vector.extract %slice3A[0] : i32 from vector<1xi32>
      %mul3A_284 = arith.constant 8 : i32
      %mul3A_285 = arith.muli %squeeze3A, %mul3A_284 : i32
      %jit3A = arith.constant 4 : i32
      %eq3A = arith.constant 0 : i32
      %eq3A_286 = arith.cmpi eq, %jit3A, %eq3A : i32
      %jit3A_287 = arith.constant 1 : i32
      %select_n3A = arith.select %eq3A_286, %jit3A_287, %jit3A : i32
      %rem3A = arith.remsi %add3A_283, %select_n3A : i32
      %ne3A = arith.constant 0 : i32
      %ne3A_288 = arith.cmpi ne, %rem3A, %ne3A : i32
      %lt3A_289 = arith.constant 0 : i32
      %lt3A_290 = arith.cmpi slt, %rem3A, %lt3A_289 : i32
      %lt3A_291 = arith.constant 0 : i32
      %lt3A_292 = arith.cmpi slt, %select_n3A, %lt3A_291 : i32
      %ne3A_293 = arith.xori %lt3A_290, %lt3A_292 : i1
      %and3A_294 = arith.andi %ne3A_293, %ne3A_288 : i1
      %add3A_295 = arith.addi %rem3A, %select_n3A : i32
      %select_n3A_296 = arith.select %and3A_294, %add3A_295, %rem3A : i32
      %mul3A_297 = arith.constant 4096 : i32
      %mul3A_298 = arith.muli %select_n3A_296, %mul3A_297 : i32
      %dma_wait3A = arith.constant 2 : i32
      %dma_wait3A_299 = arith.constant 2 : i32
      %dma_wait3A_300 = tpu.memref_slice %arg7[%dma_wait3A_299] : memref<3x!tpu.dma_semaphore, #tpu.memory_space<semaphore_mem>> -> memref<1x!tpu.dma_semaphore, #tpu.memory_space<semaphore_mem>>
      %dma_wait3A_301 = tpu.memref_squeeze %dma_wait3A_300 : memref<1x!tpu.dma_semaphore, #tpu.memory_space<semaphore_mem>> -> memref<!tpu.dma_semaphore, #tpu.memory_space<semaphore_mem>>
      %dma_wait3A_302 = arith.constant 0 : i32
      %dma_wait3A_303 = arith.constant 0 : i32
      %dma_wait3A_304 = tpu.memref_slice %arg6[%arg1, %dma_wait3A, %dma_wait3A_302, %dma_wait3A_303] : memref<15x3x8x4096xf32, #tpu.memory_space<vmem_shared>> -> memref<1x1x8x4096xf32, #tpu.memory_space<vmem_shared>>
      %dma_wait3A_305 = tpu.memref_squeeze %dma_wait3A_304 : memref<1x1x8x4096xf32, #tpu.memory_space<vmem_shared>> -> memref<8x4096xf32, #tpu.memory_space<vmem_shared>>
      %dma_wait3A_306 = tpu.memref_slice %arg2[%mul3A_285, %mul3A_298] : memref<3200x16384xf32, #tpu.memory_space<hbm>> -> memref<8x4096xf32, #tpu.memory_space<hbm>>
      tpu.wait_dma2 semaphore(%dma_wait3A_301 : memref<!tpu.dma_semaphore, #tpu.memory_space<semaphore_mem>>) src(%dma_wait3A_306 : memref<8x4096xf32, #tpu.memory_space<hbm>>) dst(%dma_wait3A_305 : memref<8x4096xf32, #tpu.memory_space<vmem_shared>>)
      %add3A_307 = arith.constant 330 : i32
      %add3A_308 = arith.addi %add3A_307, %add3A : i32
      %jit3A_309 = arith.constant 4 : i32
      %div3A = arith.divsi %add3A_308, %jit3A_309 : i32
      %sign3A = arith.constant 0 : i32
      %sign3A_310 = arith.cmpi sgt, %add3A_308, %sign3A : i32
      %sign3A_311 = arith.extui %sign3A_310 : i1 to i32
      %sign3A_312 = arith.constant 0 : i32
      %sign3A_313 = arith.cmpi slt, %add3A_308, %sign3A_312 : i32
      %sign3A_314 = arith.extui %sign3A_313 : i1 to i32
      %sign3A_315 = arith.subi %sign3A_311, %sign3A_314 : i32
      %sign3A_316 = arith.constant 0 : i32
      %sign3A_317 = arith.cmpi sgt, %jit3A_309, %sign3A_316 : i32
      %sign3A_318 = arith.extui %sign3A_317 : i1 to i32
      %sign3A_319 = arith.constant 0 : i32
      %sign3A_320 = arith.cmpi slt, %jit3A_309, %sign3A_319 : i32
      %sign3A_321 = arith.extui %sign3A_320 : i1 to i32
      %sign3A_322 = arith.subi %sign3A_318, %sign3A_321 : i32
      %ne3A_323 = arith.cmpi ne, %sign3A_315, %sign3A_322 : i32
      %rem3A_324 = arith.remsi %add3A_308, %jit3A_309 : i32
      %ne3A_325 = arith.constant 0 : i32
      %ne3A_326 = arith.cmpi ne, %rem3A_324, %ne3A_325 : i32
      %and3A_327 = arith.andi %ne3A_323, %ne3A_326 : i1
      %sub3A = arith.constant 1 : i32
      %sub3A_328 = arith.subi %div3A, %sub3A : i32
      %select_n3A_329 = arith.select %and3A_327, %sub3A_328, %div3A : i32
      %mul3A_330 = arith.constant 8 : i32
      %mul3A_331 = arith.muli %select_n3A_329, %mul3A_330 : i32
      %jit3A_332 = arith.constant 4 : i32
      %eq3A_333 = arith.constant 0 : i32
      %eq3A_334 = arith.cmpi eq, %jit3A_332, %eq3A_333 : i32
      %jit3A_335 = arith.constant 1 : i32
      %select_n3A_336 = arith.select %eq3A_334, %jit3A_335, %jit3A_332 : i32
      %rem3A_337 = arith.remsi %add3A_308, %select_n3A_336 : i32
      %ne3A_338 = arith.constant 0 : i32
      %ne3A_339 = arith.cmpi ne, %rem3A_337, %ne3A_338 : i32
      %lt3A_340 = arith.constant 0 : i32
      %lt3A_341 = arith.cmpi slt, %rem3A_337, %lt3A_340 : i32
      %lt3A_342 = arith.constant 0 : i32
      %lt3A_343 = arith.cmpi slt, %select_n3A_336, %lt3A_342 : i32
      %ne3A_344 = arith.xori %lt3A_341, %lt3A_343 : i1
      %and3A_345 = arith.andi %ne3A_344, %ne3A_339 : i1
      %add3A_346 = arith.addi %rem3A_337, %select_n3A_336 : i32
      %select_n3A_347 = arith.select %and3A_345, %add3A_346, %rem3A_337 : i32
      %mul3A_348 = arith.constant 4096 : i32
      %mul3A_349 = arith.muli %select_n3A_347, %mul3A_348 : i32
      %dma_start3A = arith.constant 2 : i32
      %dma_start3A_350 = arith.constant 2 : i32
      %dma_start3A_351 = tpu.memref_slice %arg8[%dma_start3A_350] : memref<3x!tpu.dma_semaphore, #tpu.memory_space<semaphore_mem>> -> memref<1x!tpu.dma_semaphore, #tpu.memory_space<semaphore_mem>>
      %dma_start3A_352 = tpu.memref_squeeze %dma_start3A_351 : memref<1x!tpu.dma_semaphore, #tpu.memory_space<semaphore_mem>> -> memref<!tpu.dma_semaphore, #tpu.memory_space<semaphore_mem>>
      %dma_start3A_353 = tpu.memref_slice %arg4[%mul3A_331, %mul3A_349] : memref<832x16384xf32, #tpu.memory_space<hbm>> -> memref<8x4096xf32, #tpu.memory_space<hbm>>
      %dma_start3A_354 = arith.constant 0 : i32
      %dma_start3A_355 = arith.constant 0 : i32
      %dma_start3A_356 = tpu.memref_slice %arg6[%arg1, %dma_start3A, %dma_start3A_354, %dma_start3A_355] : memref<15x3x8x4096xf32, #tpu.memory_space<vmem_shared>> -> memref<1x1x8x4096xf32, #tpu.memory_space<vmem_shared>>
      %dma_start3A_357 = tpu.memref_squeeze %dma_start3A_356 : memref<1x1x8x4096xf32, #tpu.memory_space<vmem_shared>> -> memref<8x4096xf32, #tpu.memory_space<vmem_shared>>
      tpu.enqueue_dma source(%dma_start3A_357 : memref<8x4096xf32, #tpu.memory_space<vmem_shared>>) target(%dma_start3A_353 : memref<8x4096xf32, #tpu.memory_space<hbm>>) target_semaphore(%dma_start3A_352 : memref<!tpu.dma_semaphore, #tpu.memory_space<semaphore_mem>>)
    } else {
    }
    %add3A_204 = arith.constant 390 : i32
    %add3A_205 = arith.addi %add3A_204, %add3A : i32
    %lt3A_206 = arith.constant 416 : i32
    %lt3A_207 = arith.cmpi slt, %add3A_205, %lt3A_206 : i32
    %and3A_208 = arith.andi %lt3A_1, %lt3A_207 : i1
    %convert_element_type3A_209 = arith.extui %and3A_208 : i1 to i32
    %cond3A_210 = arith.constant 0 : i32
    %cond3A_211 = arith.cmpi ne, %convert_element_type3A_209, %cond3A_210 : i32
    scf.if %cond3A_211 {
      %add3A_282 = arith.constant 300 : i32
      %add3A_283 = arith.addi %add3A_282, %add3A : i32
      %jit3A = arith.constant 4 : i32
      %div3A = arith.divsi %add3A_283, %jit3A : i32
      %sign3A = arith.constant 0 : i32
      %sign3A_284 = arith.cmpi sgt, %add3A_283, %sign3A : i32
      %sign3A_285 = arith.extui %sign3A_284 : i1 to i32
      %sign3A_286 = arith.constant 0 : i32
      %sign3A_287 = arith.cmpi slt, %add3A_283, %sign3A_286 : i32
      %sign3A_288 = arith.extui %sign3A_287 : i1 to i32
      %sign3A_289 = arith.subi %sign3A_285, %sign3A_288 : i32
      %sign3A_290 = arith.constant 0 : i32
      %sign3A_291 = arith.cmpi sgt, %jit3A, %sign3A_290 : i32
      %sign3A_292 = arith.extui %sign3A_291 : i1 to i32
      %sign3A_293 = arith.constant 0 : i32
      %sign3A_294 = arith.cmpi slt, %jit3A, %sign3A_293 : i32
      %sign3A_295 = arith.extui %sign3A_294 : i1 to i32
      %sign3A_296 = arith.subi %sign3A_292, %sign3A_295 : i32
      %ne3A = arith.cmpi ne, %sign3A_289, %sign3A_296 : i32
      %rem3A = arith.remsi %add3A_283, %jit3A : i32
      %ne3A_297 = arith.constant 0 : i32
      %ne3A_298 = arith.cmpi ne, %rem3A, %ne3A_297 : i32
      %and3A_299 = arith.andi %ne3A, %ne3A_298 : i1
      %sub3A = arith.constant 1 : i32
      %sub3A_300 = arith.subi %div3A, %sub3A : i32
      %select_n3A = arith.select %and3A_299, %sub3A_300, %div3A : i32
      %mul3A_301 = arith.constant 8 : i32
      %mul3A_302 = arith.muli %select_n3A, %mul3A_301 : i32
      %jit3A_303 = arith.constant 4 : i32
      %eq3A = arith.constant 0 : i32
      %eq3A_304 = arith.cmpi eq, %jit3A_303, %eq3A : i32
      %jit3A_305 = arith.constant 1 : i32
      %select_n3A_306 = arith.select %eq3A_304, %jit3A_305, %jit3A_303 : i32
      %rem3A_307 = arith.remsi %add3A_283, %select_n3A_306 : i32
      %ne3A_308 = arith.constant 0 : i32
      %ne3A_309 = arith.cmpi ne, %rem3A_307, %ne3A_308 : i32
      %lt3A_310 = arith.constant 0 : i32
      %lt3A_311 = arith.cmpi slt, %rem3A_307, %lt3A_310 : i32
      %lt3A_312 = arith.constant 0 : i32
      %lt3A_313 = arith.cmpi slt, %select_n3A_306, %lt3A_312 : i32
      %ne3A_314 = arith.xori %lt3A_311, %lt3A_313 : i1
      %and3A_315 = arith.andi %ne3A_314, %ne3A_309 : i1
      %add3A_316 = arith.addi %rem3A_307, %select_n3A_306 : i32
      %select_n3A_317 = arith.select %and3A_315, %add3A_316, %rem3A_307 : i32
      %mul3A_318 = arith.constant 4096 : i32
      %mul3A_319 = arith.muli %select_n3A_317, %mul3A_318 : i32
      %dma_wait3A = arith.constant 1 : i32
      %dma_wait3A_320 = arith.constant 1 : i32
      %dma_wait3A_321 = tpu.memref_slice %arg8[%dma_wait3A_320] : memref<3x!tpu.dma_semaphore, #tpu.memory_space<semaphore_mem>> -> memref<1x!tpu.dma_semaphore, #tpu.memory_space<semaphore_mem>>
      %dma_wait3A_322 = tpu.memref_squeeze %dma_wait3A_321 : memref<1x!tpu.dma_semaphore, #tpu.memory_space<semaphore_mem>> -> memref<!tpu.dma_semaphore, #tpu.memory_space<semaphore_mem>>
      %dma_wait3A_323 = tpu.memref_slice %arg4[%mul3A_302, %mul3A_319] : memref<832x16384xf32, #tpu.memory_space<hbm>> -> memref<8x4096xf32, #tpu.memory_space<hbm>>
      %dma_wait3A_324 = arith.constant 0 : i32
      %dma_wait3A_325 = arith.constant 0 : i32
      %dma_wait3A_326 = tpu.memref_slice %arg6[%arg1, %dma_wait3A, %dma_wait3A_324, %dma_wait3A_325] : memref<15x3x8x4096xf32, #tpu.memory_space<vmem_shared>> -> memref<1x1x8x4096xf32, #tpu.memory_space<vmem_shared>>
      %dma_wait3A_327 = tpu.memref_squeeze %dma_wait3A_326 : memref<1x1x8x4096xf32, #tpu.memory_space<vmem_shared>> -> memref<8x4096xf32, #tpu.memory_space<vmem_shared>>
      tpu.wait_dma2 semaphore(%dma_wait3A_322 : memref<!tpu.dma_semaphore, #tpu.memory_space<semaphore_mem>>) src(%dma_wait3A_327 : memref<8x4096xf32, #tpu.memory_space<vmem_shared>>) dst(%dma_wait3A_323 : memref<8x4096xf32, #tpu.memory_space<hbm>>)
      %add3A_328 = arith.constant 390 : i32
      %add3A_329 = arith.addi %add3A_328, %add3A : i32
      %slice3A = vector.extract_strided_slice %get3A_4 {offsets = [13], sizes = [1], strides = [1]} : vector<16xi32> to vector<1xi32>
      %squeeze3A = vector.extract %slice3A[0] : i32 from vector<1xi32>
      %mul3A_330 = arith.constant 8 : i32
      %mul3A_331 = arith.muli %squeeze3A, %mul3A_330 : i32
      %jit3A_332 = arith.constant 4 : i32
      %eq3A_333 = arith.constant 0 : i32
      %eq3A_334 = arith.cmpi eq, %jit3A_332, %eq3A_333 : i32
      %jit3A_335 = arith.constant 1 : i32
      %select_n3A_336 = arith.select %eq3A_334, %jit3A_335, %jit3A_332 : i32
      %rem3A_337 = arith.remsi %add3A_329, %select_n3A_336 : i32
      %ne3A_338 = arith.constant 0 : i32
      %ne3A_339 = arith.cmpi ne, %rem3A_337, %ne3A_338 : i32
      %lt3A_340 = arith.constant 0 : i32
      %lt3A_341 = arith.cmpi slt, %rem3A_337, %lt3A_340 : i32
      %lt3A_342 = arith.constant 0 : i32
      %lt3A_343 = arith.cmpi slt, %select_n3A_336, %lt3A_342 : i32
      %ne3A_344 = arith.xori %lt3A_341, %lt3A_343 : i1
      %and3A_345 = arith.andi %ne3A_344, %ne3A_339 : i1
      %add3A_346 = arith.addi %rem3A_337, %select_n3A_336 : i32
      %select_n3A_347 = arith.select %and3A_345, %add3A_346, %rem3A_337 : i32
      %mul3A_348 = arith.constant 4096 : i32
      %mul3A_349 = arith.muli %select_n3A_347, %mul3A_348 : i32
      %dma_start3A = arith.constant 1 : i32
      %dma_start3A_350 = arith.constant 1 : i32
      %dma_start3A_351 = tpu.memref_slice %arg7[%dma_start3A_350] : memref<3x!tpu.dma_semaphore, #tpu.memory_space<semaphore_mem>> -> memref<1x!tpu.dma_semaphore, #tpu.memory_space<semaphore_mem>>
      %dma_start3A_352 = tpu.memref_squeeze %dma_start3A_351 : memref<1x!tpu.dma_semaphore, #tpu.memory_space<semaphore_mem>> -> memref<!tpu.dma_semaphore, #tpu.memory_space<semaphore_mem>>
      %dma_start3A_353 = arith.constant 0 : i32
      %dma_start3A_354 = arith.constant 0 : i32
      %dma_start3A_355 = tpu.memref_slice %arg6[%arg1, %dma_start3A, %dma_start3A_353, %dma_start3A_354] : memref<15x3x8x4096xf32, #tpu.memory_space<vmem_shared>> -> memref<1x1x8x4096xf32, #tpu.memory_space<vmem_shared>>
      %dma_start3A_356 = tpu.memref_squeeze %dma_start3A_355 : memref<1x1x8x4096xf32, #tpu.memory_space<vmem_shared>> -> memref<8x4096xf32, #tpu.memory_space<vmem_shared>>
      %dma_start3A_357 = tpu.memref_slice %arg2[%mul3A_331, %mul3A_349] : memref<3200x16384xf32, #tpu.memory_space<hbm>> -> memref<8x4096xf32, #tpu.memory_space<hbm>>
      tpu.enqueue_dma source(%dma_start3A_357 : memref<8x4096xf32, #tpu.memory_space<hbm>>) target(%dma_start3A_356 : memref<8x4096xf32, #tpu.memory_space<vmem_shared>>) target_semaphore(%dma_start3A_352 : memref<!tpu.dma_semaphore, #tpu.memory_space<semaphore_mem>>)
    } else {
    }
    %add3A_212 = arith.constant 360 : i32
    %add3A_213 = arith.addi %add3A_212, %add3A : i32
    %lt3A_214 = arith.constant 416 : i32
    %lt3A_215 = arith.cmpi slt, %add3A_213, %lt3A_214 : i32
    %and3A_216 = arith.andi %lt3A_1, %lt3A_215 : i1
    %convert_element_type3A_217 = arith.extui %and3A_216 : i1 to i32
    %cond3A_218 = arith.constant 0 : i32
    %cond3A_219 = arith.cmpi ne, %convert_element_type3A_217, %cond3A_218 : i32
    scf.if %cond3A_219 {
      %add3A_282 = arith.constant 360 : i32
      %add3A_283 = arith.addi %add3A_282, %add3A : i32
      %slice3A = vector.extract_strided_slice %get3A_4 {offsets = [12], sizes = [1], strides = [1]} : vector<16xi32> to vector<1xi32>
      %squeeze3A = vector.extract %slice3A[0] : i32 from vector<1xi32>
      %mul3A_284 = arith.constant 8 : i32
      %mul3A_285 = arith.muli %squeeze3A, %mul3A_284 : i32
      %jit3A = arith.constant 4 : i32
      %eq3A = arith.constant 0 : i32
      %eq3A_286 = arith.cmpi eq, %jit3A, %eq3A : i32
      %jit3A_287 = arith.constant 1 : i32
      %select_n3A = arith.select %eq3A_286, %jit3A_287, %jit3A : i32
      %rem3A = arith.remsi %add3A_283, %select_n3A : i32
      %ne3A = arith.constant 0 : i32
      %ne3A_288 = arith.cmpi ne, %rem3A, %ne3A : i32
      %lt3A_289 = arith.constant 0 : i32
      %lt3A_290 = arith.cmpi slt, %rem3A, %lt3A_289 : i32
      %lt3A_291 = arith.constant 0 : i32
      %lt3A_292 = arith.cmpi slt, %select_n3A, %lt3A_291 : i32
      %ne3A_293 = arith.xori %lt3A_290, %lt3A_292 : i1
      %and3A_294 = arith.andi %ne3A_293, %ne3A_288 : i1
      %add3A_295 = arith.addi %rem3A, %select_n3A : i32
      %select_n3A_296 = arith.select %and3A_294, %add3A_295, %rem3A : i32
      %mul3A_297 = arith.constant 4096 : i32
      %mul3A_298 = arith.muli %select_n3A_296, %mul3A_297 : i32
      %dma_wait3A = arith.constant 0 : i32
      %dma_wait3A_299 = arith.constant 0 : i32
      %dma_wait3A_300 = tpu.memref_slice %arg7[%dma_wait3A_299] : memref<3x!tpu.dma_semaphore, #tpu.memory_space<semaphore_mem>> -> memref<1x!tpu.dma_semaphore, #tpu.memory_space<semaphore_mem>>
      %dma_wait3A_301 = tpu.memref_squeeze %dma_wait3A_300 : memref<1x!tpu.dma_semaphore, #tpu.memory_space<semaphore_mem>> -> memref<!tpu.dma_semaphore, #tpu.memory_space<semaphore_mem>>
      %dma_wait3A_302 = arith.constant 0 : i32
      %dma_wait3A_303 = arith.constant 0 : i32
      %dma_wait3A_304 = tpu.memref_slice %arg6[%arg1, %dma_wait3A, %dma_wait3A_302, %dma_wait3A_303] : memref<15x3x8x4096xf32, #tpu.memory_space<vmem_shared>> -> memref<1x1x8x4096xf32, #tpu.memory_space<vmem_shared>>
      %dma_wait3A_305 = tpu.memref_squeeze %dma_wait3A_304 : memref<1x1x8x4096xf32, #tpu.memory_space<vmem_shared>> -> memref<8x4096xf32, #tpu.memory_space<vmem_shared>>
      %dma_wait3A_306 = tpu.memref_slice %arg2[%mul3A_285, %mul3A_298] : memref<3200x16384xf32, #tpu.memory_space<hbm>> -> memref<8x4096xf32, #tpu.memory_space<hbm>>
      tpu.wait_dma2 semaphore(%dma_wait3A_301 : memref<!tpu.dma_semaphore, #tpu.memory_space<semaphore_mem>>) src(%dma_wait3A_306 : memref<8x4096xf32, #tpu.memory_space<hbm>>) dst(%dma_wait3A_305 : memref<8x4096xf32, #tpu.memory_space<vmem_shared>>)
      %add3A_307 = arith.constant 360 : i32
      %add3A_308 = arith.addi %add3A_307, %add3A : i32
      %jit3A_309 = arith.constant 4 : i32
      %div3A = arith.divsi %add3A_308, %jit3A_309 : i32
      %sign3A = arith.constant 0 : i32
      %sign3A_310 = arith.cmpi sgt, %add3A_308, %sign3A : i32
      %sign3A_311 = arith.extui %sign3A_310 : i1 to i32
      %sign3A_312 = arith.constant 0 : i32
      %sign3A_313 = arith.cmpi slt, %add3A_308, %sign3A_312 : i32
      %sign3A_314 = arith.extui %sign3A_313 : i1 to i32
      %sign3A_315 = arith.subi %sign3A_311, %sign3A_314 : i32
      %sign3A_316 = arith.constant 0 : i32
      %sign3A_317 = arith.cmpi sgt, %jit3A_309, %sign3A_316 : i32
      %sign3A_318 = arith.extui %sign3A_317 : i1 to i32
      %sign3A_319 = arith.constant 0 : i32
      %sign3A_320 = arith.cmpi slt, %jit3A_309, %sign3A_319 : i32
      %sign3A_321 = arith.extui %sign3A_320 : i1 to i32
      %sign3A_322 = arith.subi %sign3A_318, %sign3A_321 : i32
      %ne3A_323 = arith.cmpi ne, %sign3A_315, %sign3A_322 : i32
      %rem3A_324 = arith.remsi %add3A_308, %jit3A_309 : i32
      %ne3A_325 = arith.constant 0 : i32
      %ne3A_326 = arith.cmpi ne, %rem3A_324, %ne3A_325 : i32
      %and3A_327 = arith.andi %ne3A_323, %ne3A_326 : i1
      %sub3A = arith.constant 1 : i32
      %sub3A_328 = arith.subi %div3A, %sub3A : i32
      %select_n3A_329 = arith.select %and3A_327, %sub3A_328, %div3A : i32
      %mul3A_330 = arith.constant 8 : i32
      %mul3A_331 = arith.muli %select_n3A_329, %mul3A_330 : i32
      %jit3A_332 = arith.constant 4 : i32
      %eq3A_333 = arith.constant 0 : i32
      %eq3A_334 = arith.cmpi eq, %jit3A_332, %eq3A_333 : i32
      %jit3A_335 = arith.constant 1 : i32
      %select_n3A_336 = arith.select %eq3A_334, %jit3A_335, %jit3A_332 : i32
      %rem3A_337 = arith.remsi %add3A_308, %select_n3A_336 : i32
      %ne3A_338 = arith.constant 0 : i32
      %ne3A_339 = arith.cmpi ne, %rem3A_337, %ne3A_338 : i32
      %lt3A_340 = arith.constant 0 : i32
      %lt3A_341 = arith.cmpi slt, %rem3A_337, %lt3A_340 : i32
      %lt3A_342 = arith.constant 0 : i32
      %lt3A_343 = arith.cmpi slt, %select_n3A_336, %lt3A_342 : i32
      %ne3A_344 = arith.xori %lt3A_341, %lt3A_343 : i1
      %and3A_345 = arith.andi %ne3A_344, %ne3A_339 : i1
      %add3A_346 = arith.addi %rem3A_337, %select_n3A_336 : i32
      %select_n3A_347 = arith.select %and3A_345, %add3A_346, %rem3A_337 : i32
      %mul3A_348 = arith.constant 4096 : i32
      %mul3A_349 = arith.muli %select_n3A_347, %mul3A_348 : i32
      %dma_start3A = arith.constant 0 : i32
      %dma_start3A_350 = arith.constant 0 : i32
      %dma_start3A_351 = tpu.memref_slice %arg8[%dma_start3A_350] : memref<3x!tpu.dma_semaphore, #tpu.memory_space<semaphore_mem>> -> memref<1x!tpu.dma_semaphore, #tpu.memory_space<semaphore_mem>>
      %dma_start3A_352 = tpu.memref_squeeze %dma_start3A_351 : memref<1x!tpu.dma_semaphore, #tpu.memory_space<semaphore_mem>> -> memref<!tpu.dma_semaphore, #tpu.memory_space<semaphore_mem>>
      %dma_start3A_353 = tpu.memref_slice %arg4[%mul3A_331, %mul3A_349] : memref<832x16384xf32, #tpu.memory_space<hbm>> -> memref<8x4096xf32, #tpu.memory_space<hbm>>
      %dma_start3A_354 = arith.constant 0 : i32
      %dma_start3A_355 = arith.constant 0 : i32
      %dma_start3A_356 = tpu.memref_slice %arg6[%arg1, %dma_start3A, %dma_start3A_354, %dma_start3A_355] : memref<15x3x8x4096xf32, #tpu.memory_space<vmem_shared>> -> memref<1x1x8x4096xf32, #tpu.memory_space<vmem_shared>>
      %dma_start3A_357 = tpu.memref_squeeze %dma_start3A_356 : memref<1x1x8x4096xf32, #tpu.memory_space<vmem_shared>> -> memref<8x4096xf32, #tpu.memory_space<vmem_shared>>
      tpu.enqueue_dma source(%dma_start3A_357 : memref<8x4096xf32, #tpu.memory_space<vmem_shared>>) target(%dma_start3A_353 : memref<8x4096xf32, #tpu.memory_space<hbm>>) target_semaphore(%dma_start3A_352 : memref<!tpu.dma_semaphore, #tpu.memory_space<semaphore_mem>>)
    } else {
    }
    %add3A_220 = arith.constant 390 : i32
    %add3A_221 = arith.addi %add3A_220, %add3A : i32
    %lt3A_222 = arith.constant 416 : i32
    %lt3A_223 = arith.cmpi slt, %add3A_221, %lt3A_222 : i32
    %and3A_224 = arith.andi %lt3A_1, %lt3A_223 : i1
    %convert_element_type3A_225 = arith.extui %and3A_224 : i1 to i32
    %cond3A_226 = arith.constant 0 : i32
    %cond3A_227 = arith.cmpi ne, %convert_element_type3A_225, %cond3A_226 : i32
    scf.if %cond3A_227 {
      %add3A_282 = arith.constant 390 : i32
      %add3A_283 = arith.addi %add3A_282, %add3A : i32
      %slice3A = vector.extract_strided_slice %get3A_4 {offsets = [13], sizes = [1], strides = [1]} : vector<16xi32> to vector<1xi32>
      %squeeze3A = vector.extract %slice3A[0] : i32 from vector<1xi32>
      %mul3A_284 = arith.constant 8 : i32
      %mul3A_285 = arith.muli %squeeze3A, %mul3A_284 : i32
      %jit3A = arith.constant 4 : i32
      %eq3A = arith.constant 0 : i32
      %eq3A_286 = arith.cmpi eq, %jit3A, %eq3A : i32
      %jit3A_287 = arith.constant 1 : i32
      %select_n3A = arith.select %eq3A_286, %jit3A_287, %jit3A : i32
      %rem3A = arith.remsi %add3A_283, %select_n3A : i32
      %ne3A = arith.constant 0 : i32
      %ne3A_288 = arith.cmpi ne, %rem3A, %ne3A : i32
      %lt3A_289 = arith.constant 0 : i32
      %lt3A_290 = arith.cmpi slt, %rem3A, %lt3A_289 : i32
      %lt3A_291 = arith.constant 0 : i32
      %lt3A_292 = arith.cmpi slt, %select_n3A, %lt3A_291 : i32
      %ne3A_293 = arith.xori %lt3A_290, %lt3A_292 : i1
      %and3A_294 = arith.andi %ne3A_293, %ne3A_288 : i1
      %add3A_295 = arith.addi %rem3A, %select_n3A : i32
      %select_n3A_296 = arith.select %and3A_294, %add3A_295, %rem3A : i32
      %mul3A_297 = arith.constant 4096 : i32
      %mul3A_298 = arith.muli %select_n3A_296, %mul3A_297 : i32
      %dma_wait3A = arith.constant 1 : i32
      %dma_wait3A_299 = arith.constant 1 : i32
      %dma_wait3A_300 = tpu.memref_slice %arg7[%dma_wait3A_299] : memref<3x!tpu.dma_semaphore, #tpu.memory_space<semaphore_mem>> -> memref<1x!tpu.dma_semaphore, #tpu.memory_space<semaphore_mem>>
      %dma_wait3A_301 = tpu.memref_squeeze %dma_wait3A_300 : memref<1x!tpu.dma_semaphore, #tpu.memory_space<semaphore_mem>> -> memref<!tpu.dma_semaphore, #tpu.memory_space<semaphore_mem>>
      %dma_wait3A_302 = arith.constant 0 : i32
      %dma_wait3A_303 = arith.constant 0 : i32
      %dma_wait3A_304 = tpu.memref_slice %arg6[%arg1, %dma_wait3A, %dma_wait3A_302, %dma_wait3A_303] : memref<15x3x8x4096xf32, #tpu.memory_space<vmem_shared>> -> memref<1x1x8x4096xf32, #tpu.memory_space<vmem_shared>>
      %dma_wait3A_305 = tpu.memref_squeeze %dma_wait3A_304 : memref<1x1x8x4096xf32, #tpu.memory_space<vmem_shared>> -> memref<8x4096xf32, #tpu.memory_space<vmem_shared>>
      %dma_wait3A_306 = tpu.memref_slice %arg2[%mul3A_285, %mul3A_298] : memref<3200x16384xf32, #tpu.memory_space<hbm>> -> memref<8x4096xf32, #tpu.memory_space<hbm>>
      tpu.wait_dma2 semaphore(%dma_wait3A_301 : memref<!tpu.dma_semaphore, #tpu.memory_space<semaphore_mem>>) src(%dma_wait3A_306 : memref<8x4096xf32, #tpu.memory_space<hbm>>) dst(%dma_wait3A_305 : memref<8x4096xf32, #tpu.memory_space<vmem_shared>>)
      %add3A_307 = arith.constant 390 : i32
      %add3A_308 = arith.addi %add3A_307, %add3A : i32
      %jit3A_309 = arith.constant 4 : i32
      %div3A = arith.divsi %add3A_308, %jit3A_309 : i32
      %sign3A = arith.constant 0 : i32
      %sign3A_310 = arith.cmpi sgt, %add3A_308, %sign3A : i32
      %sign3A_311 = arith.extui %sign3A_310 : i1 to i32
      %sign3A_312 = arith.constant 0 : i32
      %sign3A_313 = arith.cmpi slt, %add3A_308, %sign3A_312 : i32
      %sign3A_314 = arith.extui %sign3A_313 : i1 to i32
      %sign3A_315 = arith.subi %sign3A_311, %sign3A_314 : i32
      %sign3A_316 = arith.constant 0 : i32
      %sign3A_317 = arith.cmpi sgt, %jit3A_309, %sign3A_316 : i32
      %sign3A_318 = arith.extui %sign3A_317 : i1 to i32
      %sign3A_319 = arith.constant 0 : i32
      %sign3A_320 = arith.cmpi slt, %jit3A_309, %sign3A_319 : i32
      %sign3A_321 = arith.extui %sign3A_320 : i1 to i32
      %sign3A_322 = arith.subi %sign3A_318, %sign3A_321 : i32
      %ne3A_323 = arith.cmpi ne, %sign3A_315, %sign3A_322 : i32
      %rem3A_324 = arith.remsi %add3A_308, %jit3A_309 : i32
      %ne3A_325 = arith.constant 0 : i32
      %ne3A_326 = arith.cmpi ne, %rem3A_324, %ne3A_325 : i32
      %and3A_327 = arith.andi %ne3A_323, %ne3A_326 : i1
      %sub3A = arith.constant 1 : i32
      %sub3A_328 = arith.subi %div3A, %sub3A : i32
      %select_n3A_329 = arith.select %and3A_327, %sub3A_328, %div3A : i32
      %mul3A_330 = arith.constant 8 : i32
      %mul3A_331 = arith.muli %select_n3A_329, %mul3A_330 : i32
      %jit3A_332 = arith.constant 4 : i32
      %eq3A_333 = arith.constant 0 : i32
      %eq3A_334 = arith.cmpi eq, %jit3A_332, %eq3A_333 : i32
      %jit3A_335 = arith.constant 1 : i32
      %select_n3A_336 = arith.select %eq3A_334, %jit3A_335, %jit3A_332 : i32
      %rem3A_337 = arith.remsi %add3A_308, %select_n3A_336 : i32
      %ne3A_338 = arith.constant 0 : i32
      %ne3A_339 = arith.cmpi ne, %rem3A_337, %ne3A_338 : i32
      %lt3A_340 = arith.constant 0 : i32
      %lt3A_341 = arith.cmpi slt, %rem3A_337, %lt3A_340 : i32
      %lt3A_342 = arith.constant 0 : i32
      %lt3A_343 = arith.cmpi slt, %select_n3A_336, %lt3A_342 : i32
      %ne3A_344 = arith.xori %lt3A_341, %lt3A_343 : i1
      %and3A_345 = arith.andi %ne3A_344, %ne3A_339 : i1
      %add3A_346 = arith.addi %rem3A_337, %select_n3A_336 : i32
      %select_n3A_347 = arith.select %and3A_345, %add3A_346, %rem3A_337 : i32
      %mul3A_348 = arith.constant 4096 : i32
      %mul3A_349 = arith.muli %select_n3A_347, %mul3A_348 : i32
      %dma_start3A = arith.constant 1 : i32
      %dma_start3A_350 = arith.constant 1 : i32
      %dma_start3A_351 = tpu.memref_slice %arg8[%dma_start3A_350] : memref<3x!tpu.dma_semaphore, #tpu.memory_space<semaphore_mem>> -> memref<1x!tpu.dma_semaphore, #tpu.memory_space<semaphore_mem>>
      %dma_start3A_352 = tpu.memref_squeeze %dma_start3A_351 : memref<1x!tpu.dma_semaphore, #tpu.memory_space<semaphore_mem>> -> memref<!tpu.dma_semaphore, #tpu.memory_space<semaphore_mem>>
      %dma_start3A_353 = tpu.memref_slice %arg4[%mul3A_331, %mul3A_349] : memref<832x16384xf32, #tpu.memory_space<hbm>> -> memref<8x4096xf32, #tpu.memory_space<hbm>>
      %dma_start3A_354 = arith.constant 0 : i32
      %dma_start3A_355 = arith.constant 0 : i32
      %dma_start3A_356 = tpu.memref_slice %arg6[%arg1, %dma_start3A, %dma_start3A_354, %dma_start3A_355] : memref<15x3x8x4096xf32, #tpu.memory_space<vmem_shared>> -> memref<1x1x8x4096xf32, #tpu.memory_space<vmem_shared>>
      %dma_start3A_357 = tpu.memref_squeeze %dma_start3A_356 : memref<1x1x8x4096xf32, #tpu.memory_space<vmem_shared>> -> memref<8x4096xf32, #tpu.memory_space<vmem_shared>>
      tpu.enqueue_dma source(%dma_start3A_357 : memref<8x4096xf32, #tpu.memory_space<vmem_shared>>) target(%dma_start3A_353 : memref<8x4096xf32, #tpu.memory_space<hbm>>) target_semaphore(%dma_start3A_352 : memref<!tpu.dma_semaphore, #tpu.memory_space<semaphore_mem>>)
    } else {
    }
    %add3A_228 = arith.constant 300 : i32
    %add3A_229 = arith.addi %add3A_228, %add3A : i32
    %lt3A_230 = arith.constant 416 : i32
    %lt3A_231 = arith.cmpi slt, %add3A_229, %lt3A_230 : i32
    %and3A_232 = arith.andi %lt3A_1, %lt3A_231 : i1
    %add3A_233 = arith.constant 390 : i32
    %add3A_234 = arith.addi %add3A_233, %add3A : i32
    %lt3A_235 = arith.constant 416 : i32
    %lt3A_236 = arith.cmpi slt, %add3A_234, %lt3A_235 : i32
    %and3A_237 = arith.andi %lt3A_1, %lt3A_236 : i1
    %not3A = arith.constant true
    %not3A_238 = arith.xori %and3A_237, %not3A : i1
    %and3A_239 = arith.andi %and3A_232, %not3A_238 : i1
    %convert_element_type3A_240 = arith.extui %and3A_239 : i1 to i32
    %cond3A_241 = arith.constant 0 : i32
    %cond3A_242 = arith.cmpi ne, %convert_element_type3A_240, %cond3A_241 : i32
    scf.if %cond3A_242 {
      %add3A_282 = arith.constant 300 : i32
      %add3A_283 = arith.addi %add3A_282, %add3A : i32
      %jit3A = arith.constant 4 : i32
      %div3A = arith.divsi %add3A_283, %jit3A : i32
      %sign3A = arith.constant 0 : i32
      %sign3A_284 = arith.cmpi sgt, %add3A_283, %sign3A : i32
      %sign3A_285 = arith.extui %sign3A_284 : i1 to i32
      %sign3A_286 = arith.constant 0 : i32
      %sign3A_287 = arith.cmpi slt, %add3A_283, %sign3A_286 : i32
      %sign3A_288 = arith.extui %sign3A_287 : i1 to i32
      %sign3A_289 = arith.subi %sign3A_285, %sign3A_288 : i32
      %sign3A_290 = arith.constant 0 : i32
      %sign3A_291 = arith.cmpi sgt, %jit3A, %sign3A_290 : i32
      %sign3A_292 = arith.extui %sign3A_291 : i1 to i32
      %sign3A_293 = arith.constant 0 : i32
      %sign3A_294 = arith.cmpi slt, %jit3A, %sign3A_293 : i32
      %sign3A_295 = arith.extui %sign3A_294 : i1 to i32
      %sign3A_296 = arith.subi %sign3A_292, %sign3A_295 : i32
      %ne3A = arith.cmpi ne, %sign3A_289, %sign3A_296 : i32
      %rem3A = arith.remsi %add3A_283, %jit3A : i32
      %ne3A_297 = arith.constant 0 : i32
      %ne3A_298 = arith.cmpi ne, %rem3A, %ne3A_297 : i32
      %and3A_299 = arith.andi %ne3A, %ne3A_298 : i1
      %sub3A = arith.constant 1 : i32
      %sub3A_300 = arith.subi %div3A, %sub3A : i32
      %select_n3A = arith.select %and3A_299, %sub3A_300, %div3A : i32
      %mul3A_301 = arith.constant 8 : i32
      %mul3A_302 = arith.muli %select_n3A, %mul3A_301 : i32
      %jit3A_303 = arith.constant 4 : i32
      %eq3A = arith.constant 0 : i32
      %eq3A_304 = arith.cmpi eq, %jit3A_303, %eq3A : i32
      %jit3A_305 = arith.constant 1 : i32
      %select_n3A_306 = arith.select %eq3A_304, %jit3A_305, %jit3A_303 : i32
      %rem3A_307 = arith.remsi %add3A_283, %select_n3A_306 : i32
      %ne3A_308 = arith.constant 0 : i32
      %ne3A_309 = arith.cmpi ne, %rem3A_307, %ne3A_308 : i32
      %lt3A_310 = arith.constant 0 : i32
      %lt3A_311 = arith.cmpi slt, %rem3A_307, %lt3A_310 : i32
      %lt3A_312 = arith.constant 0 : i32
      %lt3A_313 = arith.cmpi slt, %select_n3A_306, %lt3A_312 : i32
      %ne3A_314 = arith.xori %lt3A_311, %lt3A_313 : i1
      %and3A_315 = arith.andi %ne3A_314, %ne3A_309 : i1
      %add3A_316 = arith.addi %rem3A_307, %select_n3A_306 : i32
      %select_n3A_317 = arith.select %and3A_315, %add3A_316, %rem3A_307 : i32
      %mul3A_318 = arith.constant 4096 : i32
      %mul3A_319 = arith.muli %select_n3A_317, %mul3A_318 : i32
      %dma_wait3A = arith.constant 1 : i32
      %dma_wait3A_320 = arith.constant 1 : i32
      %dma_wait3A_321 = tpu.memref_slice %arg8[%dma_wait3A_320] : memref<3x!tpu.dma_semaphore, #tpu.memory_space<semaphore_mem>> -> memref<1x!tpu.dma_semaphore, #tpu.memory_space<semaphore_mem>>
      %dma_wait3A_322 = tpu.memref_squeeze %dma_wait3A_321 : memref<1x!tpu.dma_semaphore, #tpu.memory_space<semaphore_mem>> -> memref<!tpu.dma_semaphore, #tpu.memory_space<semaphore_mem>>
      %dma_wait3A_323 = tpu.memref_slice %arg4[%mul3A_302, %mul3A_319] : memref<832x16384xf32, #tpu.memory_space<hbm>> -> memref<8x4096xf32, #tpu.memory_space<hbm>>
      %dma_wait3A_324 = arith.constant 0 : i32
      %dma_wait3A_325 = arith.constant 0 : i32
      %dma_wait3A_326 = tpu.memref_slice %arg6[%arg1, %dma_wait3A, %dma_wait3A_324, %dma_wait3A_325] : memref<15x3x8x4096xf32, #tpu.memory_space<vmem_shared>> -> memref<1x1x8x4096xf32, #tpu.memory_space<vmem_shared>>
      %dma_wait3A_327 = tpu.memref_squeeze %dma_wait3A_326 : memref<1x1x8x4096xf32, #tpu.memory_space<vmem_shared>> -> memref<8x4096xf32, #tpu.memory_space<vmem_shared>>
      tpu.wait_dma2 semaphore(%dma_wait3A_322 : memref<!tpu.dma_semaphore, #tpu.memory_space<semaphore_mem>>) src(%dma_wait3A_327 : memref<8x4096xf32, #tpu.memory_space<vmem_shared>>) dst(%dma_wait3A_323 : memref<8x4096xf32, #tpu.memory_space<hbm>>)
    } else {
    }
    %add3A_243 = arith.constant 330 : i32
    %add3A_244 = arith.addi %add3A_243, %add3A : i32
    %lt3A_245 = arith.constant 416 : i32
    %lt3A_246 = arith.cmpi slt, %add3A_244, %lt3A_245 : i32
    %and3A_247 = arith.andi %lt3A_1, %lt3A_246 : i1
    %and3A_248 = arith.constant false
    %and3A_249 = arith.andi %lt3A_1, %and3A_248 : i1
    %not3A_250 = arith.constant true
    %not3A_251 = arith.xori %and3A_249, %not3A_250 : i1
    %and3A_252 = arith.andi %and3A_247, %not3A_251 : i1
    %convert_element_type3A_253 = arith.extui %and3A_252 : i1 to i32
    %cond3A_254 = arith.constant 0 : i32
    %cond3A_255 = arith.cmpi ne, %convert_element_type3A_253, %cond3A_254 : i32
    scf.if %cond3A_255 {
      %add3A_282 = arith.constant 330 : i32
      %add3A_283 = arith.addi %add3A_282, %add3A : i32
      %jit3A = arith.constant 4 : i32
      %div3A = arith.divsi %add3A_283, %jit3A : i32
      %sign3A = arith.constant 0 : i32
      %sign3A_284 = arith.cmpi sgt, %add3A_283, %sign3A : i32
      %sign3A_285 = arith.extui %sign3A_284 : i1 to i32
      %sign3A_286 = arith.constant 0 : i32
      %sign3A_287 = arith.cmpi slt, %add3A_283, %sign3A_286 : i32
      %sign3A_288 = arith.extui %sign3A_287 : i1 to i32
      %sign3A_289 = arith.subi %sign3A_285, %sign3A_288 : i32
      %sign3A_290 = arith.constant 0 : i32
      %sign3A_291 = arith.cmpi sgt, %jit3A, %sign3A_290 : i32
      %sign3A_292 = arith.extui %sign3A_291 : i1 to i32
      %sign3A_293 = arith.constant 0 : i32
      %sign3A_294 = arith.cmpi slt, %jit3A, %sign3A_293 : i32
      %sign3A_295 = arith.extui %sign3A_294 : i1 to i32
      %sign3A_296 = arith.subi %sign3A_292, %sign3A_295 : i32
      %ne3A = arith.cmpi ne, %sign3A_289, %sign3A_296 : i32
      %rem3A = arith.remsi %add3A_283, %jit3A : i32
      %ne3A_297 = arith.constant 0 : i32
      %ne3A_298 = arith.cmpi ne, %rem3A, %ne3A_297 : i32
      %and3A_299 = arith.andi %ne3A, %ne3A_298 : i1
      %sub3A = arith.constant 1 : i32
      %sub3A_300 = arith.subi %div3A, %sub3A : i32
      %select_n3A = arith.select %and3A_299, %sub3A_300, %div3A : i32
      %mul3A_301 = arith.constant 8 : i32
      %mul3A_302 = arith.muli %select_n3A, %mul3A_301 : i32
      %jit3A_303 = arith.constant 4 : i32
      %eq3A = arith.constant 0 : i32
      %eq3A_304 = arith.cmpi eq, %jit3A_303, %eq3A : i32
      %jit3A_305 = arith.constant 1 : i32
      %select_n3A_306 = arith.select %eq3A_304, %jit3A_305, %jit3A_303 : i32
      %rem3A_307 = arith.remsi %add3A_283, %select_n3A_306 : i32
      %ne3A_308 = arith.constant 0 : i32
      %ne3A_309 = arith.cmpi ne, %rem3A_307, %ne3A_308 : i32
      %lt3A_310 = arith.constant 0 : i32
      %lt3A_311 = arith.cmpi slt, %rem3A_307, %lt3A_310 : i32
      %lt3A_312 = arith.constant 0 : i32
      %lt3A_313 = arith.cmpi slt, %select_n3A_306, %lt3A_312 : i32
      %ne3A_314 = arith.xori %lt3A_311, %lt3A_313 : i1
      %and3A_315 = arith.andi %ne3A_314, %ne3A_309 : i1
      %add3A_316 = arith.addi %rem3A_307, %select_n3A_306 : i32
      %select_n3A_317 = arith.select %and3A_315, %add3A_316, %rem3A_307 : i32
      %mul3A_318 = arith.constant 4096 : i32
      %mul3A_319 = arith.muli %select_n3A_317, %mul3A_318 : i32
      %dma_wait3A = arith.constant 2 : i32
      %dma_wait3A_320 = arith.constant 2 : i32
      %dma_wait3A_321 = tpu.memref_slice %arg8[%dma_wait3A_320] : memref<3x!tpu.dma_semaphore, #tpu.memory_space<semaphore_mem>> -> memref<1x!tpu.dma_semaphore, #tpu.memory_space<semaphore_mem>>
      %dma_wait3A_322 = tpu.memref_squeeze %dma_wait3A_321 : memref<1x!tpu.dma_semaphore, #tpu.memory_space<semaphore_mem>> -> memref<!tpu.dma_semaphore, #tpu.memory_space<semaphore_mem>>
      %dma_wait3A_323 = tpu.memref_slice %arg4[%mul3A_302, %mul3A_319] : memref<832x16384xf32, #tpu.memory_space<hbm>> -> memref<8x4096xf32, #tpu.memory_space<hbm>>
      %dma_wait3A_324 = arith.constant 0 : i32
      %dma_wait3A_325 = arith.constant 0 : i32
      %dma_wait3A_326 = tpu.memref_slice %arg6[%arg1, %dma_wait3A, %dma_wait3A_324, %dma_wait3A_325] : memref<15x3x8x4096xf32, #tpu.memory_space<vmem_shared>> -> memref<1x1x8x4096xf32, #tpu.memory_space<vmem_shared>>
      %dma_wait3A_327 = tpu.memref_squeeze %dma_wait3A_326 : memref<1x1x8x4096xf32, #tpu.memory_space<vmem_shared>> -> memref<8x4096xf32, #tpu.memory_space<vmem_shared>>
      tpu.wait_dma2 semaphore(%dma_wait3A_322 : memref<!tpu.dma_semaphore, #tpu.memory_space<semaphore_mem>>) src(%dma_wait3A_327 : memref<8x4096xf32, #tpu.memory_space<vmem_shared>>) dst(%dma_wait3A_323 : memref<8x4096xf32, #tpu.memory_space<hbm>>)
    } else {
    }
    %add3A_256 = arith.constant 360 : i32
    %add3A_257 = arith.addi %add3A_256, %add3A : i32
    %lt3A_258 = arith.constant 416 : i32
    %lt3A_259 = arith.cmpi slt, %add3A_257, %lt3A_258 : i32
    %and3A_260 = arith.andi %lt3A_1, %lt3A_259 : i1
    %and3A_261 = arith.constant false
    %and3A_262 = arith.andi %lt3A_1, %and3A_261 : i1
    %not3A_263 = arith.constant true
    %not3A_264 = arith.xori %and3A_262, %not3A_263 : i1
    %and3A_265 = arith.andi %and3A_260, %not3A_264 : i1
    %convert_element_type3A_266 = arith.extui %and3A_265 : i1 to i32
    %cond3A_267 = arith.constant 0 : i32
    %cond3A_268 = arith.cmpi ne, %convert_element_type3A_266, %cond3A_267 : i32
    scf.if %cond3A_268 {
      %add3A_282 = arith.constant 360 : i32
      %add3A_283 = arith.addi %add3A_282, %add3A : i32
      %jit3A = arith.constant 4 : i32
      %div3A = arith.divsi %add3A_283, %jit3A : i32
      %sign3A = arith.constant 0 : i32
      %sign3A_284 = arith.cmpi sgt, %add3A_283, %sign3A : i32
      %sign3A_285 = arith.extui %sign3A_284 : i1 to i32
      %sign3A_286 = arith.constant 0 : i32
      %sign3A_287 = arith.cmpi slt, %add3A_283, %sign3A_286 : i32
      %sign3A_288 = arith.extui %sign3A_287 : i1 to i32
      %sign3A_289 = arith.subi %sign3A_285, %sign3A_288 : i32
      %sign3A_290 = arith.constant 0 : i32
      %sign3A_291 = arith.cmpi sgt, %jit3A, %sign3A_290 : i32
      %sign3A_292 = arith.extui %sign3A_291 : i1 to i32
      %sign3A_293 = arith.constant 0 : i32
      %sign3A_294 = arith.cmpi slt, %jit3A, %sign3A_293 : i32
      %sign3A_295 = arith.extui %sign3A_294 : i1 to i32
      %sign3A_296 = arith.subi %sign3A_292, %sign3A_295 : i32
      %ne3A = arith.cmpi ne, %sign3A_289, %sign3A_296 : i32
      %rem3A = arith.remsi %add3A_283, %jit3A : i32
      %ne3A_297 = arith.constant 0 : i32
      %ne3A_298 = arith.cmpi ne, %rem3A, %ne3A_297 : i32
      %and3A_299 = arith.andi %ne3A, %ne3A_298 : i1
      %sub3A = arith.constant 1 : i32
      %sub3A_300 = arith.subi %div3A, %sub3A : i32
      %select_n3A = arith.select %and3A_299, %sub3A_300, %div3A : i32
      %mul3A_301 = arith.constant 8 : i32
      %mul3A_302 = arith.muli %select_n3A, %mul3A_301 : i32
      %jit3A_303 = arith.constant 4 : i32
      %eq3A = arith.constant 0 : i32
      %eq3A_304 = arith.cmpi eq, %jit3A_303, %eq3A : i32
      %jit3A_305 = arith.constant 1 : i32
      %select_n3A_306 = arith.select %eq3A_304, %jit3A_305, %jit3A_303 : i32
      %rem3A_307 = arith.remsi %add3A_283, %select_n3A_306 : i32
      %ne3A_308 = arith.constant 0 : i32
      %ne3A_309 = arith.cmpi ne, %rem3A_307, %ne3A_308 : i32
      %lt3A_310 = arith.constant 0 : i32
      %lt3A_311 = arith.cmpi slt, %rem3A_307, %lt3A_310 : i32
      %lt3A_312 = arith.constant 0 : i32
      %lt3A_313 = arith.cmpi slt, %select_n3A_306, %lt3A_312 : i32
      %ne3A_314 = arith.xori %lt3A_311, %lt3A_313 : i1
      %and3A_315 = arith.andi %ne3A_314, %ne3A_309 : i1
      %add3A_316 = arith.addi %rem3A_307, %select_n3A_306 : i32
      %select_n3A_317 = arith.select %and3A_315, %add3A_316, %rem3A_307 : i32
      %mul3A_318 = arith.constant 4096 : i32
      %mul3A_319 = arith.muli %select_n3A_317, %mul3A_318 : i32
      %dma_wait3A = arith.constant 0 : i32
      %dma_wait3A_320 = arith.constant 0 : i32
      %dma_wait3A_321 = tpu.memref_slice %arg8[%dma_wait3A_320] : memref<3x!tpu.dma_semaphore, #tpu.memory_space<semaphore_mem>> -> memref<1x!tpu.dma_semaphore, #tpu.memory_space<semaphore_mem>>
      %dma_wait3A_322 = tpu.memref_squeeze %dma_wait3A_321 : memref<1x!tpu.dma_semaphore, #tpu.memory_space<semaphore_mem>> -> memref<!tpu.dma_semaphore, #tpu.memory_space<semaphore_mem>>
      %dma_wait3A_323 = tpu.memref_slice %arg4[%mul3A_302, %mul3A_319] : memref<832x16384xf32, #tpu.memory_space<hbm>> -> memref<8x4096xf32, #tpu.memory_space<hbm>>
      %dma_wait3A_324 = arith.constant 0 : i32
      %dma_wait3A_325 = arith.constant 0 : i32
      %dma_wait3A_326 = tpu.memref_slice %arg6[%arg1, %dma_wait3A, %dma_wait3A_324, %dma_wait3A_325] : memref<15x3x8x4096xf32, #tpu.memory_space<vmem_shared>> -> memref<1x1x8x4096xf32, #tpu.memory_space<vmem_shared>>
      %dma_wait3A_327 = tpu.memref_squeeze %dma_wait3A_326 : memref<1x1x8x4096xf32, #tpu.memory_space<vmem_shared>> -> memref<8x4096xf32, #tpu.memory_space<vmem_shared>>
      tpu.wait_dma2 semaphore(%dma_wait3A_322 : memref<!tpu.dma_semaphore, #tpu.memory_space<semaphore_mem>>) src(%dma_wait3A_327 : memref<8x4096xf32, #tpu.memory_space<vmem_shared>>) dst(%dma_wait3A_323 : memref<8x4096xf32, #tpu.memory_space<hbm>>)
    } else {
    }
    %add3A_269 = arith.constant 390 : i32
    %add3A_270 = arith.addi %add3A_269, %add3A : i32
    %lt3A_271 = arith.constant 416 : i32
    %lt3A_272 = arith.cmpi slt, %add3A_270, %lt3A_271 : i32
    %and3A_273 = arith.andi %lt3A_1, %lt3A_272 : i1
    %and3A_274 = arith.constant false
    %and3A_275 = arith.andi %lt3A_1, %and3A_274 : i1
    %not3A_276 = arith.constant true
    %not3A_277 = arith.xori %and3A_275, %not3A_276 : i1
    %and3A_278 = arith.andi %and3A_273, %not3A_277 : i1
    %convert_element_type3A_279 = arith.extui %and3A_278 : i1 to i32
    %cond3A_280 = arith.constant 0 : i32
    %cond3A_281 = arith.cmpi ne, %convert_element_type3A_279, %cond3A_280 : i32
    scf.if %cond3A_281 {
      %add3A_282 = arith.constant 390 : i32
      %add3A_283 = arith.addi %add3A_282, %add3A : i32
      %jit3A = arith.constant 4 : i32
      %div3A = arith.divsi %add3A_283, %jit3A : i32
      %sign3A = arith.constant 0 : i32
      %sign3A_284 = arith.cmpi sgt, %add3A_283, %sign3A : i32
      %sign3A_285 = arith.extui %sign3A_284 : i1 to i32
      %sign3A_286 = arith.constant 0 : i32
      %sign3A_287 = arith.cmpi slt, %add3A_283, %sign3A_286 : i32
      %sign3A_288 = arith.extui %sign3A_287 : i1 to i32
      %sign3A_289 = arith.subi %sign3A_285, %sign3A_288 : i32
      %sign3A_290 = arith.constant 0 : i32
      %sign3A_291 = arith.cmpi sgt, %jit3A, %sign3A_290 : i32
      %sign3A_292 = arith.extui %sign3A_291 : i1 to i32
      %sign3A_293 = arith.constant 0 : i32
      %sign3A_294 = arith.cmpi slt, %jit3A, %sign3A_293 : i32
      %sign3A_295 = arith.extui %sign3A_294 : i1 to i32
      %sign3A_296 = arith.subi %sign3A_292, %sign3A_295 : i32
      %ne3A = arith.cmpi ne, %sign3A_289, %sign3A_296 : i32
      %rem3A = arith.remsi %add3A_283, %jit3A : i32
      %ne3A_297 = arith.constant 0 : i32
      %ne3A_298 = arith.cmpi ne, %rem3A, %ne3A_297 : i32
      %and3A_299 = arith.andi %ne3A, %ne3A_298 : i1
      %sub3A = arith.constant 1 : i32
      %sub3A_300 = arith.subi %div3A, %sub3A : i32
      %select_n3A = arith.select %and3A_299, %sub3A_300, %div3A : i32
      %mul3A_301 = arith.constant 8 : i32
      %mul3A_302 = arith.muli %select_n3A, %mul3A_301 : i32
      %jit3A_303 = arith.constant 4 : i32
      %eq3A = arith.constant 0 : i32
      %eq3A_304 = arith.cmpi eq, %jit3A_303, %eq3A : i32
      %jit3A_305 = arith.constant 1 : i32
      %select_n3A_306 = arith.select %eq3A_304, %jit3A_305, %jit3A_303 : i32
      %rem3A_307 = arith.remsi %add3A_283, %select_n3A_306 : i32
      %ne3A_308 = arith.constant 0 : i32
      %ne3A_309 = arith.cmpi ne, %rem3A_307, %ne3A_308 : i32
      %lt3A_310 = arith.constant 0 : i32
      %lt3A_311 = arith.cmpi slt, %rem3A_307, %lt3A_310 : i32
      %lt3A_312 = arith.constant 0 : i32
      %lt3A_313 = arith.cmpi slt, %select_n3A_306, %lt3A_312 : i32
      %ne3A_314 = arith.xori %lt3A_311, %lt3A_313 : i1
      %and3A_315 = arith.andi %ne3A_314, %ne3A_309 : i1
      %add3A_316 = arith.addi %rem3A_307, %select_n3A_306 : i32
      %select_n3A_317 = arith.select %and3A_315, %add3A_316, %rem3A_307 : i32
      %mul3A_318 = arith.constant 4096 : i32
      %mul3A_319 = arith.muli %select_n3A_317, %mul3A_318 : i32
      %dma_wait3A = arith.constant 1 : i32
      %dma_wait3A_320 = arith.constant 1 : i32
      %dma_wait3A_321 = tpu.memref_slice %arg8[%dma_wait3A_320] : memref<3x!tpu.dma_semaphore, #tpu.memory_space<semaphore_mem>> -> memref<1x!tpu.dma_semaphore, #tpu.memory_space<semaphore_mem>>
      %dma_wait3A_322 = tpu.memref_squeeze %dma_wait3A_321 : memref<1x!tpu.dma_semaphore, #tpu.memory_space<semaphore_mem>> -> memref<!tpu.dma_semaphore, #tpu.memory_space<semaphore_mem>>
      %dma_wait3A_323 = tpu.memref_slice %arg4[%mul3A_302, %mul3A_319] : memref<832x16384xf32, #tpu.memory_space<hbm>> -> memref<8x4096xf32, #tpu.memory_space<hbm>>
      %dma_wait3A_324 = arith.constant 0 : i32
      %dma_wait3A_325 = arith.constant 0 : i32
      %dma_wait3A_326 = tpu.memref_slice %arg6[%arg1, %dma_wait3A, %dma_wait3A_324, %dma_wait3A_325] : memref<15x3x8x4096xf32, #tpu.memory_space<vmem_shared>> -> memref<1x1x8x4096xf32, #tpu.memory_space<vmem_shared>>
      %dma_wait3A_327 = tpu.memref_squeeze %dma_wait3A_326 : memref<1x1x8x4096xf32, #tpu.memory_space<vmem_shared>> -> memref<8x4096xf32, #tpu.memory_space<vmem_shared>>
      tpu.wait_dma2 semaphore(%dma_wait3A_322 : memref<!tpu.dma_semaphore, #tpu.memory_space<semaphore_mem>>) src(%dma_wait3A_327 : memref<8x4096xf32, #tpu.memory_space<vmem_shared>>) dst(%dma_wait3A_323 : memref<8x4096xf32, #tpu.memory_space<hbm>>)
    } else {
    }
    return
  }
}

</mosaic_0001>

<sc_bundles>
// kernel: kernel.3.cloned.1.call-start
scs
__scs_entry_jumppad:
0x0: {  	(pc) =	sbr.rel $0x88, $3  }
0x1: {  	(tag) =	ssettag $0x0;
	lr =	simm.s32 $0x1  }
0x2: {  	[smem:$0x3F9F] =	sst lr;
	_ =	strace $0xD0000000  }
0x3: {  	_ = 	snop  }
0x4: {  	_ = 	snop  }
0x5: {  	_ = 	snop  }
0x6: {  	_ = 	snop  }
0x7: {  	_ = 	snop  }
__scs_overlays_trampoline_lowered:
0x8: {  	[smem:$0x3FAE] =	sst s0  }
0x9: {  	[smem:$0x3FAF] =	sst s1  }
0xa: {  	[smem:$0x3FB0] =	sst s2  }
0xb: {  	[smem:$0x3FB1] =	sst s3  }
0xc: {  	[smem:$0x3FB2] =	sst s4  }
0xd: {  	[smem:$0x3FB3] =	sst s5  }
0xe: {  	[smem:$0x3FB4] =	sst s6  }
0xf: {  	[smem:$0x3FB5] =	sst s7  }
0x10: {  	[smem:$0x3FB6] =	sst s8  }
0x11: {  	[smem:$0x3FB7] =	sst s9;
	s0 =	simm.s32 @!p0 $0x0  }
0x12: {  	s1 =	sld [smem:$0x3F9D];
	s0 =	simm.s32 @p0 $0x1  }
0x13: {  	[smem:$0x3FB8] =	sst s0;
	s0 =	simm.s32 @!p1 $0x0  }
0x14: {  	s2 =	sld [smem:$0x3F9C];
	s0 =	simm.s32 @p1 $0x1  }
0x15: {  	[smem:$0x3FB9] =	sst s0;
	s0 =	simm.s32 @!p2 $0x0  }
0x16: {  	s3 =	sld [smem:$0x3FDB];
	s0 =	simm.s32 @p2 $0x1  }
0x17: {  	s4 =	simm.s32 $0x1BF5;
	[smem:$0x3FBB] =	sst s0  }
0x18: {  	s0 =	sld [smem:$0x3F9E];
	_ =	swait.ge [sflag:s4], $0x0  }
0x19: {  	s7 =	sld [smem:$0x3F9F]  }
0x1a: {  	s8 =	sadd.s32 $0xFFFFE003, lr  }
0x1b: {  	s9 =	sadd.s32 $0xFFFFFEF7, lr;
	s5 =	simm.s32 $0xFFFFFFFF;
	p2 =	slt.u32 s8, $0xFFFFF086  }
0x1c: {  	p1 =	slt.u32 s9, $0xF7A;
	s5 =	simm.s32 @!p2 $0x0  }
0x1d: {  	s5 =	simm.s32 @p1 $0x1;
	p0 =	seq.s32 s7, s2  }
0x1e: {  	s7 =	smul.u32 @!p0 $0xF7A, s2;
	p2 =	seq.s32 @!p0 s5, $0x0  }
0x1f: {  	s9 =	smul.u32 $0xF7A, s1;
	s8 =	simm.s32 @!p0 $0x1BF5;
	p2 =	por !p2, p0  }
0x20: {  	[sflag:s8] =	ssyncset.s32 @!p0 $0xFFFFF086;
	s6 =	sadd.s32 @!p0 s3, s7;
	s7 =	simm.s32 @!p0 $0x108  }
0x21: {  	s3 =	sadd.s32 s3, s9;
	s6 =	sadd.s32 @!p0 $0x88, s6;
	s7 =	simm.s32 @p2 $0x1082  }
0x22: {  	[simem:s7], [sflag:s8] =	dma.local @!p0 [hbm:s6], $0xF7A  }
0x23: {  	s9 =	sor.u32 $0xD0000000, s2;
	s6 =	simm.s32 $0x108;
	_ =	swait.ge @!p0 [sflag:s8], $0x0  }
0x24: {  	s3 =	sadd.s32 $0x88, s3;
	s6 =	simm.s32 @!p1 $0x1082;
	[sflag:s4] =	ssyncset.s32 $0xFFFFF086  }
0x25: {  	[simem:s6], [sflag:s4] =	dma.local [hbm:s3], $0xF7A  }
0x26: {  	[smem:$0x3F9F] =	sst s1;
	(tag) =	ssettag s2;
	_ =	strace s9  }
0x27: {  	s1 =	sld [smem:$0x3FAF]  }
0x28: {  	s2 =	sld [smem:$0x3FB0]  }
0x29: {  	s4 =	sld [smem:$0x3FB2]  }
0x2a: {  	p0 =	seq.s32 s5, $0x0;
	s5 =	sld [smem:$0x3FB3]  }
0x2b: {  	s6 =	sld [smem:$0x3FB4]  }
0x2c: {  	s7 =	sld [smem:$0x3FB5]  }
0x2d: {  	s3 =	simm.s32 $0x108;
	s8 =	sld [smem:$0x3FB6]  }
0x2e: {  	s3 =	simm.s32 @!p0 $0x1082;
	s9 =	sld [smem:$0x3FB7]  }
0x2f: {  	lr =	sadd.s32 s0, s3;
	s0 =	sld [smem:$0x3FAE]  }
0x30: {  	s3 =	sld [smem:$0x3FB1]  }
0x31: {  	[smem:$0x3FBA] =	sst s10  }
0x32: {  	s10 =	sld [smem:$0x3FB8];
	_ =	sdelay $0x3  }
0x33: {  	p0 =	seq.s32 s10, $0x1;
	s10 =	sld [smem:$0x3FBA];
	_ =	sdelay $0x3  }
0x34: {  	[smem:$0x3FBA] =	sst s10  }
0x35: {  	s10 =	sld [smem:$0x3FB9];
	_ =	sdelay $0x3  }
0x36: {  	p1 =	seq.s32 s10, $0x1;
	s10 =	sld [smem:$0x3FBA];
	_ =	sdelay $0x3  }
0x37: {  	[smem:$0x3FBA] =	sst s10  }
0x38: {  	s10 =	sld [smem:$0x3FBB]  }
0x39: {  	_ = 	snop;
	(pc) =	sbr.ind lr, $3  }
0x3a: {  	_ = 	snop  }
0x3b: {  	_ = 	snop  }
0x3c: {  	p2 =	seq.s32 s10, $0x1;
	s10 =	sld [smem:$0x3FBA]  }
0x3d: {  	_ =	shalt  }
0x3e: {  	_ =	shalt  }
0x3f: {  	_ =	shalt  }
0x40: {  	_ =	shalt  }
0x41: {  	_ =	shalt  }
0x42: {  	_ =	shalt  }
0x43: {  	_ =	shalt  }
0x44: {  	_ =	shalt  }
0x45: {  	_ =	shalt  }
0x46: {  	_ =	shalt  }
0x47: {  	_ =	shalt  }
0x48: {  	_ =	shalt  }
0x49: {  	_ =	shalt  }
0x4a: {  	_ =	shalt  }
0x4b: {  	_ =	shalt  }
0x4c: {  	_ =	shalt  }
0x4d: {  	_ =	shalt  }
0x4e: {  	_ =	shalt  }
0x4f: {  	_ =	shalt  }
0x50: {  	_ =	shalt  }
0x51: {  	_ =	shalt  }
0x52: {  	_ =	shalt  }
0x53: {  	_ =	shalt  }
0x54: {  	_ =	shalt  }
0x55: {  	_ =	shalt  }
0x56: {  	_ =	shalt  }
0x57: {  	_ =	shalt  }
0x58: {  	_ =	shalt  }
0x59: {  	_ =	shalt  }
0x5a: {  	_ =	shalt  }
0x5b: {  	_ =	shalt  }
0x5c: {  	_ =	shalt  }
0x5d: {  	_ =	shalt  }
0x5e: {  	_ =	shalt  }
0x5f: {  	_ =	shalt  }
0x60: {  	_ =	shalt  }
0x61: {  	_ =	shalt  }
0x62: {  	_ =	shalt  }
0x63: {  	_ =	shalt  }
0x64: {  	_ =	shalt  }
0x65: {  	_ =	shalt  }
0x66: {  	_ =	shalt  }
0x67: {  	_ =	shalt  }
0x68: {  	_ =	shalt  }
0x69: {  	_ =	shalt  }
0x6a: {  	_ =	shalt  }
0x6b: {  	_ =	shalt  }
0x6c: {  	_ =	shalt  }
0x6d: {  	_ =	shalt  }
0x6e: {  	_ =	shalt  }
0x6f: {  	_ =	shalt  }
0x70: {  	_ =	shalt  }
0x71: {  	_ =	shalt  }
0x72: {  	_ =	shalt  }
0x73: {  	_ =	shalt  }
0x74: {  	_ =	shalt  }
0x75: {  	_ =	shalt  }
0x76: {  	_ =	shalt  }
0x77: {  	_ =	shalt  }
0x78: {  	_ =	shalt  }
0x79: {  	_ =	shalt  }
0x7a: {  	_ =	shalt  }
0x7b: {  	_ =	shalt  }
0x7c: {  	_ =	shalt  }
0x7d: {  	_ =	shalt  }
0x7e: {  	_ =	shalt  }
0x7f: {  	_ =	shalt  }
0x80: {  	_ =	shalt  }
0x81: {  	_ =	shalt  }
0x82: {  	_ =	shalt  }
0x83: {  	_ =	shalt  }
0x84: {  	_ =	shalt  }
0x85: {  	_ =	shalt  }
0x86: {  	_ =	shalt  }
0x87: {  	_ =	shalt  }
.Lfunc_end0:
.L_simem_size_0:
called_computation_lowered:
.L_overlay_start_0:
0x88: {  	s2 =	sld [smem:$0x3FD9]  }
0x89: {  	s3 =	sld [smem:$0x3FFE];
	_ =	sdelay $0x1  }
0x8a: {  	s1 =	srdreg.scid  }
0x8b: {  	s0 =	sand.u32 $0x1, s1  }
0x8c: {  	s17 =	sshll.u32 s0, $0xA;
	s2 =	sadd.s32 s3, s2  }
0x8d: {  	s2 =	sadd.s32 s2, s17  }
0x8e: {  	[smem:$0x3FC6] =	sst s2  }
0x8f: {  	_ = 	snop  }
0x90: {  	s2 =	sld [smem:$0x3FC9]  }
0x91: {  	s18 =	sld [smem:$0x3FD0];
	(tm) =	ssettm $0x1  }
0x92: {  	s4 =	sld [smem:$0x3FFB];
	_ =	sdelay $0x3  }
0x93: {  	_ =	strace s4  }
0x94: {  	s4 =	sld [smem:$0x3FFC];
	_ =	sdelay $0x3  }
0x95: {  	_ =	strace s4  }
0x96: {  	s4 =	sld [smem:$0x3FFD];
	_ =	sdelay $0x3  }
0x97: {  	_ =	strace s4  }
0x98: {  	_ =	strace $0x8FFFFFFF  }
0x99: {  	s19 =	sld [smem:$0x3FDB];
	_ =	sdelay $0x1  }
0x9a: {  	s5 =	simm.s32 $_scs_section_size  }
0x9b: {  	s6 =	simm.s32 $_size__tile_overlayer_lowered;
	s7 =	simm.s32 $_tile_overlayer_lowered  }
0x9c: {  	s22 =	simm.s32 $0x1BFF;
	s21 =	sshll.u32 s7, $0x1;
	s4 =	sadd.s32 s5, s19  }
0x9d: {  	s8 =	simm.s32 $0x0;
	s20 =	sshll.u32 s6, $0x1;
	s6 =	sadd.s32 s21, s4  }
0x9e: {  	[timem:s8], [sflag:s22] =	dma.local [hbm:s6], s20  }
0x9f: {  	_ =	swait.ge [sflag:s22], s20  }
0xa0: {  	s5 =	ssub.s32 $0x0, s20;
	[sflag:s22] =	ssyncset.done $0x0  }
0xa1: {  	[sflag:s22] =	ssyncadd.s32 s5;
	_ =	sdelay $0x1  }
0xa2: {  	s23 =	simm.s32 $0x1B8B  }
0xa3: {  	_ =	swait.ge [sflag:s23], $0x1  }
0xa4: {  	[sflag:s23] =	ssyncset.done $0x0  }
0xa5: {  	s25 =	simm.s32 $0x1B8E;
	s24 =	sld [smem:$0x3FFE];
	[sflag:s23] =	ssyncadd.s32 $0xFFFFFFFF  }
0xa6: {  	s26 =	simm.s32 $execute0_lowered;
	[smem:$0x3FD2] =	sst s25  }
0xa7: {  	s6 =	sshll.u32 s26, $0x1;
	_ =	strace $0x80000046;
	[dreg:$0x1] =	wrdreg $0xFFFFFFFF  }
0xa8: {  	s28 =	simm.s32 $_size_execute0_lowered;
	s4 =	sadd.s32 s4, s6;
	[dreg:$0x0] =	wrdreg $0x0  }
0xa9: {  	s6 =	sshll.u32 s28, $0x1;
	[dreg:$0x2] =	wrdreg s4  }
0xaa: {  	[dreg:$0x3] =	wrdreg s6  }
0xab: {  	[dreg:$0x4] =	wrdreg $0xC0  }
0xac: {  	_ =	task [dreg:s8], $0x5FFFF  }
0xad: {  	[dreg:$0x1] =	wrdreg $0xFFFFFFFF  }
0xae: {  	[dreg:$0x0] =	wrdreg $0x60  }
0xaf: {  	[dreg:$0x2] =	wrdreg s2  }
0xb0: {  	[dreg:$0x3] =	wrdreg s24  }
0xb1: {  	[dreg:$0x4] =	wrdreg s18  }
0xb2: {  	[dreg:$0x5] =	wrdreg $0x800  }
0xb3: {  	[dreg:$0x6] =	wrdreg $0x9  }
0xb4: {  	_ =	task.clear_ibuf [dreg:s8], $0x7FFFF;
	_ =	strace $0x90000046  }
0xb5: {  	s29 =	simm.s32 $0x9;
	_ =	strace $0x80000048  }
0xb6: {  	_ =	swait.ge [sflag:s29], $0x1  }
0xb7: {  	[sflag:s29] =	ssyncadd.s32 $0xFFFFFFFF  }
0xb8: {  	_ =	strace $0x90000048  }
0xb9: {  	_ =	sfence  }
0xba: {  	s30 =	sld [smem:$0x0];
	_ =	sdelay $0x2  }
0xbb: {  	s31 =	sshll.u32 s1, $0xD;
	s1 =	sshrl.u32 s1, $0x2  }
0xbc: {  	s3 =	sand.u32 $0x4000, s31;
	s1 =	sadd.s32 s1, s30  }
0xbd: {  	s0 =	sor.u32 s3, s0;
	s1 =	sshll.u32 s1, $0x11  }
0xbe: {  	s0 =	sor.u32 s1, s0  }
0xbf: {  	s0 =	sadd.s32 $0x8F2B, s0  }
0xc0: {  	[sflag:s0] =	ssyncadd.remote.s32 $0x1  }
0xc1: {  	_ =	sfence.sel $0xFFFF  }
0xc2: {  	[dreg:$0x0] =	wrdreg $0xFFFFFFFF;
	(pc) =	sbr.abs _section_cstart, $3  }
0xc3: {  	[dreg:$0x1] =	wrdreg $0xFFFFFFFF  }
0xc4: {  	_ =	task.clear_ibuf [dreg:s8], $0x2FFFF;
	_ =	strace $0x9FFFFFFF  }
0xc5: {  	(tm) =	ssettm $0x7FFFFFFF  }
tec
execute0_lowered:
.L_overlay_start_1:
0x0: {  	(tag) =	ssettag $0x1  }
0x1: {  	s26 =	stileid.u32  }
0x2: {  	s2 =	rddreg [dreg:$0x0];
	p0 =	seq.s32 s26, $0xF  }
.Ltmp0:
0x3: {  	s3 =	rddreg [dreg:$0x1];
	(pc) =	sbr.rel @p0 .LBB2_7-.Ltmp0, $4  }
0x4: {  	s0 =	rddreg [dreg:$0x2]  }
0x5: {  	s5 =	rddreg [dreg:$0x3];
	s15 =	simm.s32 $0x0  }
0x6: {  	[smem:$0x7FF] =	sst s15  }
0x7: {  	s25 =	rddreg [dreg:$0x4];
	_ =	strace $0x80000047  }
0x8: {  	s1 =	srdreg.scid  }
0x9: {  	s4 =	sand.u32 $0x1, s1  }
0xa: {  	s1 =	smul.u32 $0xF, s4;
	_ =	sdelay $0x1  }
0xb: {  	s12 =	smul.u32 $0x60000, s26;
	s1 =	sadd.s32 s26, s1  }
0xc: {  	p1 =	por $0x0, $0x0;
	s4 =	ssub.s32 $0x2, s4;
	s6 =	sshll.u32 s1, $0xF  }
0xd: {  	s7 =	sshll.u32 s1, $0xC;
	p0 =	sgt.u32 s1, $0x19;
	s8 =	sadd.s32 $0xF0000, s6  }
0xe: {  	s9 =	sand.u32 $0x3000, s7;
	s7 =	sand.u32 $0x1C000, s7;
	s17 =	sadd.s32 $0x2D0000, s6  }
0xf: {  	s18 =	sadd.s32 $0x1E0000, s6;
	s22 =	sadd.s32 $0x4B0000, s6;
	s23 =	sadd.s32 $0x3C0000, s6  }
0x10: {  	s14 =	sadd.s32 $0x690000, s6;
	s10 =	sand.u32 $0x18000, s8;
	s9 =	sadd.s32 s0, s9  }
0x11: {  	s16 =	sshrl.u32 s8, $0x3;
	s19 =	sand.u32 $0x18000, s17;
	s21 =	sshrl.u32 s17, $0x3  }
0x12: {  	s24 =	sand.u32 $0x18000, s22;
	s13 =	sshrl.u32 s22, $0x3;
	[dreg:$0x5] =	wrdreg s10  }
0x13: {  	s8 =	sshrl.u32 s14, $0x3;
	s17 =	sadd.s32 $0x870000, s6;
	[dreg:$0x8] =	wrdreg s19  }
0x14: {  	s22 =	sadd.s32 $0xA50000, s6;
	s7 =	sadd.s32 s7, s9;
	[dreg:$0xb] =	wrdreg s24  }
0x15: {  	s10 =	sadd.s32 $0x600, s3;
	s3 =	sadd.s32 s0, s13;
	[dreg:$0x6] =	wrdreg s7  }
0x16: {  	s9 =	sshrl.u32 s18, $0x3;
	s8 =	sadd.s32 s0, s8;
	[dreg:$0xd] =	wrdreg s3  }
0x17: {  	s18 =	sadd.s32 $0x780000, s6;
	s19 =	sand.u32 $0x18000, s17;
	[dreg:$0x10] =	wrdreg s8  }
0x18: {  	s24 =	sadd.s32 $0x960000, s6;
	s7 =	sadd.s32 s0, s16;
	[dreg:$0x11] =	wrdreg s19  }
0x19: {  	s20 =	sadd.s32 s0, s9;
	s9 =	sshrl.u32 s23, $0x3;
	[dreg:$0x7] =	wrdreg s7  }
0x1a: {  	s16 =	sadd.s32 $0x5A0000, s6;
	s23 =	sand.u32 $0x18000, s22;
	[dreg:$0x9] =	wrdreg s20  }
0x1b: {  	s3 =	sand.u32 $0x18000, s6;
	s7 =	sadd.s32 s0, s21;
	[dreg:$0x14] =	wrdreg s23  }
0x1c: {  	s8 =	sshrl.u32 s24, $0x3;
	s11 =	sadd.s32 s0, s9;
	[dreg:$0xa] =	wrdreg s7  }
0x1d: {  	s9 =	sshrl.u32 s16, $0x3;
	[dreg:$0xc] =	wrdreg s11;
	s11 =	sand.u32 $0x18000, s14  }
0x1e: {  	s9 =	sadd.s32 s0, s9;
	s7 =	sshrl.u32 s12, $0x2;
	[dreg:$0xe] =	wrdreg s11  }
0x1f: {  	[dreg:$0xf] =	wrdreg s9;
	s11 =	sshrl.u32 s18, $0x3;
	s9 =	sshrl.u32 s17, $0x3  }
0x20: {  	s16 =	sadd.s32 s7, s5;
	s5 =	sadd.s32 s0, s8;
	s18 =	sadd.s32 $0xB40000, s6  }
0x21: {  	s20 =	sadd.s32 s0, s11;
	s21 =	sadd.s32 s0, s9;
	s9 =	sshrl.u32 s22, $0x3  }
0x22: {  	s11 =	sadd.s32 $0x186, s1;
	[dreg:$0x15] =	wrdreg s5;
	s17 =	sadd.s32 $0x10000, s16  }
0x23: {  	s5 =	sshrl.u32 s18, $0x3;
	s22 =	sshll.u32 s1, $0x4;
	s29 =	sshrl.u32 @p0 s16, $0x3  }
0x24: {  	s30 =	sshrl.u32 @!p0 s16, $0x3;
	[dreg:$0x12] =	wrdreg s20;
	s20 =	sshrl.u32 s4, $0x1  }
0x25: {  	[dreg:$0x13] =	wrdreg s21;
	s12 =	sadd.s32 s0, s9;
	s4 =	ssub.s32 s4, s20  }
0x26: {  	s13 =	sshll.u32 s11, $0xF;
	s21 =	sadd.s32 $0x8000, s16;
	s24 =	smax.u32 s4, $0x1  }
0x27: {  	s19 =	sshll.u32 s11, $0xC;
	s23 =	sadd.s32 s10, s22;
	s1 =	sadd.s32 $0xFFFFFFFF, s24  }
0x28: {  	s31 =	sadd.s32 s0, s5;
	s5 =	simm.s32 $0x7;
	p2 =	sne.s32 s1, $0x0  }
.Ltmp1:
0x29: {  	s9 =	sshrl.u32 s17, $0x3;
	[dreg:$0x16] =	wrdreg s12;
	(pc) =	sbr.rel @!p2 .LBB2_6-.Ltmp1, $4  }
0x2a: {  	s11 =	simm.s32 $0x3;
	s14 =	sand.u32 $0x18000, s13;
	[dreg:$0x19] =	wrdreg s23  }
0x2b: {  	s6 =	sadd.s32 s0, s19;
	s13 =	simm.s32 $0x1;
	[dreg:$0x17] =	wrdreg s14  }
0x2c: {  	s12 =	simm.s32 $0x2;
	s7 =	sshrl.u32 @!p0 s21, $0x3;
	[dreg:$0x18] =	wrdreg s6  }
0x2d: {  	s4 =	simm.s32 $0x4;
	s14 =	simm.s32 $0x5;
	s6 =	simm.s32 $0x6  }
0x2e: {  	s0 =	rddreg [dreg:$0x19]  }
0x2f: {  	[tilespmem:s15], [sflag:$0x7] =	stream.linear.gather [hbm4b:s0+s15], $0x80, $0x38;
	[tilespmem:$0x16880] =	vst v63  }
0x30: {  	_ =	swait.ge [sflag:s5], $0x80  }
0x31: {  	[sflag:s5] =	ssyncset.done $0x0  }
0x32: {  	[sflag:s5] =	ssyncadd.s32 $0xFFFFFF80  }
0x33: {  	v1 =	vld [tilespmem:$0x0];
	_ =	sdelay $0x4  }
0x34: {  	v0 =	vshll.u32 v1, $0x11;
	(v2sf) =	vpush @!p0 v1, $0xD  }
0x35: {  	(v2sf) =	vpush v0, $0x0;
	_ =	sdelay $0x1  }
0x36: {  	(v2sf) =	vpush v0, $0x2  }
0x37: {  	(v2sf) =	vpush v0, $0x4;
	_ =	sdelay $0x1  }
0x38: {  	(v2sf) =	vpush v0, $0x6  }
0x39: {  	(v2sf) =	vpush v0, $0x1  }
0x3a: {  	(v2sf) =	vpush v0, $0x8  }
0x3b: {  	(v2sf) =	vpush v0, $0xA  }
0x3c: {  	(v2sf) =	vpush v0, $0xC;
	_ =	sdelay $0x4  }
0x3d: {  	s0 =	spop @!p0 (v2sf)  }
0x3e: {  	s8 =	spop (v2sf)  }
0x3f: {  	s17 =	sshll.u32 s26, $0x6;
	s19 =	sshrl.u32 s16, $0x3;
	s8 =	sor.u32 s3, s8  }
0x40: {  	s20 =	sor.u32 $0x1C01, s17;
	s18 =	spop (v2sf);
	s8 =	sshrl.u32 s8, $0x3  }
0x41: {  	[dreg:$0x1c] =	wrdreg s16;
	s28 =	spop (v2sf);
	s8 =	sadd.s32 s2, s8  }
0x42: {  	[spmem:s19], [sflag:s20] =	dma.local [hbm:s8], $0x1000  }
0x43: {  	s16 =	spop (v2sf)  }
0x44: {  	s22 =	sor.u32 $0x1C02, s17;
	s8 =	rddreg [dreg:$0x5];
	(v2sf) =	vpush v0, $0x3;
	s25 =	spop (v2sf)  }
0x45: {  	s18 =	sor.u32 s3, s18;
	s10 =	spop (v2sf);
	s8 =	sor.u32 s8, s25  }
0x46: {  	[dreg:$0x1b] =	wrdreg s21;
	s8 =	sshrl.u32 s8, $0x3;
	s15 =	spop (v2sf)  }
0x47: {  	s21 =	sshrl.u32 s21, $0x3;
	s23 =	sadd.s32 s2, s8;
	s8 =	spop (v2sf)  }
0x48: {  	[spmem:s21], [sflag:s22] =	dma.local [hbm:s23], $0x1000  }
0x49: {  	s18 =	sshrl.u32 s18, $0x3;
	_ =	swait.ge [sflag:s13], $0x1000  }
0x4a: {  	s24 =	sor.u32 $0x1C03, s17;
	s18 =	sadd.s32 s2, s18;
	[sflag:s13] =	ssyncset.done $0x0  }
0x4b: {  	s23 =	sor.u32 $0x1C04, s17;
	s25 =	rddreg [dreg:$0x6];
	[sflag:s13] =	ssyncadd.s32 $0xFFFFF000  }
0x4c: {  	[hbm:s25], [sflag:s23] =	dma.local [spmem:s19], $0x1000  }
0x4d: {  	[spmem:s9], [sflag:s24] =	dma.local [hbm:s18], $0x1000  }
0x4e: {  	_ =	swait.ge [sflag:s12], $0x1000  }
0x4f: {  	[sflag:s12] =	ssyncset.done $0x0  }
0x50: {  	s25 =	sor.u32 $0x1C05, s17;
	s26 =	rddreg [dreg:$0x7];
	[sflag:s12] =	ssyncadd.s32 $0xFFFFF000  }
0x51: {  	[hbm:s26], [sflag:s25] =	dma.local [spmem:s21], $0x1000  }
0x52: {  	_ =	swait.ge [sflag:s4], $0x1000  }
0x53: {  	s18 =	rddreg [dreg:$0x8];
	s26 =	spop (v2sf)  }
0x54: {  	s18 =	sor.u32 s18, s26  }
0x55: {  	[sflag:s4] =	ssyncset.done $0x0;
	s18 =	sshrl.u32 s18, $0x3  }
0x56: {  	[sflag:s4] =	ssyncadd.s32 $0xFFFFF000;
	s18 =	sadd.s32 s2, s18  }
0x57: {  	[spmem:s19], [sflag:s20] =	dma.local [hbm:s18], $0x1000  }
0x58: {  	_ =	swait.ge [sflag:s11], $0x1000  }
0x59: {  	(v2sf) =	vpush v0, $0x5;
	_ =	sdelay $0x2  }
0x5a: {  	[sflag:s11] =	ssyncset.done $0x0  }
0x5b: {  	s26 =	sor.u32 $0x1C06, s17;
	s18 =	rddreg [dreg:$0x9];
	[sflag:s11] =	ssyncadd.s32 $0xFFFFF000  }
0x5c: {  	[hbm:s18], [sflag:s26] =	dma.local [spmem:s9], $0x1000  }
0x5d: {  	s18 =	sor.u32 s3, s28;
	_ =	swait.ge [sflag:s14], $0x1000  }
0x5e: {  	s17 =	sshrl.u32 s18, $0x3;
	[sflag:s14] =	ssyncset.done $0x0  }
0x5f: {  	s17 =	sadd.s32 s2, s17;
	[sflag:s14] =	ssyncadd.s32 $0xFFFFF000  }
0x60: {  	[spmem:s21], [sflag:s22] =	dma.local [hbm:s17], $0x1000  }
0x61: {  	_ =	swait.ge [sflag:s13], $0x1000  }
0x62: {  	[sflag:s13] =	ssyncset.done $0x0  }
0x63: {  	s18 =	rddreg [dreg:$0xa];
	[sflag:s13] =	ssyncadd.s32 $0xFFFFF000  }
0x64: {  	[hbm:s18], [sflag:s23] =	dma.local [spmem:s19], $0x1000  }
0x65: {  	_ =	swait.ge [sflag:s6], $0x1000  }
0x66: {  	s17 =	rddreg [dreg:$0xb];
	s18 =	spop (v2sf)  }
0x67: {  	s17 =	sor.u32 s17, s18  }
0x68: {  	[sflag:s6] =	ssyncset.done $0x0;
	s17 =	sshrl.u32 s17, $0x3  }
0x69: {  	[sflag:s6] =	ssyncadd.s32 $0xFFFFF000;
	s17 =	sadd.s32 s2, s17  }
0x6a: {  	[spmem:s9], [sflag:s24] =	dma.local [hbm:s17], $0x1000  }
0x6b: {  	_ =	swait.ge [sflag:s12], $0x1000  }
0x6c: {  	(v2sf) =	vpush v0, $0x7;
	_ =	sdelay $0x2  }
0x6d: {  	[sflag:s12] =	ssyncset.done $0x0  }
0x6e: {  	s18 =	rddreg [dreg:$0xc];
	[sflag:s12] =	ssyncadd.s32 $0xFFFFF000  }
0x6f: {  	[hbm:s18], [sflag:s25] =	dma.local [spmem:s21], $0x1000  }
0x70: {  	s16 =	sor.u32 s3, s16;
	_ =	swait.ge [sflag:s4], $0x1000  }
0x71: {  	s16 =	sshrl.u32 s16, $0x3;
	[sflag:s4] =	ssyncset.done $0x0  }
0x72: {  	s16 =	sadd.s32 s2, s16;
	[sflag:s4] =	ssyncadd.s32 $0xFFFFF000  }
0x73: {  	[spmem:s19], [sflag:s20] =	dma.local [hbm:s16], $0x1000  }
0x74: {  	_ =	swait.ge [sflag:s11], $0x1000  }
0x75: {  	[sflag:s11] =	ssyncset.done $0x0  }
0x76: {  	s18 =	rddreg [dreg:$0xd];
	[sflag:s11] =	ssyncadd.s32 $0xFFFFF000  }
0x77: {  	[hbm:s18], [sflag:s26] =	dma.local [spmem:s9], $0x1000  }
0x78: {  	_ =	swait.ge [sflag:s14], $0x1000  }
0x79: {  	s17 =	rddreg [dreg:$0xe];
	s18 =	spop (v2sf)  }
0x7a: {  	s16 =	sor.u32 s17, s18  }
0x7b: {  	[sflag:s14] =	ssyncset.done $0x0;
	s16 =	sshrl.u32 s16, $0x3  }
0x7c: {  	[sflag:s14] =	ssyncadd.s32 $0xFFFFF000;
	s16 =	sadd.s32 s2, s16  }
0x7d: {  	[spmem:s21], [sflag:s22] =	dma.local [hbm:s16], $0x1000  }
0x7e: {  	_ =	swait.ge [sflag:s13], $0x1000  }
0x7f: {  	(v2sf) =	vpush v0, $0x9;
	_ =	sdelay $0x2  }
0x80: {  	[sflag:s13] =	ssyncset.done $0x0  }
0x81: {  	s18 =	rddreg [dreg:$0xf];
	[sflag:s13] =	ssyncadd.s32 $0xFFFFF000  }
0x82: {  	[hbm:s18], [sflag:s23] =	dma.local [spmem:s19], $0x1000  }
0x83: {  	s10 =	sor.u32 s3, s10;
	_ =	swait.ge [sflag:s6], $0x1000  }
0x84: {  	s10 =	sshrl.u32 s10, $0x3;
	[sflag:s6] =	ssyncset.done $0x0  }
0x85: {  	s10 =	sadd.s32 s2, s10;
	[sflag:s6] =	ssyncadd.s32 $0xFFFFF000  }
0x86: {  	[spmem:s9], [sflag:s24] =	dma.local [hbm:s10], $0x1000  }
0x87: {  	_ =	swait.ge [sflag:s12], $0x1000  }
0x88: {  	[sflag:s12] =	ssyncset.done $0x0  }
0x89: {  	s16 =	rddreg [dreg:$0x10];
	[sflag:s12] =	ssyncadd.s32 $0xFFFFF000  }
0x8a: {  	[hbm:s16], [sflag:s25] =	dma.local [spmem:s21], $0x1000  }
0x8b: {  	_ =	swait.ge [sflag:s4], $0x1000  }
0x8c: {  	s17 =	rddreg [dreg:$0x11];
	s18 =	spop (v2sf)  }
0x8d: {  	s10 =	sor.u32 s17, s18  }
0x8e: {  	[sflag:s4] =	ssyncset.done $0x0;
	s10 =	sshrl.u32 s10, $0x3  }
0x8f: {  	[sflag:s4] =	ssyncadd.s32 $0xFFFFF000;
	s10 =	sadd.s32 s2, s10  }
0x90: {  	[spmem:s19], [sflag:s20] =	dma.local [hbm:s10], $0x1000  }
0x91: {  	_ =	swait.ge [sflag:s11], $0x1000  }
0x92: {  	(v2sf) =	vpush v0, $0xB;
	_ =	sdelay $0x2  }
0x93: {  	[sflag:s11] =	ssyncset.done $0x0  }
0x94: {  	s16 =	rddreg [dreg:$0x12];
	[sflag:s11] =	ssyncadd.s32 $0xFFFFF000  }
0x95: {  	[hbm:s16], [sflag:s26] =	dma.local [spmem:s9], $0x1000  }
0x96: {  	s17 =	sor.u32 s3, s15;
	_ =	swait.ge [sflag:s14], $0x1000  }
0x97: {  	s10 =	sshrl.u32 s17, $0x3;
	[sflag:s14] =	ssyncset.done $0x0  }
0x98: {  	s10 =	sadd.s32 s2, s10;
	[sflag:s14] =	ssyncadd.s32 $0xFFFFF000  }
0x99: {  	[spmem:s21], [sflag:s22] =	dma.local [hbm:s10], $0x1000  }
0x9a: {  	_ =	swait.ge [sflag:s13], $0x1000  }
0x9b: {  	[sflag:s13] =	ssyncset.done $0x0  }
0x9c: {  	s18 =	rddreg [dreg:$0x13];
	[sflag:s13] =	ssyncadd.s32 $0xFFFFF000  }
0x9d: {  	[hbm:s18], [sflag:s23] =	dma.local [spmem:s19], $0x1000  }
0x9e: {  	_ =	swait.ge [sflag:s6], $0x1000  }
0x9f: {  	s15 =	rddreg [dreg:$0x14];
	s16 =	spop (v2sf)  }
0xa0: {  	s10 =	sor.u32 s15, s16  }
0xa1: {  	[sflag:s6] =	ssyncset.done $0x0;
	s10 =	sshrl.u32 s10, $0x3  }
0xa2: {  	[sflag:s6] =	ssyncadd.s32 $0xFFFFF000;
	s10 =	sadd.s32 s2, s10  }
0xa3: {  	[spmem:s9], [sflag:s24] =	dma.local [hbm:s10], $0x1000  }
0xa4: {  	_ =	swait.ge [sflag:s12], $0x1000  }
0xa5: {  	[sflag:s12] =	ssyncset.done $0x0  }
0xa6: {  	s17 =	rddreg [dreg:$0x15];
	[sflag:s12] =	ssyncadd.s32 $0xFFFFF000  }
0xa7: {  	[hbm:s17], [sflag:s25] =	dma.local [spmem:s21], $0x1000  }
0xa8: {  	s8 =	sor.u32 s3, s8;
	_ =	swait.ge [sflag:s4], $0x1000  }
0xa9: {  	s8 =	sshrl.u32 s8, $0x3;
	[sflag:s4] =	ssyncset.done $0x0  }
0xaa: {  	s8 =	sadd.s32 s2, s8;
	[sflag:s4] =	ssyncadd.s32 $0xFFFFF000  }
0xab: {  	[spmem:s19], [sflag:s20] =	dma.local [hbm:s8], $0x1000  }
0xac: {  	_ =	swait.ge [sflag:s11], $0x1000  }
0xad: {  	[sflag:s11] =	ssyncset.done $0x0  }
0xae: {  	s10 =	simm.s32 @p0 $0x1;
	s18 =	rddreg [dreg:$0x16];
	[sflag:s11] =	ssyncadd.s32 $0xFFFFF000  }
0xaf: {  	[hbm:s18], [sflag:s26] =	dma.local [spmem:s9], $0x1000  }
0xb0: {  	_ =	swait.ge @p0 [sflag:s10], $0x1000  }
0xb1: {  	[sflag:s10] =	ssyncset.done @p0 $0x0  }
0xb2: {  	s8 =	simm.s32 @p0 $0x5;
	[sflag:s10] =	ssyncadd.s32 @p0 $0xFFFFF000  }
0xb3: {  	[hbm:s31], [sflag:s23] =	dma.local @p0 [spmem:s29], $0x1000  }
0xb4: {  	_ =	swait.ge @p0 [sflag:s8], $0x1000  }
0xb5: {  	[sflag:s8] =	ssyncset.done @p0 $0x0  }
0xb6: {  	s28 =	simm.s32 @!p0 $0x5;
	[sflag:s8] =	ssyncadd.s32 @p0 $0xFFFFF000  }
0xb7: {  	_ =	swait.ge @!p0 [sflag:s28], $0x1000  }
0xb8: {  	s0 =	sshll.u32 @!p0 s0, $0x11;
	s8 =	rddreg [dreg:$0x17]  }
0xb9: {  	s0 =	sor.u32 @!p0 s8, s0  }
0xba: {  	[sflag:s28] =	ssyncset.done @!p0 $0x0;
	s0 =	sshrl.u32 @!p0 s0, $0x3  }
0xbb: {  	[sflag:s28] =	ssyncadd.s32 @!p0 $0xFFFFF000;
	s8 =	simm.s32 @!p0 $0x1;
	s0 =	sadd.s32 @!p0 s2, s0  }
0xbc: {  	[spmem:s7], [sflag:s22] =	dma.local @!p0 [hbm:s0], $0x1000  }
0xbd: {  	_ =	swait.ge @!p0 [sflag:s8], $0x1000  }
0xbe: {  	[sflag:s8] =	ssyncset.done @!p0 $0x0  }
0xbf: {  	s0 =	simm.s32 @!p0 $0x2;
	[sflag:s8] =	ssyncadd.s32 @!p0 $0xFFFFF000  }
0xc0: {  	[hbm:s31], [sflag:s23] =	dma.local @!p0 [spmem:s30], $0x1000  }
0xc1: {  	_ =	swait.ge @!p0 [sflag:s0], $0x1000  }
0xc2: {  	[sflag:s0] =	ssyncset.done @!p0 $0x0  }
0xc3: {  	s1 =	sadd.s32 $0xFFFFFFFF, s1;
	s8 =	rddreg [dreg:$0x18];
	[sflag:s0] =	ssyncadd.s32 @!p0 $0xFFFFF000  }
0xc4: {  	[hbm:s8], [sflag:s25] =	dma.local @!p0 [spmem:s7], $0x1000  }
0xc5: {  	p2 =	sne.s32 s1, $0x0;
	_ =	swait.ge [sflag:s6], $0x1000  }
.Ltmp2:
0xc6: {  	[sflag:s6] =	ssyncset.done $0x0;
	(pc) =	sbr.rel @!p2 .LBB2_3-.Ltmp2, $4  }
0xc7: {  	[sflag:s6] =	ssyncadd.s32 $0xFFFFF000  }
0xc8: {  	_ =	swait.ge [sflag:s4], $0x1000  }
0xc9: {  	[sflag:s4] =	ssyncset.done $0x0  }
0xca: {  	p1 =	por $0x1, $0x1;
	[dreg:$0x1a] =	wrdreg s29;
	[sflag:s4] =	ssyncadd.s32 $0xFFFFF000  }
.LBB2_4:
0xcb: {  	_ =	swait.ge @!p0 [sflag:s28], $0x1000  }
0xcc: {  	[sflag:s28] =	ssyncset.done @!p0 $0x0  }
0xcd: {  	s10 =	simm.s32 $0x0;
	s8 =	rddreg [dreg:$0x19];
	[sflag:s28] =	ssyncadd.s32 @!p0 $0xFFFFF000  }
0xce: {  	[tilespmem:s10], [sflag:$0x7] =	stream.linear.gather [hbm4b:s8+s10], $0x80, $0x38;
	[tilespmem:$0x16880] =	vst v63  }
0xcf: {  	_ =	swait.ge [sflag:s5], $0x80  }
0xd0: {  	[sflag:s5] =	ssyncset.done $0x0  }
0xd1: {  	[sflag:s5] =	ssyncadd.s32 $0xFFFFFF80  }
0xd2: {  	v1 =	vld [tilespmem:$0x0];
	_ =	sdelay $0x4  }
0xd3: {  	v0 =	vshll.u32 v1, $0x11;
	(v2sf) =	vpush @!p0 v1, $0xD  }
0xd4: {  	(v2sf) =	vpush v0, $0x0;
	_ =	sdelay $0x1  }
0xd5: {  	(v2sf) =	vpush v0, $0x2  }
0xd6: {  	(v2sf) =	vpush v0, $0x4;
	_ =	sdelay $0x1  }
0xd7: {  	(v2sf) =	vpush v0, $0x6  }
0xd8: {  	(v2sf) =	vpush v0, $0x1  }
0xd9: {  	(v2sf) =	vpush v0, $0x8  }
0xda: {  	(v2sf) =	vpush v0, $0xA;
	_ =	sdelay $0x2  }
0xdb: {  	(v2sf) =	vpush v0, $0xC;
	_ =	sdelay $0x2  }
0xdc: {  	s16 =	spop @!p0 (v2sf)  }
0xdd: {  	s15 =	spop (v2sf)  }
0xde: {  	s8 =	sor.u32 s3, s15  }
0xdf: {  	s17 =	spop (v2sf);
	s8 =	sshrl.u32 s8, $0x3  }
0xe0: {  	s18 =	spop (v2sf);
	s8 =	sadd.s32 s2, s8  }
0xe1: {  	[spmem:s19], [sflag:s20] =	dma.local [hbm:s8], $0x1000  }
0xe2: {  	s29 =	spop (v2sf)  }
0xe3: {  	s15 =	spop (v2sf)  }
0xe4: {  	s5 =	sor.u32 s3, s17;
	s8 =	rddreg [dreg:$0x5];
	s17 =	spop (v2sf)  }
0xe5: {  	s15 =	sor.u32 s8, s15;
	s8 =	sor.u32 s3, s17;
	s17 =	spop (v2sf);
	(v2sf) =	vpush v0, $0x3  }
0xe6: {  	s10 =	sor.u32 s3, s29  }
0xe7: {  	s29 =	smov.u32 s30;
	s30 =	smov.u32 s7;
	s15 =	sshrl.u32 s15, $0x3  }
0xe8: {  	s7 =	sadd.s32 s2, s15;
	s15 =	sor.u32 s3, s17;
	s17 =	spop (v2sf)  }
0xe9: {  	[spmem:s21], [sflag:s22] =	dma.local [hbm:s7], $0x1000  }
0xea: {  	_ =	swait.ge [sflag:s13], $0x1000  }
0xeb: {  	s5 =	sshrl.u32 s5, $0x3;
	[sflag:s13] =	ssyncset.done $0x0  }
0xec: {  	s5 =	sadd.s32 s2, s5;
	s7 =	rddreg [dreg:$0x6];
	[sflag:s13] =	ssyncadd.s32 $0xFFFFF000  }
0xed: {  	[hbm:s7], [sflag:s23] =	dma.local [spmem:s19], $0x1000  }
0xee: {  	[spmem:s9], [sflag:s24] =	dma.local [hbm:s5], $0x1000  }
0xef: {  	_ =	swait.ge [sflag:s12], $0x1000  }
0xf0: {  	[sflag:s12] =	ssyncset.done $0x0  }
0xf1: {  	s7 =	rddreg [dreg:$0x7];
	[sflag:s12] =	ssyncadd.s32 $0xFFFFF000  }
0xf2: {  	[hbm:s7], [sflag:s25] =	dma.local [spmem:s21], $0x1000  }
0xf3: {  	_ =	swait.ge [sflag:s4], $0x1000  }
0xf4: {  	s5 =	rddreg [dreg:$0x8];
	s7 =	spop (v2sf)  }
0xf5: {  	s5 =	sor.u32 s5, s7  }
0xf6: {  	[sflag:s4] =	ssyncset.done $0x0;
	s5 =	sshrl.u32 s5, $0x3  }
0xf7: {  	[sflag:s4] =	ssyncadd.s32 $0xFFFFF000;
	s5 =	sadd.s32 s2, s5  }
0xf8: {  	[spmem:s19], [sflag:s20] =	dma.local [hbm:s5], $0x1000  }
0xf9: {  	_ =	swait.ge [sflag:s11], $0x1000  }
0xfa: {  	(v2sf) =	vpush v0, $0x5;
	_ =	sdelay $0x2  }
0xfb: {  	[sflag:s11] =	ssyncset.done $0x0  }
0xfc: {  	s7 =	rddreg [dreg:$0x9];
	[sflag:s11] =	ssyncadd.s32 $0xFFFFF000  }
0xfd: {  	[hbm:s7], [sflag:s26] =	dma.local [spmem:s9], $0x1000  }
0xfe: {  	s18 =	sor.u32 s3, s18;
	_ =	swait.ge [sflag:s14], $0x1000  }
0xff: {  	s18 =	sshrl.u32 s18, $0x3;
	[sflag:s14] =	ssyncset.done $0x0  }
0x100: {  	s7 =	sadd.s32 s2, s18;
	[sflag:s14] =	ssyncadd.s32 $0xFFFFF000  }
0x101: {  	[spmem:s21], [sflag:s22] =	dma.local [hbm:s7], $0x1000  }
0x102: {  	_ =	swait.ge [sflag:s13], $0x1000  }
0x103: {  	[sflag:s13] =	ssyncset.done $0x0  }
0x104: {  	s18 =	rddreg [dreg:$0xa];
	[sflag:s13] =	ssyncadd.s32 $0xFFFFF000  }
0x105: {  	[hbm:s18], [sflag:s23] =	dma.local [spmem:s19], $0x1000  }
0x106: {  	_ =	swait.ge [sflag:s6], $0x1000  }
0x107: {  	s7 =	rddreg [dreg:$0xb];
	s18 =	spop (v2sf)  }
0x108: {  	s5 =	sor.u32 s7, s18  }
0x109: {  	[sflag:s6] =	ssyncset.done $0x0;
	s5 =	sshrl.u32 s5, $0x3  }
0x10a: {  	[sflag:s6] =	ssyncadd.s32 $0xFFFFF000;
	s5 =	sadd.s32 s2, s5  }
0x10b: {  	[spmem:s9], [sflag:s24] =	dma.local [hbm:s5], $0x1000  }
0x10c: {  	_ =	swait.ge [sflag:s12], $0x1000  }
0x10d: {  	(v2sf) =	vpush v0, $0x7;
	_ =	sdelay $0x2  }
0x10e: {  	[sflag:s12] =	ssyncset.done $0x0  }
0x10f: {  	s7 =	rddreg [dreg:$0xc];
	[sflag:s12] =	ssyncadd.s32 $0xFFFFF000  }
0x110: {  	[hbm:s7], [sflag:s25] =	dma.local [spmem:s21], $0x1000  }
0x111: {  	_ =	swait.ge [sflag:s4], $0x1000  }
0x112: {  	s10 =	sshrl.u32 s10, $0x3;
	[sflag:s4] =	ssyncset.done $0x0  }
0x113: {  	s18 =	sadd.s32 s2, s10;
	[sflag:s4] =	ssyncadd.s32 $0xFFFFF000  }
0x114: {  	[spmem:s19], [sflag:s20] =	dma.local [hbm:s18], $0x1000  }
0x115: {  	_ =	swait.ge [sflag:s11], $0x1000  }
0x116: {  	[sflag:s11] =	ssyncset.done $0x0  }
0x117: {  	s7 =	rddreg [dreg:$0xd];
	[sflag:s11] =	ssyncadd.s32 $0xFFFFF000  }
0x118: {  	[hbm:s7], [sflag:s26] =	dma.local [spmem:s9], $0x1000  }
0x119: {  	_ =	swait.ge [sflag:s14], $0x1000  }
0x11a: {  	s10 =	rddreg [dreg:$0xe];
	s18 =	spop (v2sf)  }
0x11b: {  	s5 =	sor.u32 s10, s18  }
0x11c: {  	[sflag:s14] =	ssyncset.done $0x0;
	s5 =	sshrl.u32 s5, $0x3  }
0x11d: {  	[sflag:s14] =	ssyncadd.s32 $0xFFFFF000;
	s5 =	sadd.s32 s2, s5  }
0x11e: {  	[spmem:s21], [sflag:s22] =	dma.local [hbm:s5], $0x1000  }
0x11f: {  	_ =	swait.ge [sflag:s13], $0x1000  }
0x120: {  	(v2sf) =	vpush v0, $0x9;
	_ =	sdelay $0x2  }
0x121: {  	[sflag:s13] =	ssyncset.done $0x0  }
0x122: {  	s10 =	rddreg [dreg:$0xf];
	[sflag:s13] =	ssyncadd.s32 $0xFFFFF000  }
0x123: {  	[hbm:s10], [sflag:s23] =	dma.local [spmem:s19], $0x1000  }
0x124: {  	_ =	swait.ge [sflag:s6], $0x1000  }
0x125: {  	s18 =	sshrl.u32 s8, $0x3;
	[sflag:s6] =	ssyncset.done $0x0  }
0x126: {  	s7 =	sadd.s32 s2, s18;
	[sflag:s6] =	ssyncadd.s32 $0xFFFFF000  }
0x127: {  	[spmem:s9], [sflag:s24] =	dma.local [hbm:s7], $0x1000  }
0x128: {  	_ =	swait.ge [sflag:s12], $0x1000  }
0x129: {  	[sflag:s12] =	ssyncset.done $0x0  }
0x12a: {  	s8 =	rddreg [dreg:$0x10];
	[sflag:s12] =	ssyncadd.s32 $0xFFFFF000  }
0x12b: {  	[hbm:s8], [sflag:s25] =	dma.local [spmem:s21], $0x1000  }
0x12c: {  	_ =	swait.ge [sflag:s4], $0x1000  }
0x12d: {  	s10 =	rddreg [dreg:$0x11];
	s18 =	spop (v2sf)  }
0x12e: {  	s5 =	sor.u32 s10, s18  }
0x12f: {  	[sflag:s4] =	ssyncset.done $0x0;
	s5 =	sshrl.u32 s5, $0x3  }
0x130: {  	[sflag:s4] =	ssyncadd.s32 $0xFFFFF000;
	s5 =	sadd.s32 s2, s5  }
0x131: {  	[spmem:s19], [sflag:s20] =	dma.local [hbm:s5], $0x1000  }
0x132: {  	_ =	swait.ge [sflag:s11], $0x1000  }
0x133: {  	(v2sf) =	vpush v0, $0xB;
	_ =	sdelay $0x2  }
0x134: {  	[sflag:s11] =	ssyncset.done $0x0  }
0x135: {  	s8 =	rddreg [dreg:$0x12];
	[sflag:s11] =	ssyncadd.s32 $0xFFFFF000  }
0x136: {  	[hbm:s8], [sflag:s26] =	dma.local [spmem:s9], $0x1000  }
0x137: {  	_ =	swait.ge [sflag:s14], $0x1000  }
0x138: {  	s10 =	sshrl.u32 s15, $0x3;
	[sflag:s14] =	ssyncset.done $0x0  }
0x139: {  	s15 =	sadd.s32 s2, s10;
	[sflag:s14] =	ssyncadd.s32 $0xFFFFF000  }
0x13a: {  	[spmem:s21], [sflag:s22] =	dma.local [hbm:s15], $0x1000  }
0x13b: {  	_ =	swait.ge [sflag:s13], $0x1000  }
0x13c: {  	[sflag:s13] =	ssyncset.done $0x0  }
0x13d: {  	s18 =	rddreg [dreg:$0x13];
	[sflag:s13] =	ssyncadd.s32 $0xFFFFF000  }
0x13e: {  	[hbm:s18], [sflag:s23] =	dma.local [spmem:s19], $0x1000  }
0x13f: {  	_ =	swait.ge [sflag:s6], $0x1000  }
0x140: {  	s7 =	rddreg [dreg:$0x14];
	s8 =	spop (v2sf)  }
0x141: {  	s5 =	sor.u32 s7, s8  }
0x142: {  	[sflag:s6] =	ssyncset.done $0x0;
	s5 =	sshrl.u32 s5, $0x3  }
0x143: {  	[sflag:s6] =	ssyncadd.s32 $0xFFFFF000;
	s5 =	sadd.s32 s2, s5  }
0x144: {  	[spmem:s9], [sflag:s24] =	dma.local [hbm:s5], $0x1000  }
0x145: {  	_ =	swait.ge [sflag:s12], $0x1000  }
0x146: {  	[sflag:s12] =	ssyncset.done $0x0  }
0x147: {  	s10 =	rddreg [dreg:$0x15];
	[sflag:s12] =	ssyncadd.s32 $0xFFFFF000  }
0x148: {  	[hbm:s10], [sflag:s25] =	dma.local [spmem:s21], $0x1000  }
0x149: {  	s17 =	sor.u32 s3, s17;
	_ =	swait.ge [sflag:s4], $0x1000  }
0x14a: {  	s15 =	sshrl.u32 s17, $0x3;
	[sflag:s4] =	ssyncset.done $0x0  }
0x14b: {  	s17 =	sadd.s32 s2, s15;
	[sflag:s4] =	ssyncadd.s32 $0xFFFFF000  }
0x14c: {  	[spmem:s19], [sflag:s20] =	dma.local [hbm:s17], $0x1000  }
0x14d: {  	_ =	swait.ge [sflag:s11], $0x1000  }
0x14e: {  	[sflag:s11] =	ssyncset.done $0x0  }
0x14f: {  	s5 =	simm.s32 @p0 $0x1;
	s18 =	rddreg [dreg:$0x16];
	[sflag:s11] =	ssyncadd.s32 $0xFFFFF000  }
0x150: {  	[hbm:s18], [sflag:s26] =	dma.local [spmem:s9], $0x1000  }
0x151: {  	_ =	swait.ge @p0 [sflag:s5], $0x1000  }
0x152: {  	[sflag:s5] =	ssyncset.done @p0 $0x0  }
0x153: {  	[sflag:s5] =	ssyncadd.s32 @p0 $0xFFFFF000;
	s5 =	rddreg [dreg:$0x1a]  }
0x154: {  	[hbm:s31], [sflag:s23] =	dma.local @p0 [spmem:s5], $0x1000  }
0x155: {  	s5 =	simm.s32 @p0 $0x5  }
0x156: {  	_ =	swait.ge @p0 [sflag:s5], $0x1000  }
0x157: {  	[sflag:s5] =	ssyncset.done @p0 $0x0  }
0x158: {  	[sflag:s5] =	ssyncadd.s32 @p0 $0xFFFFF000  }
0x159: {  	_ =	swait.ge @!p0 [sflag:s28], $0x1000  }
0x15a: {  	s7 =	sshll.u32 @!p0 s16, $0x11;
	s5 =	rddreg [dreg:$0x17]  }
0x15b: {  	s5 =	sor.u32 @!p0 s5, s7  }
0x15c: {  	[sflag:s28] =	ssyncset.done @!p0 $0x0;
	s5 =	sshrl.u32 @!p0 s5, $0x3  }
0x15d: {  	[sflag:s28] =	ssyncadd.s32 @!p0 $0xFFFFF000;
	s7 =	smov.u32 s30;
	s5 =	sadd.s32 @!p0 s2, s5  }
0x15e: {  	[spmem:s7], [sflag:s22] =	dma.local @!p0 [hbm:s5], $0x1000  }
0x15f: {  	s5 =	simm.s32 @!p0 $0x1  }
0x160: {  	_ =	swait.ge @!p0 [sflag:s5], $0x1000  }
0x161: {  	[sflag:s5] =	ssyncset.done @!p0 $0x0  }
0x162: {  	[sflag:s5] =	ssyncadd.s32 @!p0 $0xFFFFF000  }
0x163: {  	[hbm:s31], [sflag:s23] =	dma.local @!p0 [spmem:s29], $0x1000  }
0x164: {  	_ =	swait.ge @!p0 [sflag:s0], $0x1000  }
0x165: {  	[sflag:s0] =	ssyncset.done @!p0 $0x0  }
0x166: {  	s1 =	sadd.s32 $0xFFFFFFFF, s1;
	s5 =	rddreg [dreg:$0x18];
	[sflag:s0] =	ssyncadd.s32 @!p0 $0xFFFFF000  }
0x167: {  	[hbm:s5], [sflag:s25] =	dma.local @!p0 [spmem:s7], $0x1000  }
0x168: {  	p2 =	sne.s32 s1, $0x0;
	_ =	swait.ge [sflag:s6], $0x1000  }
.Ltmp3:
0x169: {  	[sflag:s6] =	ssyncset.done $0x0;
	(pc) =	sbr.rel @p2 .LBB2_4-.Ltmp3, $4  }
0x16a: {  	[sflag:s6] =	ssyncadd.s32 $0xFFFFF000  }
0x16b: {  	_ =	swait.ge [sflag:s4], $0x1000  }
0x16c: {  	[sflag:s4] =	ssyncset.done $0x0  }
0x16d: {  	s30 =	smov.u32 s29;
	s5 =	simm.s32 $0x7;
	[sflag:s4] =	ssyncadd.s32 $0xFFFFF000  }
0x16e: {  	s25 =	rddreg [dreg:$0x4]  }
0x16f: {  	s29 =	rddreg [dreg:$0x1a]  }
0x170: {  	s21 =	rddreg [dreg:$0x1b]  }
0x171: {  	s26 =	stileid.u32;
	s15 =	simm.s32 $0x0;
	s16 =	rddreg [dreg:$0x1c]  }
.LBB2_6:
0x172: {  	p1 =	por p0, !p1  }
0x173: {  	_ =	swait.ge @!p1 [sflag:s28], $0x1000  }
0x174: {  	[sflag:s28] =	ssyncset.done @!p1 $0x0  }
0x175: {  	s0 =	rddreg [dreg:$0x19];
	[sflag:s28] =	ssyncadd.s32 @!p1 $0xFFFFF000  }
0x176: {  	[tilespmem:s15], [sflag:$0x7] =	stream.linear.gather [hbm4b:s0+s15], $0x80, $0x38;
	[tilespmem:$0x16880] =	vst v63  }
0x177: {  	_ =	swait.ge [sflag:s5], $0x80  }
0x178: {  	[sflag:s5] =	ssyncset.done $0x0  }
0x179: {  	[sflag:s5] =	ssyncadd.s32 $0xFFFFFF80  }
0x17a: {  	v1 =	vld [tilespmem:$0x0];
	_ =	sdelay $0x4  }
0x17b: {  	v0 =	vshll.u32 v1, $0x11;
	(v2sf) =	vpush @!p0 v1, $0xD  }
0x17c: {  	(v2sf) =	vpush v0, $0x0;
	_ =	sdelay $0x1  }
0x17d: {  	(v2sf) =	vpush v0, $0x2  }
0x17e: {  	(v2sf) =	vpush v0, $0x4;
	_ =	sdelay $0x1  }
0x17f: {  	(v2sf) =	vpush v0, $0x6  }
0x180: {  	(v2sf) =	vpush v0, $0x1  }
0x181: {  	(v2sf) =	vpush v0, $0x8  }
0x182: {  	(v2sf) =	vpush v0, $0xA  }
0x183: {  	(v2sf) =	vpush v0, $0xC;
	_ =	sdelay $0x4  }
0x184: {  	s0 =	spop @!p0 (v2sf)  }
0x185: {  	s1 =	spop (v2sf)  }
0x186: {  	s16 =	sshrl.u32 s16, $0x3;
	s28 =	smov.u32 s7;
	s1 =	sor.u32 s3, s1  }
0x187: {  	s5 =	sshll.u32 s26, $0x6;
	s7 =	spop (v2sf);
	s1 =	sshrl.u32 s1, $0x3  }
0x188: {  	s18 =	sor.u32 $0x1C01, s5;
	s24 =	spop (v2sf);
	s1 =	sadd.s32 s2, s1  }
0x189: {  	[spmem:s16], [sflag:s18] =	dma.local [hbm:s1], $0x1000  }
0x18a: {  	s23 =	spop (v2sf)  }
0x18b: {  	s1 =	rddreg [dreg:$0x5];
	(v2sf) =	vpush v0, $0x3;
	s8 =	spop (v2sf)  }
0x18c: {  	s7 =	sor.u32 s3, s7;
	s10 =	spop (v2sf);
	s1 =	sor.u32 s1, s8  }
0x18d: {  	s8 =	sshrl.u32 s21, $0x3;
	s20 =	sshrl.u32 s1, $0x3;
	s22 =	spop (v2sf)  }
0x18e: {  	s1 =	sor.u32 $0x1C02, s5;
	s15 =	sadd.s32 s2, s20;
	s19 =	spop (v2sf)  }
0x18f: {  	[spmem:s8], [sflag:s1] =	dma.local [hbm:s15], $0x1000  }
0x190: {  	s7 =	sshrl.u32 s7, $0x3;
	_ =	swait.ge [sflag:s13], $0x1000  }
0x191: {  	s7 =	sadd.s32 s2, s7;
	s20 =	sor.u32 $0x1C03, s5;
	[sflag:s13] =	ssyncset.done $0x0  }
0x192: {  	s15 =	sor.u32 $0x1C04, s5;
	s17 =	rddreg [dreg:$0x6];
	[sflag:s13] =	ssyncadd.s32 $0xFFFFF000  }
0x193: {  	[hbm:s17], [sflag:s15] =	dma.local [spmem:s16], $0x1000  }
0x194: {  	[spmem:s9], [sflag:s20] =	dma.local [hbm:s7], $0x1000  }
0x195: {  	_ =	swait.ge [sflag:s12], $0x1000  }
0x196: {  	[sflag:s12] =	ssyncset.done $0x0  }
0x197: {  	s17 =	sor.u32 $0x1C05, s5;
	s21 =	rddreg [dreg:$0x7];
	[sflag:s12] =	ssyncadd.s32 $0xFFFFF000  }
0x198: {  	[hbm:s21], [sflag:s17] =	dma.local [spmem:s8], $0x1000  }
0x199: {  	_ =	swait.ge [sflag:s4], $0x1000  }
0x19a: {  	s7 =	rddreg [dreg:$0x8];
	s21 =	spop (v2sf)  }
0x19b: {  	s7 =	sor.u32 s7, s21  }
0x19c: {  	[sflag:s4] =	ssyncset.done $0x0;
	s7 =	sshrl.u32 s7, $0x3  }
0x19d: {  	[sflag:s4] =	ssyncadd.s32 $0xFFFFF000;
	s7 =	sadd.s32 s2, s7  }
0x19e: {  	[spmem:s16], [sflag:s18] =	dma.local [hbm:s7], $0x1000  }
0x19f: {  	_ =	swait.ge [sflag:s11], $0x1000  }
0x1a0: {  	(v2sf) =	vpush v0, $0x5;
	_ =	sdelay $0x2  }
0x1a1: {  	[sflag:s11] =	ssyncset.done $0x0  }
0x1a2: {  	s21 =	sor.u32 $0x1C06, s5;
	s7 =	rddreg [dreg:$0x9];
	[sflag:s11] =	ssyncadd.s32 $0xFFFFF000  }
0x1a3: {  	[hbm:s7], [sflag:s21] =	dma.local [spmem:s9], $0x1000  }
0x1a4: {  	s7 =	sor.u32 s3, s24;
	_ =	swait.ge [sflag:s14], $0x1000  }
0x1a5: {  	s5 =	sshrl.u32 s7, $0x3;
	[sflag:s14] =	ssyncset.done $0x0  }
0x1a6: {  	s5 =	sadd.s32 s2, s5;
	[sflag:s14] =	ssyncadd.s32 $0xFFFFF000  }
0x1a7: {  	[spmem:s8], [sflag:s1] =	dma.local [hbm:s5], $0x1000  }
0x1a8: {  	_ =	swait.ge [sflag:s13], $0x1000  }
0x1a9: {  	[sflag:s13] =	ssyncset.done $0x0  }
0x1aa: {  	s24 =	rddreg [dreg:$0xa];
	[sflag:s13] =	ssyncadd.s32 $0xFFFFF000  }
0x1ab: {  	[hbm:s24], [sflag:s15] =	dma.local [spmem:s16], $0x1000  }
0x1ac: {  	_ =	swait.ge [sflag:s6], $0x1000  }
0x1ad: {  	s7 =	rddreg [dreg:$0xb];
	s24 =	spop (v2sf)  }
0x1ae: {  	s5 =	sor.u32 s7, s24  }
0x1af: {  	[sflag:s6] =	ssyncset.done $0x0;
	s5 =	sshrl.u32 s5, $0x3  }
0x1b0: {  	[sflag:s6] =	ssyncadd.s32 $0xFFFFF000;
	s5 =	sadd.s32 s2, s5  }
0x1b1: {  	[spmem:s9], [sflag:s20] =	dma.local [hbm:s5], $0x1000  }
0x1b2: {  	_ =	swait.ge [sflag:s12], $0x1000  }
0x1b3: {  	(v2sf) =	vpush v0, $0x7;
	_ =	sdelay $0x2  }
0x1b4: {  	[sflag:s12] =	ssyncset.done $0x0  }
0x1b5: {  	s7 =	rddreg [dreg:$0xc];
	[sflag:s12] =	ssyncadd.s32 $0xFFFFF000  }
0x1b6: {  	[hbm:s7], [sflag:s17] =	dma.local [spmem:s8], $0x1000  }
0x1b7: {  	s24 =	sor.u32 s3, s23;
	_ =	swait.ge [sflag:s4], $0x1000  }
0x1b8: {  	s5 =	sshrl.u32 s24, $0x3;
	[sflag:s4] =	ssyncset.done $0x0  }
0x1b9: {  	s5 =	sadd.s32 s2, s5;
	[sflag:s4] =	ssyncadd.s32 $0xFFFFF000  }
0x1ba: {  	[spmem:s16], [sflag:s18] =	dma.local [hbm:s5], $0x1000  }
0x1bb: {  	_ =	swait.ge [sflag:s11], $0x1000  }
0x1bc: {  	[sflag:s11] =	ssyncset.done $0x0  }
0x1bd: {  	s7 =	rddreg [dreg:$0xd];
	[sflag:s11] =	ssyncadd.s32 $0xFFFFF000  }
0x1be: {  	[hbm:s7], [sflag:s21] =	dma.local [spmem:s9], $0x1000  }
0x1bf: {  	_ =	swait.ge [sflag:s14], $0x1000  }
0x1c0: {  	s23 =	rddreg [dreg:$0xe];
	s24 =	spop (v2sf)  }
0x1c1: {  	s5 =	sor.u32 s23, s24  }
0x1c2: {  	[sflag:s14] =	ssyncset.done $0x0;
	s5 =	sshrl.u32 s5, $0x3  }
0x1c3: {  	[sflag:s14] =	ssyncadd.s32 $0xFFFFF000;
	s5 =	sadd.s32 s2, s5  }
0x1c4: {  	[spmem:s8], [sflag:s1] =	dma.local [hbm:s5], $0x1000  }
0x1c5: {  	_ =	swait.ge [sflag:s13], $0x1000  }
0x1c6: {  	(v2sf) =	vpush v0, $0x9;
	_ =	sdelay $0x2  }
0x1c7: {  	[sflag:s13] =	ssyncset.done $0x0  }
0x1c8: {  	s23 =	rddreg [dreg:$0xf];
	[sflag:s13] =	ssyncadd.s32 $0xFFFFF000  }
0x1c9: {  	[hbm:s23], [sflag:s15] =	dma.local [spmem:s16], $0x1000  }
0x1ca: {  	s24 =	sor.u32 s3, s10;
	_ =	swait.ge [sflag:s6], $0x1000  }
0x1cb: {  	s5 =	sshrl.u32 s24, $0x3;
	[sflag:s6] =	ssyncset.done $0x0  }
0x1cc: {  	s5 =	sadd.s32 s2, s5;
	[sflag:s6] =	ssyncadd.s32 $0xFFFFF000  }
0x1cd: {  	[spmem:s9], [sflag:s20] =	dma.local [hbm:s5], $0x1000  }
0x1ce: {  	_ =	swait.ge [sflag:s12], $0x1000  }
0x1cf: {  	[sflag:s12] =	ssyncset.done $0x0  }
0x1d0: {  	s7 =	rddreg [dreg:$0x10];
	[sflag:s12] =	ssyncadd.s32 $0xFFFFF000  }
0x1d1: {  	[hbm:s7], [sflag:s17] =	dma.local [spmem:s8], $0x1000  }
0x1d2: {  	_ =	swait.ge [sflag:s4], $0x1000  }
0x1d3: {  	s10 =	rddreg [dreg:$0x11];
	s23 =	spop (v2sf)  }
0x1d4: {  	s5 =	sor.u32 s10, s23  }
0x1d5: {  	[sflag:s4] =	ssyncset.done $0x0;
	s5 =	sshrl.u32 s5, $0x3  }
0x1d6: {  	[sflag:s4] =	ssyncadd.s32 $0xFFFFF000;
	s5 =	sadd.s32 s2, s5  }
0x1d7: {  	[spmem:s16], [sflag:s18] =	dma.local [hbm:s5], $0x1000  }
0x1d8: {  	_ =	swait.ge [sflag:s11], $0x1000  }
0x1d9: {  	(v2sf) =	vpush v0, $0xB;
	_ =	sdelay $0x2  }
0x1da: {  	[sflag:s11] =	ssyncset.done $0x0  }
0x1db: {  	s24 =	rddreg [dreg:$0x12];
	[sflag:s11] =	ssyncadd.s32 $0xFFFFF000  }
0x1dc: {  	[hbm:s24], [sflag:s21] =	dma.local [spmem:s9], $0x1000  }
0x1dd: {  	s7 =	sor.u32 s3, s22;
	_ =	swait.ge [sflag:s14], $0x1000  }
0x1de: {  	s5 =	sshrl.u32 s7, $0x3;
	[sflag:s14] =	ssyncset.done $0x0  }
0x1df: {  	s5 =	sadd.s32 s2, s5;
	[sflag:s14] =	ssyncadd.s32 $0xFFFFF000  }
0x1e0: {  	[spmem:s8], [sflag:s1] =	dma.local [hbm:s5], $0x1000  }
0x1e1: {  	_ =	swait.ge [sflag:s13], $0x1000  }
0x1e2: {  	[sflag:s13] =	ssyncset.done $0x0  }
0x1e3: {  	s10 =	rddreg [dreg:$0x13];
	[sflag:s13] =	ssyncadd.s32 $0xFFFFF000  }
0x1e4: {  	[hbm:s10], [sflag:s15] =	dma.local [spmem:s16], $0x1000  }
0x1e5: {  	_ =	swait.ge [sflag:s6], $0x1000  }
0x1e6: {  	s13 =	rddreg [dreg:$0x14];
	s14 =	spop (v2sf)  }
0x1e7: {  	s5 =	sor.u32 s13, s14  }
0x1e8: {  	[sflag:s6] =	ssyncset.done $0x0;
	s5 =	sshrl.u32 s5, $0x3  }
0x1e9: {  	[sflag:s6] =	ssyncadd.s32 $0xFFFFF000;
	s5 =	sadd.s32 s2, s5  }
0x1ea: {  	[spmem:s9], [sflag:s20] =	dma.local [hbm:s5], $0x1000  }
0x1eb: {  	_ =	swait.ge [sflag:s12], $0x1000  }
0x1ec: {  	[sflag:s12] =	ssyncset.done $0x0  }
0x1ed: {  	s22 =	rddreg [dreg:$0x15];
	[sflag:s12] =	ssyncadd.s32 $0xFFFFF000  }
0x1ee: {  	[hbm:s22], [sflag:s17] =	dma.local [spmem:s8], $0x1000  }
0x1ef: {  	s23 =	sor.u32 s3, s19;
	_ =	swait.ge [sflag:s4], $0x1000  }
0x1f0: {  	s3 =	sshrl.u32 s23, $0x3;
	[sflag:s4] =	ssyncset.done $0x0  }
0x1f1: {  	s3 =	sadd.s32 s2, s3;
	[sflag:s4] =	ssyncadd.s32 $0xFFFFF000  }
0x1f2: {  	[spmem:s16], [sflag:s18] =	dma.local [hbm:s3], $0x1000  }
0x1f3: {  	_ =	swait.ge [sflag:s11], $0x1000  }
0x1f4: {  	[sflag:s11] =	ssyncset.done $0x0  }
0x1f5: {  	s3 =	simm.s32 @p0 $0x1;
	s24 =	rddreg [dreg:$0x16];
	[sflag:s11] =	ssyncadd.s32 $0xFFFFF000  }
0x1f6: {  	[hbm:s24], [sflag:s21] =	dma.local [spmem:s9], $0x1000  }
0x1f7: {  	_ =	swait.ge @p0 [sflag:s3], $0x1000  }
0x1f8: {  	[sflag:s3] =	ssyncset.done @p0 $0x0  }
0x1f9: {  	[sflag:s3] =	ssyncadd.s32 @p0 $0xFFFFF000;
	s3 =	simm.s32 @p0 $0x5  }
0x1fa: {  	[hbm:s31], [sflag:s15] =	dma.local @p0 [spmem:s29], $0x1000  }
0x1fb: {  	_ =	swait.ge @p0 [sflag:s3], $0x1000  }
0x1fc: {  	[sflag:s3] =	ssyncset.done @p0 $0x0  }
0x1fd: {  	s5 =	simm.s32 @!p0 $0x5;
	[sflag:s3] =	ssyncadd.s32 @p0 $0xFFFFF000  }
0x1fe: {  	_ =	swait.ge @!p0 [sflag:s5], $0x1000  }
0x1ff: {  	s0 =	sshll.u32 @!p0 s0, $0x11;
	s3 =	rddreg [dreg:$0x17]  }
0x200: {  	s0 =	sor.u32 @!p0 s3, s0  }
0x201: {  	[sflag:s5] =	ssyncset.done @!p0 $0x0;
	s0 =	sshrl.u32 @!p0 s0, $0x3  }
0x202: {  	[sflag:s5] =	ssyncadd.s32 @!p0 $0xFFFFF000;
	s0 =	sadd.s32 @!p0 s2, s0  }
0x203: {  	[spmem:s28], [sflag:s1] =	dma.local @!p0 [hbm:s0], $0x1000  }
0x204: {  	s0 =	simm.s32 @!p0 $0x1  }
0x205: {  	_ =	swait.ge @!p0 [sflag:s0], $0x1000  }
0x206: {  	[sflag:s0] =	ssyncset.done @!p0 $0x0  }
0x207: {  	[sflag:s0] =	ssyncadd.s32 @!p0 $0xFFFFF000;
	s0 =	simm.s32 @!p0 $0x2  }
0x208: {  	[hbm:s31], [sflag:s15] =	dma.local @!p0 [spmem:s30], $0x1000  }
0x209: {  	_ =	swait.ge @!p0 [sflag:s0], $0x1000  }
0x20a: {  	[sflag:s0] =	ssyncset.done @!p0 $0x0  }
0x20b: {  	s1 =	rddreg [dreg:$0x18];
	[sflag:s0] =	ssyncadd.s32 @!p0 $0xFFFFF000  }
0x20c: {  	[hbm:s1], [sflag:s17] =	dma.local @!p0 [spmem:s28], $0x1000  }
0x20d: {  	_ =	swait.ge [sflag:s6], $0x1000  }
0x20e: {  	[sflag:s6] =	ssyncset.done $0x0  }
0x20f: {  	[sflag:s6] =	ssyncadd.s32 $0xFFFFF000  }
0x210: {  	_ =	swait.ge [sflag:s4], $0x1000  }
0x211: {  	[sflag:s4] =	ssyncset.done $0x0  }
0x212: {  	[sflag:s4] =	ssyncadd.s32 $0xFFFFF000  }
0x213: {  	_ =	swait.ge @!p0 [sflag:s5], $0x1000  }
0x214: {  	[sflag:s5] =	ssyncset.done @!p0 $0x0  }
0x215: {  	[sflag:s5] =	ssyncadd.s32 @!p0 $0xFFFFF000  }
.LBB2_7:
0x216: {  	_ =	sfence.sel $0x180000  }
0x217: {  	[bflag:$0x0] =	sbarrier.arrive $0xFFFF  }
0x218: {  	p0 =	sne.s32 s26, $0x0;
	_ =	strace $0x90000047  }
0x219: {  	s0 =	sadd.s32 @!p0 $0x100000, s25;
	[bflag:$0x2] =	sbarrier.arrive $0xFFFF  }
0x21a: {  	[sflag:s0] =	ssyncadd.tile.s32 @!p0 $0x1;
	_ =	shalt  }
.LBB2_3:
.Ltmp4:
0x21b: {  	(pc) =	sbr.rel .LBB2_6-.Ltmp4, $4  }
0x21c: {  	s25 =	rddreg [dreg:$0x4]  }
0x21d: {  	s29 =	rddreg [dreg:$0x1a]  }
0x21e: {  	s21 =	rddreg [dreg:$0x1b]  }
0x21f: {  	s26 =	stileid.u32;
	s15 =	simm.s32 $0x0;
	s16 =	rddreg [dreg:$0x1c]  }
.Lfunc_end2:
_tile_overlayer_lowered:
.L_overlay_start_2:
0x220: {  	(tag) =	ssettag $0x2  }
0x221: {  	s0 =	rddreg [dreg:$0x0];
	s2 =	stileid.u32  }
0x222: {  	s1 =	rddreg [dreg:$0x1];
	p0 =	sne.s32 s2, $0x0  }
0x223: {  	s3 =	rddreg [dreg:$0x2];
	[bflag:$0x3] =	sbarrier.arrive $0xFFFF;
	s2 =	simm.s32 @!p0 $0x1C07  }
0x224: {  	[timem:s3], [sflag:s2] =	dma.local @!p0 [hbm:s0], s1  }
0x225: {  	s0 =	simm.s32 @!p0 $0x7  }
0x226: {  	_ =	swait.ge @!p0 [sflag:s0], s1  }
0x227: {  	s1 =	ssub.s32 @!p0 $0x0, s1;
	[sflag:s0] =	ssyncset.done @!p0 $0x0  }
0x228: {  	[sflag:s0] =	ssyncadd.s32 @!p0 s1  }
0x229: {  	[bflag:$0x3] =	sbarrier.arrive $0xFFFF  }
0x22a: {  	_ =	shalt  }

</sc_bundles>
